<compile_context>
chip_gen: v7x
topology: tpu7x:2x2x1
jax: 0.10.2.dev20260603
libtpu: 0.0.44.dev20260713+nightly
codegen_flags: <defaults>
</compile_context>

<pallas_src>
import functools

import jax
import jax.numpy as jnp
from jax import lax
from jax.experimental import pallas as pl
from jax.experimental.pallas import tpu as pltpu
from jax.experimental.pallas import tpu_sc as plsc

N = 10000
E = 320000
H = 128
HH = H // 2
EPS = 1e-6

NC = 2
NS = 16
CHUNK = 64
NBUF = 4
NPAD = 10240
ROWS_PER_SUB = NPAD // NS
CPW = 320
STG = CPW // 4
NCH = NS * CPW
EPAD = NCH * CHUNK
MSTAGE = 624


def _mm_body(x_ref, wt_ref, b_ref, o_ref):
    acc = jnp.dot(x_ref[...], wt_ref[...], preferred_element_type=jnp.float32)
    o_ref[...] = jnp.maximum(acc + b_ref[...], 0.0)


def _linear_relu(x, wt, b2):
    blk = 1000
    return pl.pallas_call(
        _mm_body,
        grid=(N // blk,),
        in_specs=[
            pl.BlockSpec((blk, H), lambda i: (i, 0)),
            pl.BlockSpec((H, H), lambda i: (0, 0)),
            pl.BlockSpec((1, H), lambda i: (0, 0)),
        ],
        out_specs=pl.BlockSpec((blk, H), lambda i: (i, 0)),
        out_shape=jax.ShapeDtypeStruct((N, H), jnp.float32),
    )(x, wt, b2)


def _sc_body(m_hbm, ei_hbm, zacc_hbm, zdeg_hbm, ones_hbm,
             agg_out, deg_out,
             row_v, col_v, b0, b1, b2, b3, ones_v, m_sp, acc_s, deg_s,
             g0, g1, g2, g3, s0, s1, s2, s3, sem_d):
    c = lax.axis_index("c")
    s = lax.axis_index("s")

    pltpu.sync_copy(ones_hbm, ones_v)

    pltpu.sync_copy(
        m_hbm.at[pl.ds(s * MSTAGE, MSTAGE), pl.ds(c * HH, HH)],
        m_sp.at[pl.ds(s * MSTAGE, MSTAGE)])

    @pl.when(s == NS - 1)
    def _():
        pltpu.sync_copy(
            m_hbm.at[pl.ds(NS * MSTAGE, N - NS * MSTAGE), pl.ds(c * HH, HH)],
            m_sp.at[pl.ds(NS * MSTAGE, N - NS * MSTAGE)])

    r0 = s * ROWS_PER_SUB
    pltpu.sync_copy(zacc_hbm, acc_s.at[pl.ds(r0, ROWS_PER_SUB)])
    pltpu.sync_copy(zdeg_hbm, deg_s.at[pl.ds(r0, ROWS_PER_SUB)])
    plsc.subcore_barrier()

    bufs = (b0, b1, b2, b3)
    gsems = (g0, g1, g2, g3)
    ssems = (s0, s1, s2, s3)

    def gather_issue(lc, t):
        pltpu.async_copy(m_sp.at[col_v.at[pl.ds(lc * CHUNK, CHUNK)]], bufs[t], gsems[t])

    def gather_wait(lc, t):
        pltpu.make_async_copy(m_sp.at[col_v.at[pl.ds(lc * CHUNK, CHUNK)]], bufs[t], gsems[t]).wait()


    def scatter_wait(lc, t):
        pltpu.make_async_copy(bufs[t], acc_s.at[row_v.at[pl.ds(lc * CHUNK, CHUNK)]],
                              ssems[t]).wait()

    for q in range(4):
        deg_core = 0 if q < 2 else 1
        base = (s * CPW + q * STG) * CHUNK
        pltpu.sync_copy(ei_hbm.at[0, pl.ds(base, STG * CHUNK)], row_v)
        pltpu.sync_copy(ei_hbm.at[1, pl.ds(base, STG * CHUNK)], col_v)

        gather_issue(0, 0)
        gather_issue(1, 1)

        def body(j, carry):
            for t in range(NBUF):
                lc = j * NBUF + t
                gather_wait(lc, t)
                pltpu.async_copy(bufs[t], acc_s.at[row_v.at[pl.ds(lc * CHUNK, CHUNK)]],
                                 ssems[t], add=True)

                @pl.when(c == deg_core)
                def _():
                    pltpu.async_copy(ones_v, deg_s.at[row_v.at[pl.ds(lc * CHUNK, CHUNK)]],
                                     sem_d, add=True)
                tp = (t + 2) % NBUF

                @pl.when(lc + 2 < STG)
                def _():
                    @pl.when(lc >= 2)
                    def _():
                        scatter_wait(lc - 2, tp)
                    gather_issue(lc + 2, tp)
            return carry

        lax.fori_loop(0, STG // NBUF, body, 0)

        for t in range(NBUF):
            scatter_wait(STG - NBUF + t, t)

        def deg_drain(i, carry):
            pltpu.make_async_copy(ones_v, deg_s.at[row_v.at[pl.ds(i * CHUNK, CHUNK)]],
                                  sem_d).wait()
            return carry

        @pl.when(c == deg_core)
        def _():
            lax.fori_loop(0, STG, deg_drain, 0)

    plsc.subcore_barrier()
    pltpu.sync_copy(acc_s.at[pl.ds(r0, ROWS_PER_SUB)],
                    agg_out.at[pl.ds(r0, ROWS_PER_SUB), pl.ds(c * HH, HH)])

    pltpu.sync_copy(deg_s.at[pl.ds(r0, ROWS_PER_SUB)],
                    deg_out.at[pl.ds(c * NPAD + r0, ROWS_PER_SUB)])


_sc_aggregate = functools.partial(
    pl.kernel,
    out_type=(
        jax.ShapeDtypeStruct((NPAD, H), jnp.float32),
        jax.ShapeDtypeStruct((NC * NPAD,), jnp.float32),
    ),
    mesh=plsc.VectorSubcoreMesh(core_axis_name="c", subcore_axis_name="s"),
    compiler_params=pltpu.CompilerParams(use_tc_tiling_on_sc=False),
    scratch_types=[
        pltpu.VMEM((STG * CHUNK,), jnp.int32),
        pltpu.VMEM((STG * CHUNK,), jnp.int32),
        pltpu.VMEM((CHUNK, HH), jnp.float32),
        pltpu.VMEM((CHUNK, HH), jnp.float32),
        pltpu.VMEM((CHUNK, HH), jnp.float32),
        pltpu.VMEM((CHUNK, HH), jnp.float32),
        pltpu.VMEM((CHUNK,), jnp.float32),
        pltpu.VMEM_SHARED((NPAD, HH), jnp.float32),
        pltpu.VMEM_SHARED((NPAD, HH), jnp.float32),
        pltpu.VMEM_SHARED((NPAD,), jnp.float32),
        pltpu.SemaphoreType.DMA,
        pltpu.SemaphoreType.DMA,
        pltpu.SemaphoreType.DMA,
        pltpu.SemaphoreType.DMA,
        pltpu.SemaphoreType.DMA,
        pltpu.SemaphoreType.DMA,
        pltpu.SemaphoreType.DMA,
        pltpu.SemaphoreType.DMA,
        pltpu.SemaphoreType.DMA,
    ],
)(_sc_body)


def _fin_body(x_ref, a_ref, d_ref, g_ref, beta_ref, o_ref):
    agg = a_ref[...]
    deg = d_ref[...]
    msg = agg / jnp.where(deg == 0.0, 1.0, deg)
    h = x_ref[...] + msg
    rms = jnp.sqrt(jnp.mean(h * h, axis=1, keepdims=True) + EPS)
    o_ref[...] = (h / rms) * g_ref[...] + beta_ref[...]


def _finalize(x, a, d, g2, beta2):
    blk = 1000
    return pl.pallas_call(
        _fin_body,
        grid=(N // blk,),
        in_specs=[
            pl.BlockSpec((blk, H), lambda i: (i, 0)),
            pl.BlockSpec((blk, H), lambda i: (i, 0)),
            pl.BlockSpec((blk, 1), lambda i: (i, 0)),
            pl.BlockSpec((1, H), lambda i: (0, 0)),
            pl.BlockSpec((1, H), lambda i: (0, 0)),
        ],
        out_specs=pl.BlockSpec((blk, H), lambda i: (i, 0)),
        out_shape=jax.ShapeDtypeStruct((N, H), jnp.float32),
    )(x, a, d, g2, beta2)


def kernel(x, edge_index, W, b, g, beta):
    m2 = _linear_relu(x, W.T, b.reshape(1, H))

    npad_e = EPAD - E
    pad2 = jnp.stack([jnp.full((npad_e,), N, dtype=jnp.int32),
                      jnp.zeros((npad_e,), dtype=jnp.int32)])
    ei_p = jnp.concatenate([edge_index, pad2], axis=1)

    zacc = jnp.zeros((ROWS_PER_SUB, HH), dtype=jnp.float32)
    zdeg = jnp.zeros((ROWS_PER_SUB,), dtype=jnp.float32)
    ones = jnp.ones((CHUNK,), dtype=jnp.float32)

    agg2, deg = _sc_aggregate(m2, ei_p, zacc, zdeg, ones)

    d = (deg[:NPAD] + deg[NPAD:]).reshape(NPAD, 1)

    return _finalize(x, agg2, d, g.reshape(1, H), beta.reshape(1, H))

# --- scband reference (transcript-rebuilt; emitter-appended) ---
"""Pipeline reference for scband-gconv-layer-59330678227073 (READ-ONLY COPY).

The authoritative reference and input builder live on the scoring server;
editing this copy changes nothing except your own understanding.
"""

import jax, jax.numpy as jnp
import numpy as np

N_NODES = 10000
N_EDGES = 320000
HIDDEN = 128
EPS = 1e-6


def setup_inputs(seed: int = 0) -> dict:
    key = jax.random.key(seed)
    k1, k2, k3, k4 = jax.random.split(key, 4)
    x = jax.random.normal(k1, (N_NODES, HIDDEN), dtype=jnp.float32)
    # adjacency as COO edge list: row = dst (first BCOO index), col = src
    edge_index = jax.random.randint(k2, (2, N_EDGES), 0, N_NODES, dtype=jnp.int32)
    # equinox nn.Linear init: U(-1/sqrt(in), 1/sqrt(in)) for weight [out,in] and bias [out]
    lim = 1.0 / np.sqrt(HIDDEN)
    W = jax.random.uniform(k3, (HIDDEN, HIDDEN), minval=-lim, maxval=lim, dtype=jnp.float32)
    b = jax.random.uniform(k4, (HIDDEN,), minval=-lim, maxval=lim, dtype=jnp.float32)
    # equinox nn.RMSNorm(hidden_dim): weight=ones, bias=zeros
    g = jnp.ones((HIDDEN,), dtype=jnp.float32)
    beta = jnp.zeros((HIDDEN,), dtype=jnp.float32)
    return {"x": x, "edge_index": edge_index, "W": W, "b": b, "g": g, "beta": beta}


def reference(x, edge_index, W, b, g, beta):
    # m = relu(vmap(linear)(x))
    m = jax.nn.relu(x @ W.T + b)
    row = edge_index[0]  # dst (BCOO row index)
    col = edge_index[1]  # src (BCOO col index)
    # a @ m  (BCOO with data=1): scatter-add of m[src] into dst rows
    agg = jax.ops.segment_sum(jnp.take(m, col, axis=0), row, num_segments=N_NODES)
    # d = sum(a, axis=1, keepdims=True): row-degree
    deg = jax.ops.segment_sum(jnp.ones((N_EDGES,), dtype=x.dtype), row, num_segments=N_NODES)[:, None]
    msg = agg / jnp.where(deg == 0, 1.0, deg)
    h = x + msg
    # RMSNorm with weight and bias (equinox defaults), eps=1e-6
    rms = jnp.sqrt(jnp.mean(h * h, axis=-1, keepdims=True) + EPS)
    return (h / rms) * g + beta

if __name__ == "__main__":
    import jax
    _d = setup_inputs()
    print(jax.jit(kernel)(*tuple(_d.values())))

</pallas_src>

<mosaic_0001>
#map = affine_map<(d0, d1) -> (0, 0)>
#map1 = affine_map<(d0, d1) -> (0)>
module attributes {stable_mosaic.version = 14 : i64} {
  func.func @_sc_body(%arg0: i32, %arg1: i32, %arg2: memref<10000x128xf32, #tpu.memory_space<hbm>>, %arg3: memref<2x327680xi32, #tpu.memory_space<hbm>>, %arg4: memref<640x64xf32, #tpu.memory_space<hbm>>, %arg5: memref<640xf32, #tpu.memory_space<hbm>>, %arg6: memref<64xf32, #tpu.memory_space<hbm>>, %arg7: memref<10240x128xf32, #tpu.memory_space<hbm>>, %arg8: memref<20480xf32, #tpu.memory_space<hbm>>, %arg9: memref<5120xi32, #tpu.memory_space<vmem>>, %arg10: memref<5120xi32, #tpu.memory_space<vmem>>, %arg11: memref<64x64xf32, #tpu.memory_space<vmem>>, %arg12: memref<64x64xf32, #tpu.memory_space<vmem>>, %arg13: memref<64x64xf32, #tpu.memory_space<vmem>>, %arg14: memref<64x64xf32, #tpu.memory_space<vmem>>, %arg15: memref<64xf32, #tpu.memory_space<vmem>>, %arg16: memref<10240x64xf32, #tpu.memory_space<vmem_shared>>, %arg17: memref<10240x64xf32, #tpu.memory_space<vmem_shared>>, %arg18: memref<10240xf32, #tpu.memory_space<vmem_shared>>, %arg19: memref<!tpu.dma_semaphore, #tpu.memory_space<semaphore_mem>>, %arg20: memref<!tpu.dma_semaphore, #tpu.memory_space<semaphore_mem>>, %arg21: memref<!tpu.dma_semaphore, #tpu.memory_space<semaphore_mem>>, %arg22: memref<!tpu.dma_semaphore, #tpu.memory_space<semaphore_mem>>, %arg23: memref<!tpu.dma_semaphore, #tpu.memory_space<semaphore_mem>>, %arg24: memref<!tpu.dma_semaphore, #tpu.memory_space<semaphore_mem>>, %arg25: memref<!tpu.dma_semaphore, #tpu.memory_space<semaphore_mem>>, %arg26: memref<!tpu.dma_semaphore, #tpu.memory_space<semaphore_mem>>, %arg27: memref<!tpu.dma_semaphore, #tpu.memory_space<semaphore_mem>>) attributes {dimension_semantics = [#tpu.dimension_semantics<core_parallel>, #tpu.dimension_semantics<subcore_parallel>], iteration_bounds = array<i64: 2, 16>, scalar_prefetch = 0 : i64, scratch_operands = 19 : i64, tpu.core_type = #tpu.core_type<sc_vector_subcore>, window_params = [{transform_indices = #map}, {transform_indices = #map}, {transform_indices = #map}, {transform_indices = #map1}, {transform_indices = #map1}, {transform_indices = #map}, {transform_indices = #map1}]} {
    "tpu.region"() ({
      %run_scoped3A_206 = tpu.sem_alloc : memref<!tpu.dma_semaphore, #tpu.memory_space<semaphore_mem>>
      tpu.enqueue_dma source(%arg6 : memref<64xf32, #tpu.memory_space<hbm>>) target(%arg15 : memref<64xf32, #tpu.memory_space<vmem>>) target_semaphore(%run_scoped3A_206 : memref<!tpu.dma_semaphore, #tpu.memory_space<semaphore_mem>>)
      tpu.wait_dma2 semaphore(%run_scoped3A_206 : memref<!tpu.dma_semaphore, #tpu.memory_space<semaphore_mem>>) src(%arg6 : memref<64xf32, #tpu.memory_space<hbm>>) dst(%arg15 : memref<64xf32, #tpu.memory_space<vmem>>)
      tpu.yield
    }) : () -> ()
    %mul3A = arith.constant 624 : i32
    %mul3A_0 = arith.muli %arg1, %mul3A : i32
    %mul3A_1 = arith.constant 64 : i32
    %mul3A_2 = arith.muli %arg0, %mul3A_1 : i32
    %mul3A_3 = arith.constant 624 : i32
    %mul3A_4 = arith.muli %arg1, %mul3A_3 : i32
    "tpu.region"() ({
      %run_scoped3A_206 = tpu.sem_alloc : memref<!tpu.dma_semaphore, #tpu.memory_space<semaphore_mem>>
      %dma_start3A_207 = arith.constant 0 : i32
      %dma_start3A_208 = tpu.memref_slice %arg16[%mul3A_4, %dma_start3A_207] : memref<10240x64xf32, #tpu.memory_space<vmem_shared>> -> memref<624x64xf32, #tpu.memory_space<vmem_shared>>
      %dma_start3A_209 = tpu.memref_slice %arg2[%mul3A_0, %mul3A_2] : memref<10000x128xf32, #tpu.memory_space<hbm>> -> memref<624x64xf32, #tpu.memory_space<hbm>>
      tpu.enqueue_dma source(%dma_start3A_209 : memref<624x64xf32, #tpu.memory_space<hbm>>) target(%dma_start3A_208 : memref<624x64xf32, #tpu.memory_space<vmem_shared>>) target_semaphore(%run_scoped3A_206 : memref<!tpu.dma_semaphore, #tpu.memory_space<semaphore_mem>>)
      %dma_wait3A_210 = arith.constant 0 : i32
      %dma_wait3A_211 = tpu.memref_slice %arg16[%mul3A_4, %dma_wait3A_210] : memref<10240x64xf32, #tpu.memory_space<vmem_shared>> -> memref<624x64xf32, #tpu.memory_space<vmem_shared>>
      %dma_wait3A_212 = tpu.memref_slice %arg2[%mul3A_0, %mul3A_2] : memref<10000x128xf32, #tpu.memory_space<hbm>> -> memref<624x64xf32, #tpu.memory_space<hbm>>
      tpu.wait_dma2 semaphore(%run_scoped3A_206 : memref<!tpu.dma_semaphore, #tpu.memory_space<semaphore_mem>>) src(%dma_wait3A_212 : memref<624x64xf32, #tpu.memory_space<hbm>>) dst(%dma_wait3A_211 : memref<624x64xf32, #tpu.memory_space<vmem_shared>>)
      tpu.yield
    }) : () -> ()
    %eq3A = arith.constant 15 : i32
    %eq3A_5 = arith.cmpi eq, %arg1, %eq3A : i32
    %convert_element_type3A = arith.extui %eq3A_5 : i1 to i32
    %cond3A = arith.constant 0 : i32
    %cond3A_6 = arith.cmpi ne, %convert_element_type3A, %cond3A : i32
    scf.if %cond3A_6 {
      %mul3A_206 = arith.constant 64 : i32
      %mul3A_207 = arith.muli %arg0, %mul3A_206 : i32
      "tpu.region"() ({
        %run_scoped3A_208 = tpu.sem_alloc : memref<!tpu.dma_semaphore, #tpu.memory_space<semaphore_mem>>
        %dma_start3A_209 = arith.constant 9984 : i32
        %dma_start3A_210 = arith.constant 0 : i32
        %dma_start3A_211 = tpu.memref_slice %arg16[%dma_start3A_209, %dma_start3A_210] : memref<10240x64xf32, #tpu.memory_space<vmem_shared>> -> memref<16x64xf32, #tpu.memory_space<vmem_shared>>
        %dma_start3A_212 = arith.constant 9984 : i32
        %dma_start3A_213 = tpu.memref_slice %arg2[%dma_start3A_212, %mul3A_207] : memref<10000x128xf32, #tpu.memory_space<hbm>> -> memref<16x64xf32, #tpu.memory_space<hbm>>
        tpu.enqueue_dma source(%dma_start3A_213 : memref<16x64xf32, #tpu.memory_space<hbm>>) target(%dma_start3A_211 : memref<16x64xf32, #tpu.memory_space<vmem_shared>>) target_semaphore(%run_scoped3A_208 : memref<!tpu.dma_semaphore, #tpu.memory_space<semaphore_mem>>)
        %dma_wait3A_214 = arith.constant 9984 : i32
        %dma_wait3A_215 = arith.constant 0 : i32
        %dma_wait3A_216 = tpu.memref_slice %arg16[%dma_wait3A_214, %dma_wait3A_215] : memref<10240x64xf32, #tpu.memory_space<vmem_shared>> -> memref<16x64xf32, #tpu.memory_space<vmem_shared>>
        %dma_wait3A_217 = arith.constant 9984 : i32
        %dma_wait3A_218 = tpu.memref_slice %arg2[%dma_wait3A_217, %mul3A_207] : memref<10000x128xf32, #tpu.memory_space<hbm>> -> memref<16x64xf32, #tpu.memory_space<hbm>>
        tpu.wait_dma2 semaphore(%run_scoped3A_208 : memref<!tpu.dma_semaphore, #tpu.memory_space<semaphore_mem>>) src(%dma_wait3A_218 : memref<16x64xf32, #tpu.memory_space<hbm>>) dst(%dma_wait3A_216 : memref<16x64xf32, #tpu.memory_space<vmem_shared>>)
        tpu.yield
      }) : () -> ()
    } else {
    }
    %mul3A_7 = arith.constant 640 : i32
    %mul3A_8 = arith.muli %arg1, %mul3A_7 : i32
    "tpu.region"() ({
      %run_scoped3A_206 = tpu.sem_alloc : memref<!tpu.dma_semaphore, #tpu.memory_space<semaphore_mem>>
      %dma_start3A_207 = arith.constant 0 : i32
      %dma_start3A_208 = tpu.memref_slice %arg17[%mul3A_8, %dma_start3A_207] : memref<10240x64xf32, #tpu.memory_space<vmem_shared>> -> memref<640x64xf32, #tpu.memory_space<vmem_shared>>
      tpu.enqueue_dma source(%arg4 : memref<640x64xf32, #tpu.memory_space<hbm>>) target(%dma_start3A_208 : memref<640x64xf32, #tpu.memory_space<vmem_shared>>) target_semaphore(%run_scoped3A_206 : memref<!tpu.dma_semaphore, #tpu.memory_space<semaphore_mem>>)
      %dma_wait3A_209 = arith.constant 0 : i32
      %dma_wait3A_210 = tpu.memref_slice %arg17[%mul3A_8, %dma_wait3A_209] : memref<10240x64xf32, #tpu.memory_space<vmem_shared>> -> memref<640x64xf32, #tpu.memory_space<vmem_shared>>
      tpu.wait_dma2 semaphore(%run_scoped3A_206 : memref<!tpu.dma_semaphore, #tpu.memory_space<semaphore_mem>>) src(%arg4 : memref<640x64xf32, #tpu.memory_space<hbm>>) dst(%dma_wait3A_210 : memref<640x64xf32, #tpu.memory_space<vmem_shared>>)
      tpu.yield
    }) : () -> ()
    "tpu.region"() ({
      %run_scoped3A_206 = tpu.sem_alloc : memref<!tpu.dma_semaphore, #tpu.memory_space<semaphore_mem>>
      %dma_start3A_207 = tpu.memref_slice %arg18[%mul3A_8] : memref<10240xf32, #tpu.memory_space<vmem_shared>> -> memref<640xf32, #tpu.memory_space<vmem_shared>>
      tpu.enqueue_dma source(%arg5 : memref<640xf32, #tpu.memory_space<hbm>>) target(%dma_start3A_207 : memref<640xf32, #tpu.memory_space<vmem_shared>>) target_semaphore(%run_scoped3A_206 : memref<!tpu.dma_semaphore, #tpu.memory_space<semaphore_mem>>)
      %dma_wait3A_208 = tpu.memref_slice %arg18[%mul3A_8] : memref<10240xf32, #tpu.memory_space<vmem_shared>> -> memref<640xf32, #tpu.memory_space<vmem_shared>>
      tpu.wait_dma2 semaphore(%run_scoped3A_206 : memref<!tpu.dma_semaphore, #tpu.memory_space<semaphore_mem>>) src(%arg5 : memref<640xf32, #tpu.memory_space<hbm>>) dst(%dma_wait3A_208 : memref<640xf32, #tpu.memory_space<vmem_shared>>)
      tpu.yield
    }) : () -> ()
    %barrier3A = arith.constant 0 : index
    tpu.barrier barrier_id(%barrier3A)
    %mul3A_9 = arith.constant 320 : i32
    %mul3A_10 = arith.muli %arg1, %mul3A_9 : i32
    %add3A = arith.constant 0 : i32
    %add3A_11 = arith.addi %mul3A_10, %add3A : i32
    %mul3A_12 = arith.constant 64 : i32
    %mul3A_13 = arith.muli %add3A_11, %mul3A_12 : i32
    %run_scoped3A = arith.constant 0 : i32
    "tpu.region"() ({
      %run_scoped3A_206 = tpu.sem_alloc : memref<!tpu.dma_semaphore, #tpu.memory_space<semaphore_mem>>
      %dma_start3A_207 = tpu.memref_slice %arg3[%run_scoped3A, %mul3A_13] : memref<2x327680xi32, #tpu.memory_space<hbm>> -> memref<1x5120xi32, #tpu.memory_space<hbm>>
      %dma_start3A_208 = tpu.memref_squeeze %dma_start3A_207 : memref<1x5120xi32, #tpu.memory_space<hbm>> -> memref<5120xi32, #tpu.memory_space<hbm>>
      %dma_start3A_209 = tpu.memref_slice %arg3[%run_scoped3A, %mul3A_13] : memref<2x327680xi32, #tpu.memory_space<hbm>> -> memref<1x5120xi32, #tpu.memory_space<hbm>>
      %dma_start3A_210 = tpu.memref_squeeze %dma_start3A_209 : memref<1x5120xi32, #tpu.memory_space<hbm>> -> memref<5120xi32, #tpu.memory_space<hbm>>
      tpu.enqueue_dma source(%dma_start3A_210 : memref<5120xi32, #tpu.memory_space<hbm>>) target(%arg9 : memref<5120xi32, #tpu.memory_space<vmem>>) target_semaphore(%run_scoped3A_206 : memref<!tpu.dma_semaphore, #tpu.memory_space<semaphore_mem>>)
      %dma_wait3A_211 = tpu.memref_slice %arg3[%run_scoped3A, %mul3A_13] : memref<2x327680xi32, #tpu.memory_space<hbm>> -> memref<1x5120xi32, #tpu.memory_space<hbm>>
      %dma_wait3A_212 = tpu.memref_squeeze %dma_wait3A_211 : memref<1x5120xi32, #tpu.memory_space<hbm>> -> memref<5120xi32, #tpu.memory_space<hbm>>
      %dma_wait3A_213 = tpu.memref_slice %arg3[%run_scoped3A, %mul3A_13] : memref<2x327680xi32, #tpu.memory_space<hbm>> -> memref<1x5120xi32, #tpu.memory_space<hbm>>
      %dma_wait3A_214 = tpu.memref_squeeze %dma_wait3A_213 : memref<1x5120xi32, #tpu.memory_space<hbm>> -> memref<5120xi32, #tpu.memory_space<hbm>>
      tpu.wait_dma2 semaphore(%run_scoped3A_206 : memref<!tpu.dma_semaphore, #tpu.memory_space<semaphore_mem>>) src(%dma_wait3A_214 : memref<5120xi32, #tpu.memory_space<hbm>>) dst(%arg9 : memref<5120xi32, #tpu.memory_space<vmem>>)
      tpu.yield
    }) : () -> ()
    %run_scoped3A_14 = arith.constant 1 : i32
    "tpu.region"() ({
      %run_scoped3A_206 = tpu.sem_alloc : memref<!tpu.dma_semaphore, #tpu.memory_space<semaphore_mem>>
      %dma_start3A_207 = tpu.memref_slice %arg3[%run_scoped3A_14, %mul3A_13] : memref<2x327680xi32, #tpu.memory_space<hbm>> -> memref<1x5120xi32, #tpu.memory_space<hbm>>
      %dma_start3A_208 = tpu.memref_squeeze %dma_start3A_207 : memref<1x5120xi32, #tpu.memory_space<hbm>> -> memref<5120xi32, #tpu.memory_space<hbm>>
      %dma_start3A_209 = tpu.memref_slice %arg3[%run_scoped3A_14, %mul3A_13] : memref<2x327680xi32, #tpu.memory_space<hbm>> -> memref<1x5120xi32, #tpu.memory_space<hbm>>
      %dma_start3A_210 = tpu.memref_squeeze %dma_start3A_209 : memref<1x5120xi32, #tpu.memory_space<hbm>> -> memref<5120xi32, #tpu.memory_space<hbm>>
      tpu.enqueue_dma source(%dma_start3A_210 : memref<5120xi32, #tpu.memory_space<hbm>>) target(%arg10 : memref<5120xi32, #tpu.memory_space<vmem>>) target_semaphore(%run_scoped3A_206 : memref<!tpu.dma_semaphore, #tpu.memory_space<semaphore_mem>>)
      %dma_wait3A_211 = tpu.memref_slice %arg3[%run_scoped3A_14, %mul3A_13] : memref<2x327680xi32, #tpu.memory_space<hbm>> -> memref<1x5120xi32, #tpu.memory_space<hbm>>
      %dma_wait3A_212 = tpu.memref_squeeze %dma_wait3A_211 : memref<1x5120xi32, #tpu.memory_space<hbm>> -> memref<5120xi32, #tpu.memory_space<hbm>>
      %dma_wait3A_213 = tpu.memref_slice %arg3[%run_scoped3A_14, %mul3A_13] : memref<2x327680xi32, #tpu.memory_space<hbm>> -> memref<1x5120xi32, #tpu.memory_space<hbm>>
      %dma_wait3A_214 = tpu.memref_squeeze %dma_wait3A_213 : memref<1x5120xi32, #tpu.memory_space<hbm>> -> memref<5120xi32, #tpu.memory_space<hbm>>
      tpu.wait_dma2 semaphore(%run_scoped3A_206 : memref<!tpu.dma_semaphore, #tpu.memory_space<semaphore_mem>>) src(%dma_wait3A_214 : memref<5120xi32, #tpu.memory_space<hbm>>) dst(%arg10 : memref<5120xi32, #tpu.memory_space<vmem>>)
      tpu.yield
    }) : () -> ()
    %dma_start3A = arith.constant 0 : i32
    %dma_start3A_15 = tpu.memref_slice %arg10[%dma_start3A] : memref<5120xi32, #tpu.memory_space<vmem>> -> memref<64xi32, #tpu.memory_space<vmem>>
    %dma_start3A_16 = arith.constant 0 : i32
    %dma_start3A_17 = arith.constant 0 : i32
    %dma_start3A_18 = tpu.memref_slice %arg16[%dma_start3A_16, %dma_start3A_17] : memref<10240x64xf32, #tpu.memory_space<vmem_shared>> -> memref<10240x64xf32, #tpu.memory_space<vmem_shared>>
    tpu.enqueue_indirect_dma source(%dma_start3A_18 : memref<10240x64xf32, #tpu.memory_space<vmem_shared>>) target(%arg11 : memref<64x64xf32, #tpu.memory_space<vmem>>) offsets(%dma_start3A_15 : memref<64xi32, #tpu.memory_space<vmem>>) semaphore(%arg19 : memref<!tpu.dma_semaphore, #tpu.memory_space<semaphore_mem>>)
    %dma_start3A_19 = arith.constant 64 : i32
    %dma_start3A_20 = tpu.memref_slice %arg10[%dma_start3A_19] : memref<5120xi32, #tpu.memory_space<vmem>> -> memref<64xi32, #tpu.memory_space<vmem>>
    %dma_start3A_21 = arith.constant 0 : i32
    %dma_start3A_22 = arith.constant 0 : i32
    %dma_start3A_23 = tpu.memref_slice %arg16[%dma_start3A_21, %dma_start3A_22] : memref<10240x64xf32, #tpu.memory_space<vmem_shared>> -> memref<10240x64xf32, #tpu.memory_space<vmem_shared>>
    tpu.enqueue_indirect_dma source(%dma_start3A_23 : memref<10240x64xf32, #tpu.memory_space<vmem_shared>>) target(%arg12 : memref<64x64xf32, #tpu.memory_space<vmem>>) offsets(%dma_start3A_20 : memref<64xi32, #tpu.memory_space<vmem>>) semaphore(%arg20 : memref<!tpu.dma_semaphore, #tpu.memory_space<semaphore_mem>>)
    %scan3A = arith.constant 0 : i32
    %scan3A_24 = arith.constant 0 : i32
    %scan3A_25 = arith.constant 20 : i32
    %scan3A_26 = arith.addi %scan3A_24, %scan3A_25 : i32
    %scan3A_27 = arith.constant 1 : i32
    scf.for %scan3A_206 = %scan3A_24 to %scan3A_26 step %scan3A_27  : i32 {
      %mul3A_207 = arith.constant 4 : i32
      %mul3A_208 = arith.muli %scan3A_206, %mul3A_207 : i32
      %add3A_209 = arith.constant 0 : i32
      %add3A_210 = arith.addi %mul3A_208, %add3A_209 : i32
      %mul3A_211 = arith.constant 64 : i32
      %mul3A_212 = arith.muli %add3A_210, %mul3A_211 : i32
      %dma_wait3A_213 = tpu.memref_slice %arg10[%mul3A_212] : memref<5120xi32, #tpu.memory_space<vmem>> -> memref<64xi32, #tpu.memory_space<vmem>>
      %dma_wait3A_214 = arith.constant 0 : i32
      %dma_wait3A_215 = arith.constant 0 : i32
      %dma_wait3A_216 = tpu.memref_slice %arg16[%dma_wait3A_214, %dma_wait3A_215] : memref<10240x64xf32, #tpu.memory_space<vmem_shared>> -> memref<10240x64xf32, #tpu.memory_space<vmem_shared>>
      tpu.wait_indirect_dma semaphore(%arg19 : memref<!tpu.dma_semaphore, #tpu.memory_space<semaphore_mem>>) src(%dma_wait3A_216 : memref<10240x64xf32, #tpu.memory_space<vmem_shared>>) dst(%arg11 : memref<64x64xf32, #tpu.memory_space<vmem>>)
      %mul3A_217 = arith.constant 64 : i32
      %mul3A_218 = arith.muli %add3A_210, %mul3A_217 : i32
      %dma_start3A_219 = tpu.memref_slice %arg9[%mul3A_218] : memref<5120xi32, #tpu.memory_space<vmem>> -> memref<64xi32, #tpu.memory_space<vmem>>
      %dma_start3A_220 = arith.constant 0 : i32
      %dma_start3A_221 = arith.constant 0 : i32
      %dma_start3A_222 = tpu.memref_slice %arg17[%dma_start3A_220, %dma_start3A_221] : memref<10240x64xf32, #tpu.memory_space<vmem_shared>> -> memref<10240x64xf32, #tpu.memory_space<vmem_shared>>
      tpu.enqueue_indirect_dma source(%arg11 : memref<64x64xf32, #tpu.memory_space<vmem>>) target(%dma_start3A_222 : memref<10240x64xf32, #tpu.memory_space<vmem_shared>>) offsets(%dma_start3A_219 : memref<64xi32, #tpu.memory_space<vmem>>) semaphore(%arg23 : memref<!tpu.dma_semaphore, #tpu.memory_space<semaphore_mem>>) {add = true}
      %eq3A_223 = arith.constant 0 : i32
      %eq3A_224 = arith.cmpi eq, %arg0, %eq3A_223 : i32
      %convert_element_type3A_225 = arith.extui %eq3A_224 : i1 to i32
      %cond3A_226 = arith.constant 0 : i32
      %cond3A_227 = arith.cmpi ne, %convert_element_type3A_225, %cond3A_226 : i32
      scf.if %cond3A_227 {
        %mul3A_318 = arith.constant 64 : i32
        %mul3A_319 = arith.muli %add3A_210, %mul3A_318 : i32
        %dma_start3A_320 = tpu.memref_slice %arg9[%mul3A_319] : memref<5120xi32, #tpu.memory_space<vmem>> -> memref<64xi32, #tpu.memory_space<vmem>>
        %dma_start3A_321 = arith.constant 0 : i32
        %dma_start3A_322 = tpu.memref_slice %arg18[%dma_start3A_321] : memref<10240xf32, #tpu.memory_space<vmem_shared>> -> memref<10240xf32, #tpu.memory_space<vmem_shared>>
        tpu.enqueue_indirect_dma source(%arg15 : memref<64xf32, #tpu.memory_space<vmem>>) target(%dma_start3A_322 : memref<10240xf32, #tpu.memory_space<vmem_shared>>) offsets(%dma_start3A_320 : memref<64xi32, #tpu.memory_space<vmem>>) semaphore(%arg27 : memref<!tpu.dma_semaphore, #tpu.memory_space<semaphore_mem>>) {add = true}
      } else {
      }
      %add3A_228 = arith.constant 2 : i32
      %add3A_229 = arith.addi %add3A_210, %add3A_228 : i32
      %lt3A = arith.constant 80 : i32
      %lt3A_230 = arith.cmpi slt, %add3A_229, %lt3A : i32
      %convert_element_type3A_231 = arith.extui %lt3A_230 : i1 to i32
      %cond3A_232 = arith.constant 0 : i32
      %cond3A_233 = arith.cmpi ne, %convert_element_type3A_231, %cond3A_232 : i32
      scf.if %cond3A_233 {
        %ge3A = arith.constant 2 : i32
        %ge3A_318 = arith.cmpi sge, %add3A_210, %ge3A : i32
        %convert_element_type3A_319 = arith.extui %ge3A_318 : i1 to i32
        %cond3A_320 = arith.constant 0 : i32
        %cond3A_321 = arith.cmpi ne, %convert_element_type3A_319, %cond3A_320 : i32
        scf.if %cond3A_321 {
          %sub3A = arith.constant 2 : i32
          %sub3A_330 = arith.subi %add3A_210, %sub3A : i32
          %mul3A_331 = arith.constant 64 : i32
          %mul3A_332 = arith.muli %sub3A_330, %mul3A_331 : i32
          %dma_wait3A_333 = tpu.memref_slice %arg9[%mul3A_332] : memref<5120xi32, #tpu.memory_space<vmem>> -> memref<64xi32, #tpu.memory_space<vmem>>
          %dma_wait3A_334 = arith.constant 0 : i32
          %dma_wait3A_335 = arith.constant 0 : i32
          %dma_wait3A_336 = tpu.memref_slice %arg17[%dma_wait3A_334, %dma_wait3A_335] : memref<10240x64xf32, #tpu.memory_space<vmem_shared>> -> memref<10240x64xf32, #tpu.memory_space<vmem_shared>>
          tpu.wait_indirect_dma semaphore(%arg25 : memref<!tpu.dma_semaphore, #tpu.memory_space<semaphore_mem>>) src(%arg13 : memref<64x64xf32, #tpu.memory_space<vmem>>) dst(%dma_wait3A_336 : memref<10240x64xf32, #tpu.memory_space<vmem_shared>>)
        } else {
        }
        %add3A_322 = arith.constant 2 : i32
        %add3A_323 = arith.addi %add3A_210, %add3A_322 : i32
        %mul3A_324 = arith.constant 64 : i32
        %mul3A_325 = arith.muli %add3A_323, %mul3A_324 : i32
        %dma_start3A_326 = tpu.memref_slice %arg10[%mul3A_325] : memref<5120xi32, #tpu.memory_space<vmem>> -> memref<64xi32, #tpu.memory_space<vmem>>
        %dma_start3A_327 = arith.constant 0 : i32
        %dma_start3A_328 = arith.constant 0 : i32
        %dma_start3A_329 = tpu.memref_slice %arg16[%dma_start3A_327, %dma_start3A_328] : memref<10240x64xf32, #tpu.memory_space<vmem_shared>> -> memref<10240x64xf32, #tpu.memory_space<vmem_shared>>
        tpu.enqueue_indirect_dma source(%dma_start3A_329 : memref<10240x64xf32, #tpu.memory_space<vmem_shared>>) target(%arg13 : memref<64x64xf32, #tpu.memory_space<vmem>>) offsets(%dma_start3A_326 : memref<64xi32, #tpu.memory_space<vmem>>) semaphore(%arg21 : memref<!tpu.dma_semaphore, #tpu.memory_space<semaphore_mem>>)
      } else {
      }
      %mul3A_234 = arith.constant 4 : i32
      %mul3A_235 = arith.muli %scan3A_206, %mul3A_234 : i32
      %add3A_236 = arith.constant 1 : i32
      %add3A_237 = arith.addi %mul3A_235, %add3A_236 : i32
      %mul3A_238 = arith.constant 64 : i32
      %mul3A_239 = arith.muli %add3A_237, %mul3A_238 : i32
      %dma_wait3A_240 = tpu.memref_slice %arg10[%mul3A_239] : memref<5120xi32, #tpu.memory_space<vmem>> -> memref<64xi32, #tpu.memory_space<vmem>>
      %dma_wait3A_241 = arith.constant 0 : i32
      %dma_wait3A_242 = arith.constant 0 : i32
      %dma_wait3A_243 = tpu.memref_slice %arg16[%dma_wait3A_241, %dma_wait3A_242] : memref<10240x64xf32, #tpu.memory_space<vmem_shared>> -> memref<10240x64xf32, #tpu.memory_space<vmem_shared>>
      tpu.wait_indirect_dma semaphore(%arg20 : memref<!tpu.dma_semaphore, #tpu.memory_space<semaphore_mem>>) src(%dma_wait3A_243 : memref<10240x64xf32, #tpu.memory_space<vmem_shared>>) dst(%arg12 : memref<64x64xf32, #tpu.memory_space<vmem>>)
      %mul3A_244 = arith.constant 64 : i32
      %mul3A_245 = arith.muli %add3A_237, %mul3A_244 : i32
      %dma_start3A_246 = tpu.memref_slice %arg9[%mul3A_245] : memref<5120xi32, #tpu.memory_space<vmem>> -> memref<64xi32, #tpu.memory_space<vmem>>
      %dma_start3A_247 = arith.constant 0 : i32
      %dma_start3A_248 = arith.constant 0 : i32
      %dma_start3A_249 = tpu.memref_slice %arg17[%dma_start3A_247, %dma_start3A_248] : memref<10240x64xf32, #tpu.memory_space<vmem_shared>> -> memref<10240x64xf32, #tpu.memory_space<vmem_shared>>
      tpu.enqueue_indirect_dma source(%arg12 : memref<64x64xf32, #tpu.memory_space<vmem>>) target(%dma_start3A_249 : memref<10240x64xf32, #tpu.memory_space<vmem_shared>>) offsets(%dma_start3A_246 : memref<64xi32, #tpu.memory_space<vmem>>) semaphore(%arg24 : memref<!tpu.dma_semaphore, #tpu.memory_space<semaphore_mem>>) {add = true}
      %eq3A_250 = arith.constant 0 : i32
      %eq3A_251 = arith.cmpi eq, %arg0, %eq3A_250 : i32
      %convert_element_type3A_252 = arith.extui %eq3A_251 : i1 to i32
      %cond3A_253 = arith.constant 0 : i32
      %cond3A_254 = arith.cmpi ne, %convert_element_type3A_252, %cond3A_253 : i32
      scf.if %cond3A_254 {
        %mul3A_318 = arith.constant 64 : i32
        %mul3A_319 = arith.muli %add3A_237, %mul3A_318 : i32
        %dma_start3A_320 = tpu.memref_slice %arg9[%mul3A_319] : memref<5120xi32, #tpu.memory_space<vmem>> -> memref<64xi32, #tpu.memory_space<vmem>>
        %dma_start3A_321 = arith.constant 0 : i32
        %dma_start3A_322 = tpu.memref_slice %arg18[%dma_start3A_321] : memref<10240xf32, #tpu.memory_space<vmem_shared>> -> memref<10240xf32, #tpu.memory_space<vmem_shared>>
        tpu.enqueue_indirect_dma source(%arg15 : memref<64xf32, #tpu.memory_space<vmem>>) target(%dma_start3A_322 : memref<10240xf32, #tpu.memory_space<vmem_shared>>) offsets(%dma_start3A_320 : memref<64xi32, #tpu.memory_space<vmem>>) semaphore(%arg27 : memref<!tpu.dma_semaphore, #tpu.memory_space<semaphore_mem>>) {add = true}
      } else {
      }
      %add3A_255 = arith.constant 2 : i32
      %add3A_256 = arith.addi %add3A_237, %add3A_255 : i32
      %lt3A_257 = arith.constant 80 : i32
      %lt3A_258 = arith.cmpi slt, %add3A_256, %lt3A_257 : i32
      %convert_element_type3A_259 = arith.extui %lt3A_258 : i1 to i32
      %cond3A_260 = arith.constant 0 : i32
      %cond3A_261 = arith.cmpi ne, %convert_element_type3A_259, %cond3A_260 : i32
      scf.if %cond3A_261 {
        %ge3A = arith.constant 2 : i32
        %ge3A_318 = arith.cmpi sge, %add3A_237, %ge3A : i32
        %convert_element_type3A_319 = arith.extui %ge3A_318 : i1 to i32
        %cond3A_320 = arith.constant 0 : i32
        %cond3A_321 = arith.cmpi ne, %convert_element_type3A_319, %cond3A_320 : i32
        scf.if %cond3A_321 {
          %sub3A = arith.constant 2 : i32
          %sub3A_330 = arith.subi %add3A_237, %sub3A : i32
          %mul3A_331 = arith.constant 64 : i32
          %mul3A_332 = arith.muli %sub3A_330, %mul3A_331 : i32
          %dma_wait3A_333 = tpu.memref_slice %arg9[%mul3A_332] : memref<5120xi32, #tpu.memory_space<vmem>> -> memref<64xi32, #tpu.memory_space<vmem>>
          %dma_wait3A_334 = arith.constant 0 : i32
          %dma_wait3A_335 = arith.constant 0 : i32
          %dma_wait3A_336 = tpu.memref_slice %arg17[%dma_wait3A_334, %dma_wait3A_335] : memref<10240x64xf32, #tpu.memory_space<vmem_shared>> -> memref<10240x64xf32, #tpu.memory_space<vmem_shared>>
          tpu.wait_indirect_dma semaphore(%arg26 : memref<!tpu.dma_semaphore, #tpu.memory_space<semaphore_mem>>) src(%arg14 : memref<64x64xf32, #tpu.memory_space<vmem>>) dst(%dma_wait3A_336 : memref<10240x64xf32, #tpu.memory_space<vmem_shared>>)
        } else {
        }
        %add3A_322 = arith.constant 2 : i32
        %add3A_323 = arith.addi %add3A_237, %add3A_322 : i32
        %mul3A_324 = arith.constant 64 : i32
        %mul3A_325 = arith.muli %add3A_323, %mul3A_324 : i32
        %dma_start3A_326 = tpu.memref_slice %arg10[%mul3A_325] : memref<5120xi32, #tpu.memory_space<vmem>> -> memref<64xi32, #tpu.memory_space<vmem>>
        %dma_start3A_327 = arith.constant 0 : i32
        %dma_start3A_328 = arith.constant 0 : i32
        %dma_start3A_329 = tpu.memref_slice %arg16[%dma_start3A_327, %dma_start3A_328] : memref<10240x64xf32, #tpu.memory_space<vmem_shared>> -> memref<10240x64xf32, #tpu.memory_space<vmem_shared>>
        tpu.enqueue_indirect_dma source(%dma_start3A_329 : memref<10240x64xf32, #tpu.memory_space<vmem_shared>>) target(%arg14 : memref<64x64xf32, #tpu.memory_space<vmem>>) offsets(%dma_start3A_326 : memref<64xi32, #tpu.memory_space<vmem>>) semaphore(%arg22 : memref<!tpu.dma_semaphore, #tpu.memory_space<semaphore_mem>>)
      } else {
      }
      %mul3A_262 = arith.constant 4 : i32
      %mul3A_263 = arith.muli %scan3A_206, %mul3A_262 : i32
      %add3A_264 = arith.constant 2 : i32
      %add3A_265 = arith.addi %mul3A_263, %add3A_264 : i32
      %mul3A_266 = arith.constant 64 : i32
      %mul3A_267 = arith.muli %add3A_265, %mul3A_266 : i32
      %dma_wait3A_268 = tpu.memref_slice %arg10[%mul3A_267] : memref<5120xi32, #tpu.memory_space<vmem>> -> memref<64xi32, #tpu.memory_space<vmem>>
      %dma_wait3A_269 = arith.constant 0 : i32
      %dma_wait3A_270 = arith.constant 0 : i32
      %dma_wait3A_271 = tpu.memref_slice %arg16[%dma_wait3A_269, %dma_wait3A_270] : memref<10240x64xf32, #tpu.memory_space<vmem_shared>> -> memref<10240x64xf32, #tpu.memory_space<vmem_shared>>
      tpu.wait_indirect_dma semaphore(%arg21 : memref<!tpu.dma_semaphore, #tpu.memory_space<semaphore_mem>>) src(%dma_wait3A_271 : memref<10240x64xf32, #tpu.memory_space<vmem_shared>>) dst(%arg13 : memref<64x64xf32, #tpu.memory_space<vmem>>)
      %mul3A_272 = arith.constant 64 : i32
      %mul3A_273 = arith.muli %add3A_265, %mul3A_272 : i32
      %dma_start3A_274 = tpu.memref_slice %arg9[%mul3A_273] : memref<5120xi32, #tpu.memory_space<vmem>> -> memref<64xi32, #tpu.memory_space<vmem>>
      %dma_start3A_275 = arith.constant 0 : i32
      %dma_start3A_276 = arith.constant 0 : i32
      %dma_start3A_277 = tpu.memref_slice %arg17[%dma_start3A_275, %dma_start3A_276] : memref<10240x64xf32, #tpu.memory_space<vmem_shared>> -> memref<10240x64xf32, #tpu.memory_space<vmem_shared>>
      tpu.enqueue_indirect_dma source(%arg13 : memref<64x64xf32, #tpu.memory_space<vmem>>) target(%dma_start3A_277 : memref<10240x64xf32, #tpu.memory_space<vmem_shared>>) offsets(%dma_start3A_274 : memref<64xi32, #tpu.memory_space<vmem>>) semaphore(%arg25 : memref<!tpu.dma_semaphore, #tpu.memory_space<semaphore_mem>>) {add = true}
      %eq3A_278 = arith.constant 0 : i32
      %eq3A_279 = arith.cmpi eq, %arg0, %eq3A_278 : i32
      %convert_element_type3A_280 = arith.extui %eq3A_279 : i1 to i32
      %cond3A_281 = arith.constant 0 : i32
      %cond3A_282 = arith.cmpi ne, %convert_element_type3A_280, %cond3A_281 : i32
      scf.if %cond3A_282 {
        %mul3A_318 = arith.constant 64 : i32
        %mul3A_319 = arith.muli %add3A_265, %mul3A_318 : i32
        %dma_start3A_320 = tpu.memref_slice %arg9[%mul3A_319] : memref<5120xi32, #tpu.memory_space<vmem>> -> memref<64xi32, #tpu.memory_space<vmem>>
        %dma_start3A_321 = arith.constant 0 : i32
        %dma_start3A_322 = tpu.memref_slice %arg18[%dma_start3A_321] : memref<10240xf32, #tpu.memory_space<vmem_shared>> -> memref<10240xf32, #tpu.memory_space<vmem_shared>>
        tpu.enqueue_indirect_dma source(%arg15 : memref<64xf32, #tpu.memory_space<vmem>>) target(%dma_start3A_322 : memref<10240xf32, #tpu.memory_space<vmem_shared>>) offsets(%dma_start3A_320 : memref<64xi32, #tpu.memory_space<vmem>>) semaphore(%arg27 : memref<!tpu.dma_semaphore, #tpu.memory_space<semaphore_mem>>) {add = true}
      } else {
      }
      %add3A_283 = arith.constant 2 : i32
      %add3A_284 = arith.addi %add3A_265, %add3A_283 : i32
      %lt3A_285 = arith.constant 80 : i32
      %lt3A_286 = arith.cmpi slt, %add3A_284, %lt3A_285 : i32
      %convert_element_type3A_287 = arith.extui %lt3A_286 : i1 to i32
      %cond3A_288 = arith.constant 0 : i32
      %cond3A_289 = arith.cmpi ne, %convert_element_type3A_287, %cond3A_288 : i32
      scf.if %cond3A_289 {
        %ge3A = arith.constant 2 : i32
        %ge3A_318 = arith.cmpi sge, %add3A_265, %ge3A : i32
        %convert_element_type3A_319 = arith.extui %ge3A_318 : i1 to i32
        %cond3A_320 = arith.constant 0 : i32
        %cond3A_321 = arith.cmpi ne, %convert_element_type3A_319, %cond3A_320 : i32
        scf.if %cond3A_321 {
          %sub3A = arith.constant 2 : i32
          %sub3A_330 = arith.subi %add3A_265, %sub3A : i32
          %mul3A_331 = arith.constant 64 : i32
          %mul3A_332 = arith.muli %sub3A_330, %mul3A_331 : i32
          %dma_wait3A_333 = tpu.memref_slice %arg9[%mul3A_332] : memref<5120xi32, #tpu.memory_space<vmem>> -> memref<64xi32, #tpu.memory_space<vmem>>
          %dma_wait3A_334 = arith.constant 0 : i32
          %dma_wait3A_335 = arith.constant 0 : i32
          %dma_wait3A_336 = tpu.memref_slice %arg17[%dma_wait3A_334, %dma_wait3A_335] : memref<10240x64xf32, #tpu.memory_space<vmem_shared>> -> memref<10240x64xf32, #tpu.memory_space<vmem_shared>>
          tpu.wait_indirect_dma semaphore(%arg23 : memref<!tpu.dma_semaphore, #tpu.memory_space<semaphore_mem>>) src(%arg11 : memref<64x64xf32, #tpu.memory_space<vmem>>) dst(%dma_wait3A_336 : memref<10240x64xf32, #tpu.memory_space<vmem_shared>>)
        } else {
        }
        %add3A_322 = arith.constant 2 : i32
        %add3A_323 = arith.addi %add3A_265, %add3A_322 : i32
        %mul3A_324 = arith.constant 64 : i32
        %mul3A_325 = arith.muli %add3A_323, %mul3A_324 : i32
        %dma_start3A_326 = tpu.memref_slice %arg10[%mul3A_325] : memref<5120xi32, #tpu.memory_space<vmem>> -> memref<64xi32, #tpu.memory_space<vmem>>
        %dma_start3A_327 = arith.constant 0 : i32
        %dma_start3A_328 = arith.constant 0 : i32
        %dma_start3A_329 = tpu.memref_slice %arg16[%dma_start3A_327, %dma_start3A_328] : memref<10240x64xf32, #tpu.memory_space<vmem_shared>> -> memref<10240x64xf32, #tpu.memory_space<vmem_shared>>
        tpu.enqueue_indirect_dma source(%dma_start3A_329 : memref<10240x64xf32, #tpu.memory_space<vmem_shared>>) target(%arg11 : memref<64x64xf32, #tpu.memory_space<vmem>>) offsets(%dma_start3A_326 : memref<64xi32, #tpu.memory_space<vmem>>) semaphore(%arg19 : memref<!tpu.dma_semaphore, #tpu.memory_space<semaphore_mem>>)
      } else {
      }
      %mul3A_290 = arith.constant 4 : i32
      %mul3A_291 = arith.muli %scan3A_206, %mul3A_290 : i32
      %add3A_292 = arith.constant 3 : i32
      %add3A_293 = arith.addi %mul3A_291, %add3A_292 : i32
      %mul3A_294 = arith.constant 64 : i32
      %mul3A_295 = arith.muli %add3A_293, %mul3A_294 : i32
      %dma_wait3A_296 = tpu.memref_slice %arg10[%mul3A_295] : memref<5120xi32, #tpu.memory_space<vmem>> -> memref<64xi32, #tpu.memory_space<vmem>>
      %dma_wait3A_297 = arith.constant 0 : i32
      %dma_wait3A_298 = arith.constant 0 : i32
      %dma_wait3A_299 = tpu.memref_slice %arg16[%dma_wait3A_297, %dma_wait3A_298] : memref<10240x64xf32, #tpu.memory_space<vmem_shared>> -> memref<10240x64xf32, #tpu.memory_space<vmem_shared>>
      tpu.wait_indirect_dma semaphore(%arg22 : memref<!tpu.dma_semaphore, #tpu.memory_space<semaphore_mem>>) src(%dma_wait3A_299 : memref<10240x64xf32, #tpu.memory_space<vmem_shared>>) dst(%arg14 : memref<64x64xf32, #tpu.memory_space<vmem>>)
      %mul3A_300 = arith.constant 64 : i32
      %mul3A_301 = arith.muli %add3A_293, %mul3A_300 : i32
      %dma_start3A_302 = tpu.memref_slice %arg9[%mul3A_301] : memref<5120xi32, #tpu.memory_space<vmem>> -> memref<64xi32, #tpu.memory_space<vmem>>
      %dma_start3A_303 = arith.constant 0 : i32
      %dma_start3A_304 = arith.constant 0 : i32
      %dma_start3A_305 = tpu.memref_slice %arg17[%dma_start3A_303, %dma_start3A_304] : memref<10240x64xf32, #tpu.memory_space<vmem_shared>> -> memref<10240x64xf32, #tpu.memory_space<vmem_shared>>
      tpu.enqueue_indirect_dma source(%arg14 : memref<64x64xf32, #tpu.memory_space<vmem>>) target(%dma_start3A_305 : memref<10240x64xf32, #tpu.memory_space<vmem_shared>>) offsets(%dma_start3A_302 : memref<64xi32, #tpu.memory_space<vmem>>) semaphore(%arg26 : memref<!tpu.dma_semaphore, #tpu.memory_space<semaphore_mem>>) {add = true}
      %eq3A_306 = arith.constant 0 : i32
      %eq3A_307 = arith.cmpi eq, %arg0, %eq3A_306 : i32
      %convert_element_type3A_308 = arith.extui %eq3A_307 : i1 to i32
      %cond3A_309 = arith.constant 0 : i32
      %cond3A_310 = arith.cmpi ne, %convert_element_type3A_308, %cond3A_309 : i32
      scf.if %cond3A_310 {
        %mul3A_318 = arith.constant 64 : i32
        %mul3A_319 = arith.muli %add3A_293, %mul3A_318 : i32
        %dma_start3A_320 = tpu.memref_slice %arg9[%mul3A_319] : memref<5120xi32, #tpu.memory_space<vmem>> -> memref<64xi32, #tpu.memory_space<vmem>>
        %dma_start3A_321 = arith.constant 0 : i32
        %dma_start3A_322 = tpu.memref_slice %arg18[%dma_start3A_321] : memref<10240xf32, #tpu.memory_space<vmem_shared>> -> memref<10240xf32, #tpu.memory_space<vmem_shared>>
        tpu.enqueue_indirect_dma source(%arg15 : memref<64xf32, #tpu.memory_space<vmem>>) target(%dma_start3A_322 : memref<10240xf32, #tpu.memory_space<vmem_shared>>) offsets(%dma_start3A_320 : memref<64xi32, #tpu.memory_space<vmem>>) semaphore(%arg27 : memref<!tpu.dma_semaphore, #tpu.memory_space<semaphore_mem>>) {add = true}
      } else {
      }
      %add3A_311 = arith.constant 2 : i32
      %add3A_312 = arith.addi %add3A_293, %add3A_311 : i32
      %lt3A_313 = arith.constant 80 : i32
      %lt3A_314 = arith.cmpi slt, %add3A_312, %lt3A_313 : i32
      %convert_element_type3A_315 = arith.extui %lt3A_314 : i1 to i32
      %cond3A_316 = arith.constant 0 : i32
      %cond3A_317 = arith.cmpi ne, %convert_element_type3A_315, %cond3A_316 : i32
      scf.if %cond3A_317 {
        %ge3A = arith.constant 2 : i32
        %ge3A_318 = arith.cmpi sge, %add3A_293, %ge3A : i32
        %convert_element_type3A_319 = arith.extui %ge3A_318 : i1 to i32
        %cond3A_320 = arith.constant 0 : i32
        %cond3A_321 = arith.cmpi ne, %convert_element_type3A_319, %cond3A_320 : i32
        scf.if %cond3A_321 {
          %sub3A = arith.constant 2 : i32
          %sub3A_330 = arith.subi %add3A_293, %sub3A : i32
          %mul3A_331 = arith.constant 64 : i32
          %mul3A_332 = arith.muli %sub3A_330, %mul3A_331 : i32
          %dma_wait3A_333 = tpu.memref_slice %arg9[%mul3A_332] : memref<5120xi32, #tpu.memory_space<vmem>> -> memref<64xi32, #tpu.memory_space<vmem>>
          %dma_wait3A_334 = arith.constant 0 : i32
          %dma_wait3A_335 = arith.constant 0 : i32
          %dma_wait3A_336 = tpu.memref_slice %arg17[%dma_wait3A_334, %dma_wait3A_335] : memref<10240x64xf32, #tpu.memory_space<vmem_shared>> -> memref<10240x64xf32, #tpu.memory_space<vmem_shared>>
          tpu.wait_indirect_dma semaphore(%arg24 : memref<!tpu.dma_semaphore, #tpu.memory_space<semaphore_mem>>) src(%arg12 : memref<64x64xf32, #tpu.memory_space<vmem>>) dst(%dma_wait3A_336 : memref<10240x64xf32, #tpu.memory_space<vmem_shared>>)
        } else {
        }
        %add3A_322 = arith.constant 2 : i32
        %add3A_323 = arith.addi %add3A_293, %add3A_322 : i32
        %mul3A_324 = arith.constant 64 : i32
        %mul3A_325 = arith.muli %add3A_323, %mul3A_324 : i32
        %dma_start3A_326 = tpu.memref_slice %arg10[%mul3A_325] : memref<5120xi32, #tpu.memory_space<vmem>> -> memref<64xi32, #tpu.memory_space<vmem>>
        %dma_start3A_327 = arith.constant 0 : i32
        %dma_start3A_328 = arith.constant 0 : i32
        %dma_start3A_329 = tpu.memref_slice %arg16[%dma_start3A_327, %dma_start3A_328] : memref<10240x64xf32, #tpu.memory_space<vmem_shared>> -> memref<10240x64xf32, #tpu.memory_space<vmem_shared>>
        tpu.enqueue_indirect_dma source(%dma_start3A_329 : memref<10240x64xf32, #tpu.memory_space<vmem_shared>>) target(%arg12 : memref<64x64xf32, #tpu.memory_space<vmem>>) offsets(%dma_start3A_326 : memref<64xi32, #tpu.memory_space<vmem>>) semaphore(%arg20 : memref<!tpu.dma_semaphore, #tpu.memory_space<semaphore_mem>>)
      } else {
      }
    }
    %scan3A_28 = arith.constant 20 : i32
    %dma_wait3A = arith.constant 4864 : i32
    %dma_wait3A_29 = tpu.memref_slice %arg9[%dma_wait3A] : memref<5120xi32, #tpu.memory_space<vmem>> -> memref<64xi32, #tpu.memory_space<vmem>>
    %dma_wait3A_30 = arith.constant 0 : i32
    %dma_wait3A_31 = arith.constant 0 : i32
    %dma_wait3A_32 = tpu.memref_slice %arg17[%dma_wait3A_30, %dma_wait3A_31] : memref<10240x64xf32, #tpu.memory_space<vmem_shared>> -> memref<10240x64xf32, #tpu.memory_space<vmem_shared>>
    tpu.wait_indirect_dma semaphore(%arg23 : memref<!tpu.dma_semaphore, #tpu.memory_space<semaphore_mem>>) src(%arg11 : memref<64x64xf32, #tpu.memory_space<vmem>>) dst(%dma_wait3A_32 : memref<10240x64xf32, #tpu.memory_space<vmem_shared>>)
    %dma_wait3A_33 = arith.constant 4928 : i32
    %dma_wait3A_34 = tpu.memref_slice %arg9[%dma_wait3A_33] : memref<5120xi32, #tpu.memory_space<vmem>> -> memref<64xi32, #tpu.memory_space<vmem>>
    %dma_wait3A_35 = arith.constant 0 : i32
    %dma_wait3A_36 = arith.constant 0 : i32
    %dma_wait3A_37 = tpu.memref_slice %arg17[%dma_wait3A_35, %dma_wait3A_36] : memref<10240x64xf32, #tpu.memory_space<vmem_shared>> -> memref<10240x64xf32, #tpu.memory_space<vmem_shared>>
    tpu.wait_indirect_dma semaphore(%arg24 : memref<!tpu.dma_semaphore, #tpu.memory_space<semaphore_mem>>) src(%arg12 : memref<64x64xf32, #tpu.memory_space<vmem>>) dst(%dma_wait3A_37 : memref<10240x64xf32, #tpu.memory_space<vmem_shared>>)
    %dma_wait3A_38 = arith.constant 4992 : i32
    %dma_wait3A_39 = tpu.memref_slice %arg9[%dma_wait3A_38] : memref<5120xi32, #tpu.memory_space<vmem>> -> memref<64xi32, #tpu.memory_space<vmem>>
    %dma_wait3A_40 = arith.constant 0 : i32
    %dma_wait3A_41 = arith.constant 0 : i32
    %dma_wait3A_42 = tpu.memref_slice %arg17[%dma_wait3A_40, %dma_wait3A_41] : memref<10240x64xf32, #tpu.memory_space<vmem_shared>> -> memref<10240x64xf32, #tpu.memory_space<vmem_shared>>
    tpu.wait_indirect_dma semaphore(%arg25 : memref<!tpu.dma_semaphore, #tpu.memory_space<semaphore_mem>>) src(%arg13 : memref<64x64xf32, #tpu.memory_space<vmem>>) dst(%dma_wait3A_42 : memref<10240x64xf32, #tpu.memory_space<vmem_shared>>)
    %dma_wait3A_43 = arith.constant 5056 : i32
    %dma_wait3A_44 = tpu.memref_slice %arg9[%dma_wait3A_43] : memref<5120xi32, #tpu.memory_space<vmem>> -> memref<64xi32, #tpu.memory_space<vmem>>
    %dma_wait3A_45 = arith.constant 0 : i32
    %dma_wait3A_46 = arith.constant 0 : i32
    %dma_wait3A_47 = tpu.memref_slice %arg17[%dma_wait3A_45, %dma_wait3A_46] : memref<10240x64xf32, #tpu.memory_space<vmem_shared>> -> memref<10240x64xf32, #tpu.memory_space<vmem_shared>>
    tpu.wait_indirect_dma semaphore(%arg26 : memref<!tpu.dma_semaphore, #tpu.memory_space<semaphore_mem>>) src(%arg14 : memref<64x64xf32, #tpu.memory_space<vmem>>) dst(%dma_wait3A_47 : memref<10240x64xf32, #tpu.memory_space<vmem_shared>>)
    %eq3A_48 = arith.constant 0 : i32
    %eq3A_49 = arith.cmpi eq, %arg0, %eq3A_48 : i32
    %convert_element_type3A_50 = arith.extui %eq3A_49 : i1 to i32
    %cond3A_51 = arith.constant 0 : i32
    %cond3A_52 = arith.cmpi ne, %convert_element_type3A_50, %cond3A_51 : i32
    scf.if %cond3A_52 {
      %scan3A_206 = arith.constant 0 : i32
      %scan3A_207 = arith.constant 0 : i32
      %scan3A_208 = arith.constant 80 : i32
      %scan3A_209 = arith.addi %scan3A_207, %scan3A_208 : i32
      %scan3A_210 = arith.constant 1 : i32
      scf.for %scan3A_212 = %scan3A_207 to %scan3A_209 step %scan3A_210  : i32 {
        %mul3A_213 = arith.constant 64 : i32
        %mul3A_214 = arith.muli %scan3A_212, %mul3A_213 : i32
        %dma_wait3A_215 = tpu.memref_slice %arg9[%mul3A_214] : memref<5120xi32, #tpu.memory_space<vmem>> -> memref<64xi32, #tpu.memory_space<vmem>>
        %dma_wait3A_216 = arith.constant 0 : i32
        %dma_wait3A_217 = tpu.memref_slice %arg18[%dma_wait3A_216] : memref<10240xf32, #tpu.memory_space<vmem_shared>> -> memref<10240xf32, #tpu.memory_space<vmem_shared>>
        tpu.wait_indirect_dma semaphore(%arg27 : memref<!tpu.dma_semaphore, #tpu.memory_space<semaphore_mem>>) src(%arg15 : memref<64xf32, #tpu.memory_space<vmem>>) dst(%dma_wait3A_217 : memref<10240xf32, #tpu.memory_space<vmem_shared>>)
      }
      %scan3A_211 = arith.constant 80 : i32
    } else {
    }
    %mul3A_53 = arith.constant 320 : i32
    %mul3A_54 = arith.muli %arg1, %mul3A_53 : i32
    %add3A_55 = arith.constant 80 : i32
    %add3A_56 = arith.addi %mul3A_54, %add3A_55 : i32
    %mul3A_57 = arith.constant 64 : i32
    %mul3A_58 = arith.muli %add3A_56, %mul3A_57 : i32
    %run_scoped3A_59 = arith.constant 0 : i32
    "tpu.region"() ({
      %run_scoped3A_206 = tpu.sem_alloc : memref<!tpu.dma_semaphore, #tpu.memory_space<semaphore_mem>>
      %dma_start3A_207 = tpu.memref_slice %arg3[%run_scoped3A_59, %mul3A_58] : memref<2x327680xi32, #tpu.memory_space<hbm>> -> memref<1x5120xi32, #tpu.memory_space<hbm>>
      %dma_start3A_208 = tpu.memref_squeeze %dma_start3A_207 : memref<1x5120xi32, #tpu.memory_space<hbm>> -> memref<5120xi32, #tpu.memory_space<hbm>>
      %dma_start3A_209 = tpu.memref_slice %arg3[%run_scoped3A_59, %mul3A_58] : memref<2x327680xi32, #tpu.memory_space<hbm>> -> memref<1x5120xi32, #tpu.memory_space<hbm>>
      %dma_start3A_210 = tpu.memref_squeeze %dma_start3A_209 : memref<1x5120xi32, #tpu.memory_space<hbm>> -> memref<5120xi32, #tpu.memory_space<hbm>>
      tpu.enqueue_dma source(%dma_start3A_210 : memref<5120xi32, #tpu.memory_space<hbm>>) target(%arg9 : memref<5120xi32, #tpu.memory_space<vmem>>) target_semaphore(%run_scoped3A_206 : memref<!tpu.dma_semaphore, #tpu.memory_space<semaphore_mem>>)
      %dma_wait3A_211 = tpu.memref_slice %arg3[%run_scoped3A_59, %mul3A_58] : memref<2x327680xi32, #tpu.memory_space<hbm>> -> memref<1x5120xi32, #tpu.memory_space<hbm>>
      %dma_wait3A_212 = tpu.memref_squeeze %dma_wait3A_211 : memref<1x5120xi32, #tpu.memory_space<hbm>> -> memref<5120xi32, #tpu.memory_space<hbm>>
      %dma_wait3A_213 = tpu.memref_slice %arg3[%run_scoped3A_59, %mul3A_58] : memref<2x327680xi32, #tpu.memory_space<hbm>> -> memref<1x5120xi32, #tpu.memory_space<hbm>>
      %dma_wait3A_214 = tpu.memref_squeeze %dma_wait3A_213 : memref<1x5120xi32, #tpu.memory_space<hbm>> -> memref<5120xi32, #tpu.memory_space<hbm>>
      tpu.wait_dma2 semaphore(%run_scoped3A_206 : memref<!tpu.dma_semaphore, #tpu.memory_space<semaphore_mem>>) src(%dma_wait3A_214 : memref<5120xi32, #tpu.memory_space<hbm>>) dst(%arg9 : memref<5120xi32, #tpu.memory_space<vmem>>)
      tpu.yield
    }) : () -> ()
    %run_scoped3A_60 = arith.constant 1 : i32
    "tpu.region"() ({
      %run_scoped3A_206 = tpu.sem_alloc : memref<!tpu.dma_semaphore, #tpu.memory_space<semaphore_mem>>
      %dma_start3A_207 = tpu.memref_slice %arg3[%run_scoped3A_60, %mul3A_58] : memref<2x327680xi32, #tpu.memory_space<hbm>> -> memref<1x5120xi32, #tpu.memory_space<hbm>>
      %dma_start3A_208 = tpu.memref_squeeze %dma_start3A_207 : memref<1x5120xi32, #tpu.memory_space<hbm>> -> memref<5120xi32, #tpu.memory_space<hbm>>
      %dma_start3A_209 = tpu.memref_slice %arg3[%run_scoped3A_60, %mul3A_58] : memref<2x327680xi32, #tpu.memory_space<hbm>> -> memref<1x5120xi32, #tpu.memory_space<hbm>>
      %dma_start3A_210 = tpu.memref_squeeze %dma_start3A_209 : memref<1x5120xi32, #tpu.memory_space<hbm>> -> memref<5120xi32, #tpu.memory_space<hbm>>
      tpu.enqueue_dma source(%dma_start3A_210 : memref<5120xi32, #tpu.memory_space<hbm>>) target(%arg10 : memref<5120xi32, #tpu.memory_space<vmem>>) target_semaphore(%run_scoped3A_206 : memref<!tpu.dma_semaphore, #tpu.memory_space<semaphore_mem>>)
      %dma_wait3A_211 = tpu.memref_slice %arg3[%run_scoped3A_60, %mul3A_58] : memref<2x327680xi32, #tpu.memory_space<hbm>> -> memref<1x5120xi32, #tpu.memory_space<hbm>>
      %dma_wait3A_212 = tpu.memref_squeeze %dma_wait3A_211 : memref<1x5120xi32, #tpu.memory_space<hbm>> -> memref<5120xi32, #tpu.memory_space<hbm>>
      %dma_wait3A_213 = tpu.memref_slice %arg3[%run_scoped3A_60, %mul3A_58] : memref<2x327680xi32, #tpu.memory_space<hbm>> -> memref<1x5120xi32, #tpu.memory_space<hbm>>
      %dma_wait3A_214 = tpu.memref_squeeze %dma_wait3A_213 : memref<1x5120xi32, #tpu.memory_space<hbm>> -> memref<5120xi32, #tpu.memory_space<hbm>>
      tpu.wait_dma2 semaphore(%run_scoped3A_206 : memref<!tpu.dma_semaphore, #tpu.memory_space<semaphore_mem>>) src(%dma_wait3A_214 : memref<5120xi32, #tpu.memory_space<hbm>>) dst(%arg10 : memref<5120xi32, #tpu.memory_space<vmem>>)
      tpu.yield
    }) : () -> ()
    %dma_start3A_61 = arith.constant 0 : i32
    %dma_start3A_62 = tpu.memref_slice %arg10[%dma_start3A_61] : memref<5120xi32, #tpu.memory_space<vmem>> -> memref<64xi32, #tpu.memory_space<vmem>>
    %dma_start3A_63 = arith.constant 0 : i32
    %dma_start3A_64 = arith.constant 0 : i32
    %dma_start3A_65 = tpu.memref_slice %arg16[%dma_start3A_63, %dma_start3A_64] : memref<10240x64xf32, #tpu.memory_space<vmem_shared>> -> memref<10240x64xf32, #tpu.memory_space<vmem_shared>>
    tpu.enqueue_indirect_dma source(%dma_start3A_65 : memref<10240x64xf32, #tpu.memory_space<vmem_shared>>) target(%arg11 : memref<64x64xf32, #tpu.memory_space<vmem>>) offsets(%dma_start3A_62 : memref<64xi32, #tpu.memory_space<vmem>>) semaphore(%arg19 : memref<!tpu.dma_semaphore, #tpu.memory_space<semaphore_mem>>)
    %dma_start3A_66 = arith.constant 64 : i32
    %dma_start3A_67 = tpu.memref_slice %arg10[%dma_start3A_66] : memref<5120xi32, #tpu.memory_space<vmem>> -> memref<64xi32, #tpu.memory_space<vmem>>
    %dma_start3A_68 = arith.constant 0 : i32
    %dma_start3A_69 = arith.constant 0 : i32
    %dma_start3A_70 = tpu.memref_slice %arg16[%dma_start3A_68, %dma_start3A_69] : memref<10240x64xf32, #tpu.memory_space<vmem_shared>> -> memref<10240x64xf32, #tpu.memory_space<vmem_shared>>
    tpu.enqueue_indirect_dma source(%dma_start3A_70 : memref<10240x64xf32, #tpu.memory_space<vmem_shared>>) target(%arg12 : memref<64x64xf32, #tpu.memory_space<vmem>>) offsets(%dma_start3A_67 : memref<64xi32, #tpu.memory_space<vmem>>) semaphore(%arg20 : memref<!tpu.dma_semaphore, #tpu.memory_space<semaphore_mem>>)
    %scan3A_71 = arith.constant 0 : i32
    %scan3A_72 = arith.constant 0 : i32
    %scan3A_73 = arith.constant 20 : i32
    %scan3A_74 = arith.addi %scan3A_72, %scan3A_73 : i32
    %scan3A_75 = arith.constant 1 : i32
    scf.for %scan3A_206 = %scan3A_72 to %scan3A_74 step %scan3A_75  : i32 {
      %mul3A_207 = arith.constant 4 : i32
      %mul3A_208 = arith.muli %scan3A_206, %mul3A_207 : i32
      %add3A_209 = arith.constant 0 : i32
      %add3A_210 = arith.addi %mul3A_208, %add3A_209 : i32
      %mul3A_211 = arith.constant 64 : i32
      %mul3A_212 = arith.muli %add3A_210, %mul3A_211 : i32
      %dma_wait3A_213 = tpu.memref_slice %arg10[%mul3A_212] : memref<5120xi32, #tpu.memory_space<vmem>> -> memref<64xi32, #tpu.memory_space<vmem>>
      %dma_wait3A_214 = arith.constant 0 : i32
      %dma_wait3A_215 = arith.constant 0 : i32
      %dma_wait3A_216 = tpu.memref_slice %arg16[%dma_wait3A_214, %dma_wait3A_215] : memref<10240x64xf32, #tpu.memory_space<vmem_shared>> -> memref<10240x64xf32, #tpu.memory_space<vmem_shared>>
      tpu.wait_indirect_dma semaphore(%arg19 : memref<!tpu.dma_semaphore, #tpu.memory_space<semaphore_mem>>) src(%dma_wait3A_216 : memref<10240x64xf32, #tpu.memory_space<vmem_shared>>) dst(%arg11 : memref<64x64xf32, #tpu.memory_space<vmem>>)
      %mul3A_217 = arith.constant 64 : i32
      %mul3A_218 = arith.muli %add3A_210, %mul3A_217 : i32
      %dma_start3A_219 = tpu.memref_slice %arg9[%mul3A_218] : memref<5120xi32, #tpu.memory_space<vmem>> -> memref<64xi32, #tpu.memory_space<vmem>>
      %dma_start3A_220 = arith.constant 0 : i32
      %dma_start3A_221 = arith.constant 0 : i32
      %dma_start3A_222 = tpu.memref_slice %arg17[%dma_start3A_220, %dma_start3A_221] : memref<10240x64xf32, #tpu.memory_space<vmem_shared>> -> memref<10240x64xf32, #tpu.memory_space<vmem_shared>>
      tpu.enqueue_indirect_dma source(%arg11 : memref<64x64xf32, #tpu.memory_space<vmem>>) target(%dma_start3A_222 : memref<10240x64xf32, #tpu.memory_space<vmem_shared>>) offsets(%dma_start3A_219 : memref<64xi32, #tpu.memory_space<vmem>>) semaphore(%arg23 : memref<!tpu.dma_semaphore, #tpu.memory_space<semaphore_mem>>) {add = true}
      %eq3A_223 = arith.constant 0 : i32
      %eq3A_224 = arith.cmpi eq, %arg0, %eq3A_223 : i32
      %convert_element_type3A_225 = arith.extui %eq3A_224 : i1 to i32
      %cond3A_226 = arith.constant 0 : i32
      %cond3A_227 = arith.cmpi ne, %convert_element_type3A_225, %cond3A_226 : i32
      scf.if %cond3A_227 {
        %mul3A_318 = arith.constant 64 : i32
        %mul3A_319 = arith.muli %add3A_210, %mul3A_318 : i32
        %dma_start3A_320 = tpu.memref_slice %arg9[%mul3A_319] : memref<5120xi32, #tpu.memory_space<vmem>> -> memref<64xi32, #tpu.memory_space<vmem>>
        %dma_start3A_321 = arith.constant 0 : i32
        %dma_start3A_322 = tpu.memref_slice %arg18[%dma_start3A_321] : memref<10240xf32, #tpu.memory_space<vmem_shared>> -> memref<10240xf32, #tpu.memory_space<vmem_shared>>
        tpu.enqueue_indirect_dma source(%arg15 : memref<64xf32, #tpu.memory_space<vmem>>) target(%dma_start3A_322 : memref<10240xf32, #tpu.memory_space<vmem_shared>>) offsets(%dma_start3A_320 : memref<64xi32, #tpu.memory_space<vmem>>) semaphore(%arg27 : memref<!tpu.dma_semaphore, #tpu.memory_space<semaphore_mem>>) {add = true}
      } else {
      }
      %add3A_228 = arith.constant 2 : i32
      %add3A_229 = arith.addi %add3A_210, %add3A_228 : i32
      %lt3A = arith.constant 80 : i32
      %lt3A_230 = arith.cmpi slt, %add3A_229, %lt3A : i32
      %convert_element_type3A_231 = arith.extui %lt3A_230 : i1 to i32
      %cond3A_232 = arith.constant 0 : i32
      %cond3A_233 = arith.cmpi ne, %convert_element_type3A_231, %cond3A_232 : i32
      scf.if %cond3A_233 {
        %ge3A = arith.constant 2 : i32
        %ge3A_318 = arith.cmpi sge, %add3A_210, %ge3A : i32
        %convert_element_type3A_319 = arith.extui %ge3A_318 : i1 to i32
        %cond3A_320 = arith.constant 0 : i32
        %cond3A_321 = arith.cmpi ne, %convert_element_type3A_319, %cond3A_320 : i32
        scf.if %cond3A_321 {
          %sub3A = arith.constant 2 : i32
          %sub3A_330 = arith.subi %add3A_210, %sub3A : i32
          %mul3A_331 = arith.constant 64 : i32
          %mul3A_332 = arith.muli %sub3A_330, %mul3A_331 : i32
          %dma_wait3A_333 = tpu.memref_slice %arg9[%mul3A_332] : memref<5120xi32, #tpu.memory_space<vmem>> -> memref<64xi32, #tpu.memory_space<vmem>>
          %dma_wait3A_334 = arith.constant 0 : i32
          %dma_wait3A_335 = arith.constant 0 : i32
          %dma_wait3A_336 = tpu.memref_slice %arg17[%dma_wait3A_334, %dma_wait3A_335] : memref<10240x64xf32, #tpu.memory_space<vmem_shared>> -> memref<10240x64xf32, #tpu.memory_space<vmem_shared>>
          tpu.wait_indirect_dma semaphore(%arg25 : memref<!tpu.dma_semaphore, #tpu.memory_space<semaphore_mem>>) src(%arg13 : memref<64x64xf32, #tpu.memory_space<vmem>>) dst(%dma_wait3A_336 : memref<10240x64xf32, #tpu.memory_space<vmem_shared>>)
        } else {
        }
        %add3A_322 = arith.constant 2 : i32
        %add3A_323 = arith.addi %add3A_210, %add3A_322 : i32
        %mul3A_324 = arith.constant 64 : i32
        %mul3A_325 = arith.muli %add3A_323, %mul3A_324 : i32
        %dma_start3A_326 = tpu.memref_slice %arg10[%mul3A_325] : memref<5120xi32, #tpu.memory_space<vmem>> -> memref<64xi32, #tpu.memory_space<vmem>>
        %dma_start3A_327 = arith.constant 0 : i32
        %dma_start3A_328 = arith.constant 0 : i32
        %dma_start3A_329 = tpu.memref_slice %arg16[%dma_start3A_327, %dma_start3A_328] : memref<10240x64xf32, #tpu.memory_space<vmem_shared>> -> memref<10240x64xf32, #tpu.memory_space<vmem_shared>>
        tpu.enqueue_indirect_dma source(%dma_start3A_329 : memref<10240x64xf32, #tpu.memory_space<vmem_shared>>) target(%arg13 : memref<64x64xf32, #tpu.memory_space<vmem>>) offsets(%dma_start3A_326 : memref<64xi32, #tpu.memory_space<vmem>>) semaphore(%arg21 : memref<!tpu.dma_semaphore, #tpu.memory_space<semaphore_mem>>)
      } else {
      }
      %mul3A_234 = arith.constant 4 : i32
      %mul3A_235 = arith.muli %scan3A_206, %mul3A_234 : i32
      %add3A_236 = arith.constant 1 : i32
      %add3A_237 = arith.addi %mul3A_235, %add3A_236 : i32
      %mul3A_238 = arith.constant 64 : i32
      %mul3A_239 = arith.muli %add3A_237, %mul3A_238 : i32
      %dma_wait3A_240 = tpu.memref_slice %arg10[%mul3A_239] : memref<5120xi32, #tpu.memory_space<vmem>> -> memref<64xi32, #tpu.memory_space<vmem>>
      %dma_wait3A_241 = arith.constant 0 : i32
      %dma_wait3A_242 = arith.constant 0 : i32
      %dma_wait3A_243 = tpu.memref_slice %arg16[%dma_wait3A_241, %dma_wait3A_242] : memref<10240x64xf32, #tpu.memory_space<vmem_shared>> -> memref<10240x64xf32, #tpu.memory_space<vmem_shared>>
      tpu.wait_indirect_dma semaphore(%arg20 : memref<!tpu.dma_semaphore, #tpu.memory_space<semaphore_mem>>) src(%dma_wait3A_243 : memref<10240x64xf32, #tpu.memory_space<vmem_shared>>) dst(%arg12 : memref<64x64xf32, #tpu.memory_space<vmem>>)
      %mul3A_244 = arith.constant 64 : i32
      %mul3A_245 = arith.muli %add3A_237, %mul3A_244 : i32
      %dma_start3A_246 = tpu.memref_slice %arg9[%mul3A_245] : memref<5120xi32, #tpu.memory_space<vmem>> -> memref<64xi32, #tpu.memory_space<vmem>>
      %dma_start3A_247 = arith.constant 0 : i32
      %dma_start3A_248 = arith.constant 0 : i32
      %dma_start3A_249 = tpu.memref_slice %arg17[%dma_start3A_247, %dma_start3A_248] : memref<10240x64xf32, #tpu.memory_space<vmem_shared>> -> memref<10240x64xf32, #tpu.memory_space<vmem_shared>>
      tpu.enqueue_indirect_dma source(%arg12 : memref<64x64xf32, #tpu.memory_space<vmem>>) target(%dma_start3A_249 : memref<10240x64xf32, #tpu.memory_space<vmem_shared>>) offsets(%dma_start3A_246 : memref<64xi32, #tpu.memory_space<vmem>>) semaphore(%arg24 : memref<!tpu.dma_semaphore, #tpu.memory_space<semaphore_mem>>) {add = true}
      %eq3A_250 = arith.constant 0 : i32
      %eq3A_251 = arith.cmpi eq, %arg0, %eq3A_250 : i32
      %convert_element_type3A_252 = arith.extui %eq3A_251 : i1 to i32
      %cond3A_253 = arith.constant 0 : i32
      %cond3A_254 = arith.cmpi ne, %convert_element_type3A_252, %cond3A_253 : i32
      scf.if %cond3A_254 {
        %mul3A_318 = arith.constant 64 : i32
        %mul3A_319 = arith.muli %add3A_237, %mul3A_318 : i32
        %dma_start3A_320 = tpu.memref_slice %arg9[%mul3A_319] : memref<5120xi32, #tpu.memory_space<vmem>> -> memref<64xi32, #tpu.memory_space<vmem>>
        %dma_start3A_321 = arith.constant 0 : i32
        %dma_start3A_322 = tpu.memref_slice %arg18[%dma_start3A_321] : memref<10240xf32, #tpu.memory_space<vmem_shared>> -> memref<10240xf32, #tpu.memory_space<vmem_shared>>
        tpu.enqueue_indirect_dma source(%arg15 : memref<64xf32, #tpu.memory_space<vmem>>) target(%dma_start3A_322 : memref<10240xf32, #tpu.memory_space<vmem_shared>>) offsets(%dma_start3A_320 : memref<64xi32, #tpu.memory_space<vmem>>) semaphore(%arg27 : memref<!tpu.dma_semaphore, #tpu.memory_space<semaphore_mem>>) {add = true}
      } else {
      }
      %add3A_255 = arith.constant 2 : i32
      %add3A_256 = arith.addi %add3A_237, %add3A_255 : i32
      %lt3A_257 = arith.constant 80 : i32
      %lt3A_258 = arith.cmpi slt, %add3A_256, %lt3A_257 : i32
      %convert_element_type3A_259 = arith.extui %lt3A_258 : i1 to i32
      %cond3A_260 = arith.constant 0 : i32
      %cond3A_261 = arith.cmpi ne, %convert_element_type3A_259, %cond3A_260 : i32
      scf.if %cond3A_261 {
        %ge3A = arith.constant 2 : i32
        %ge3A_318 = arith.cmpi sge, %add3A_237, %ge3A : i32
        %convert_element_type3A_319 = arith.extui %ge3A_318 : i1 to i32
        %cond3A_320 = arith.constant 0 : i32
        %cond3A_321 = arith.cmpi ne, %convert_element_type3A_319, %cond3A_320 : i32
        scf.if %cond3A_321 {
          %sub3A = arith.constant 2 : i32
          %sub3A_330 = arith.subi %add3A_237, %sub3A : i32
          %mul3A_331 = arith.constant 64 : i32
          %mul3A_332 = arith.muli %sub3A_330, %mul3A_331 : i32
          %dma_wait3A_333 = tpu.memref_slice %arg9[%mul3A_332] : memref<5120xi32, #tpu.memory_space<vmem>> -> memref<64xi32, #tpu.memory_space<vmem>>
          %dma_wait3A_334 = arith.constant 0 : i32
          %dma_wait3A_335 = arith.constant 0 : i32
          %dma_wait3A_336 = tpu.memref_slice %arg17[%dma_wait3A_334, %dma_wait3A_335] : memref<10240x64xf32, #tpu.memory_space<vmem_shared>> -> memref<10240x64xf32, #tpu.memory_space<vmem_shared>>
          tpu.wait_indirect_dma semaphore(%arg26 : memref<!tpu.dma_semaphore, #tpu.memory_space<semaphore_mem>>) src(%arg14 : memref<64x64xf32, #tpu.memory_space<vmem>>) dst(%dma_wait3A_336 : memref<10240x64xf32, #tpu.memory_space<vmem_shared>>)
        } else {
        }
        %add3A_322 = arith.constant 2 : i32
        %add3A_323 = arith.addi %add3A_237, %add3A_322 : i32
        %mul3A_324 = arith.constant 64 : i32
        %mul3A_325 = arith.muli %add3A_323, %mul3A_324 : i32
        %dma_start3A_326 = tpu.memref_slice %arg10[%mul3A_325] : memref<5120xi32, #tpu.memory_space<vmem>> -> memref<64xi32, #tpu.memory_space<vmem>>
        %dma_start3A_327 = arith.constant 0 : i32
        %dma_start3A_328 = arith.constant 0 : i32
        %dma_start3A_329 = tpu.memref_slice %arg16[%dma_start3A_327, %dma_start3A_328] : memref<10240x64xf32, #tpu.memory_space<vmem_shared>> -> memref<10240x64xf32, #tpu.memory_space<vmem_shared>>
        tpu.enqueue_indirect_dma source(%dma_start3A_329 : memref<10240x64xf32, #tpu.memory_space<vmem_shared>>) target(%arg14 : memref<64x64xf32, #tpu.memory_space<vmem>>) offsets(%dma_start3A_326 : memref<64xi32, #tpu.memory_space<vmem>>) semaphore(%arg22 : memref<!tpu.dma_semaphore, #tpu.memory_space<semaphore_mem>>)
      } else {
      }
      %mul3A_262 = arith.constant 4 : i32
      %mul3A_263 = arith.muli %scan3A_206, %mul3A_262 : i32
      %add3A_264 = arith.constant 2 : i32
      %add3A_265 = arith.addi %mul3A_263, %add3A_264 : i32
      %mul3A_266 = arith.constant 64 : i32
      %mul3A_267 = arith.muli %add3A_265, %mul3A_266 : i32
      %dma_wait3A_268 = tpu.memref_slice %arg10[%mul3A_267] : memref<5120xi32, #tpu.memory_space<vmem>> -> memref<64xi32, #tpu.memory_space<vmem>>
      %dma_wait3A_269 = arith.constant 0 : i32
      %dma_wait3A_270 = arith.constant 0 : i32
      %dma_wait3A_271 = tpu.memref_slice %arg16[%dma_wait3A_269, %dma_wait3A_270] : memref<10240x64xf32, #tpu.memory_space<vmem_shared>> -> memref<10240x64xf32, #tpu.memory_space<vmem_shared>>
      tpu.wait_indirect_dma semaphore(%arg21 : memref<!tpu.dma_semaphore, #tpu.memory_space<semaphore_mem>>) src(%dma_wait3A_271 : memref<10240x64xf32, #tpu.memory_space<vmem_shared>>) dst(%arg13 : memref<64x64xf32, #tpu.memory_space<vmem>>)
      %mul3A_272 = arith.constant 64 : i32
      %mul3A_273 = arith.muli %add3A_265, %mul3A_272 : i32
      %dma_start3A_274 = tpu.memref_slice %arg9[%mul3A_273] : memref<5120xi32, #tpu.memory_space<vmem>> -> memref<64xi32, #tpu.memory_space<vmem>>
      %dma_start3A_275 = arith.constant 0 : i32
      %dma_start3A_276 = arith.constant 0 : i32
      %dma_start3A_277 = tpu.memref_slice %arg17[%dma_start3A_275, %dma_start3A_276] : memref<10240x64xf32, #tpu.memory_space<vmem_shared>> -> memref<10240x64xf32, #tpu.memory_space<vmem_shared>>
      tpu.enqueue_indirect_dma source(%arg13 : memref<64x64xf32, #tpu.memory_space<vmem>>) target(%dma_start3A_277 : memref<10240x64xf32, #tpu.memory_space<vmem_shared>>) offsets(%dma_start3A_274 : memref<64xi32, #tpu.memory_space<vmem>>) semaphore(%arg25 : memref<!tpu.dma_semaphore, #tpu.memory_space<semaphore_mem>>) {add = true}
      %eq3A_278 = arith.constant 0 : i32
      %eq3A_279 = arith.cmpi eq, %arg0, %eq3A_278 : i32
      %convert_element_type3A_280 = arith.extui %eq3A_279 : i1 to i32
      %cond3A_281 = arith.constant 0 : i32
      %cond3A_282 = arith.cmpi ne, %convert_element_type3A_280, %cond3A_281 : i32
      scf.if %cond3A_282 {
        %mul3A_318 = arith.constant 64 : i32
        %mul3A_319 = arith.muli %add3A_265, %mul3A_318 : i32
        %dma_start3A_320 = tpu.memref_slice %arg9[%mul3A_319] : memref<5120xi32, #tpu.memory_space<vmem>> -> memref<64xi32, #tpu.memory_space<vmem>>
        %dma_start3A_321 = arith.constant 0 : i32
        %dma_start3A_322 = tpu.memref_slice %arg18[%dma_start3A_321] : memref<10240xf32, #tpu.memory_space<vmem_shared>> -> memref<10240xf32, #tpu.memory_space<vmem_shared>>
        tpu.enqueue_indirect_dma source(%arg15 : memref<64xf32, #tpu.memory_space<vmem>>) target(%dma_start3A_322 : memref<10240xf32, #tpu.memory_space<vmem_shared>>) offsets(%dma_start3A_320 : memref<64xi32, #tpu.memory_space<vmem>>) semaphore(%arg27 : memref<!tpu.dma_semaphore, #tpu.memory_space<semaphore_mem>>) {add = true}
      } else {
      }
      %add3A_283 = arith.constant 2 : i32
      %add3A_284 = arith.addi %add3A_265, %add3A_283 : i32
      %lt3A_285 = arith.constant 80 : i32
      %lt3A_286 = arith.cmpi slt, %add3A_284, %lt3A_285 : i32
      %convert_element_type3A_287 = arith.extui %lt3A_286 : i1 to i32
      %cond3A_288 = arith.constant 0 : i32
      %cond3A_289 = arith.cmpi ne, %convert_element_type3A_287, %cond3A_288 : i32
      scf.if %cond3A_289 {
        %ge3A = arith.constant 2 : i32
        %ge3A_318 = arith.cmpi sge, %add3A_265, %ge3A : i32
        %convert_element_type3A_319 = arith.extui %ge3A_318 : i1 to i32
        %cond3A_320 = arith.constant 0 : i32
        %cond3A_321 = arith.cmpi ne, %convert_element_type3A_319, %cond3A_320 : i32
        scf.if %cond3A_321 {
          %sub3A = arith.constant 2 : i32
          %sub3A_330 = arith.subi %add3A_265, %sub3A : i32
          %mul3A_331 = arith.constant 64 : i32
          %mul3A_332 = arith.muli %sub3A_330, %mul3A_331 : i32
          %dma_wait3A_333 = tpu.memref_slice %arg9[%mul3A_332] : memref<5120xi32, #tpu.memory_space<vmem>> -> memref<64xi32, #tpu.memory_space<vmem>>
          %dma_wait3A_334 = arith.constant 0 : i32
          %dma_wait3A_335 = arith.constant 0 : i32
          %dma_wait3A_336 = tpu.memref_slice %arg17[%dma_wait3A_334, %dma_wait3A_335] : memref<10240x64xf32, #tpu.memory_space<vmem_shared>> -> memref<10240x64xf32, #tpu.memory_space<vmem_shared>>
          tpu.wait_indirect_dma semaphore(%arg23 : memref<!tpu.dma_semaphore, #tpu.memory_space<semaphore_mem>>) src(%arg11 : memref<64x64xf32, #tpu.memory_space<vmem>>) dst(%dma_wait3A_336 : memref<10240x64xf32, #tpu.memory_space<vmem_shared>>)
        } else {
        }
        %add3A_322 = arith.constant 2 : i32
        %add3A_323 = arith.addi %add3A_265, %add3A_322 : i32
        %mul3A_324 = arith.constant 64 : i32
        %mul3A_325 = arith.muli %add3A_323, %mul3A_324 : i32
        %dma_start3A_326 = tpu.memref_slice %arg10[%mul3A_325] : memref<5120xi32, #tpu.memory_space<vmem>> -> memref<64xi32, #tpu.memory_space<vmem>>
        %dma_start3A_327 = arith.constant 0 : i32
        %dma_start3A_328 = arith.constant 0 : i32
        %dma_start3A_329 = tpu.memref_slice %arg16[%dma_start3A_327, %dma_start3A_328] : memref<10240x64xf32, #tpu.memory_space<vmem_shared>> -> memref<10240x64xf32, #tpu.memory_space<vmem_shared>>
        tpu.enqueue_indirect_dma source(%dma_start3A_329 : memref<10240x64xf32, #tpu.memory_space<vmem_shared>>) target(%arg11 : memref<64x64xf32, #tpu.memory_space<vmem>>) offsets(%dma_start3A_326 : memref<64xi32, #tpu.memory_space<vmem>>) semaphore(%arg19 : memref<!tpu.dma_semaphore, #tpu.memory_space<semaphore_mem>>)
      } else {
      }
      %mul3A_290 = arith.constant 4 : i32
      %mul3A_291 = arith.muli %scan3A_206, %mul3A_290 : i32
      %add3A_292 = arith.constant 3 : i32
      %add3A_293 = arith.addi %mul3A_291, %add3A_292 : i32
      %mul3A_294 = arith.constant 64 : i32
      %mul3A_295 = arith.muli %add3A_293, %mul3A_294 : i32
      %dma_wait3A_296 = tpu.memref_slice %arg10[%mul3A_295] : memref<5120xi32, #tpu.memory_space<vmem>> -> memref<64xi32, #tpu.memory_space<vmem>>
      %dma_wait3A_297 = arith.constant 0 : i32
      %dma_wait3A_298 = arith.constant 0 : i32
      %dma_wait3A_299 = tpu.memref_slice %arg16[%dma_wait3A_297, %dma_wait3A_298] : memref<10240x64xf32, #tpu.memory_space<vmem_shared>> -> memref<10240x64xf32, #tpu.memory_space<vmem_shared>>
      tpu.wait_indirect_dma semaphore(%arg22 : memref<!tpu.dma_semaphore, #tpu.memory_space<semaphore_mem>>) src(%dma_wait3A_299 : memref<10240x64xf32, #tpu.memory_space<vmem_shared>>) dst(%arg14 : memref<64x64xf32, #tpu.memory_space<vmem>>)
      %mul3A_300 = arith.constant 64 : i32
      %mul3A_301 = arith.muli %add3A_293, %mul3A_300 : i32
      %dma_start3A_302 = tpu.memref_slice %arg9[%mul3A_301] : memref<5120xi32, #tpu.memory_space<vmem>> -> memref<64xi32, #tpu.memory_space<vmem>>
      %dma_start3A_303 = arith.constant 0 : i32
      %dma_start3A_304 = arith.constant 0 : i32
      %dma_start3A_305 = tpu.memref_slice %arg17[%dma_start3A_303, %dma_start3A_304] : memref<10240x64xf32, #tpu.memory_space<vmem_shared>> -> memref<10240x64xf32, #tpu.memory_space<vmem_shared>>
      tpu.enqueue_indirect_dma source(%arg14 : memref<64x64xf32, #tpu.memory_space<vmem>>) target(%dma_start3A_305 : memref<10240x64xf32, #tpu.memory_space<vmem_shared>>) offsets(%dma_start3A_302 : memref<64xi32, #tpu.memory_space<vmem>>) semaphore(%arg26 : memref<!tpu.dma_semaphore, #tpu.memory_space<semaphore_mem>>) {add = true}
      %eq3A_306 = arith.constant 0 : i32
      %eq3A_307 = arith.cmpi eq, %arg0, %eq3A_306 : i32
      %convert_element_type3A_308 = arith.extui %eq3A_307 : i1 to i32
      %cond3A_309 = arith.constant 0 : i32
      %cond3A_310 = arith.cmpi ne, %convert_element_type3A_308, %cond3A_309 : i32
      scf.if %cond3A_310 {
        %mul3A_318 = arith.constant 64 : i32
        %mul3A_319 = arith.muli %add3A_293, %mul3A_318 : i32
        %dma_start3A_320 = tpu.memref_slice %arg9[%mul3A_319] : memref<5120xi32, #tpu.memory_space<vmem>> -> memref<64xi32, #tpu.memory_space<vmem>>
        %dma_start3A_321 = arith.constant 0 : i32
        %dma_start3A_322 = tpu.memref_slice %arg18[%dma_start3A_321] : memref<10240xf32, #tpu.memory_space<vmem_shared>> -> memref<10240xf32, #tpu.memory_space<vmem_shared>>
        tpu.enqueue_indirect_dma source(%arg15 : memref<64xf32, #tpu.memory_space<vmem>>) target(%dma_start3A_322 : memref<10240xf32, #tpu.memory_space<vmem_shared>>) offsets(%dma_start3A_320 : memref<64xi32, #tpu.memory_space<vmem>>) semaphore(%arg27 : memref<!tpu.dma_semaphore, #tpu.memory_space<semaphore_mem>>) {add = true}
      } else {
      }
      %add3A_311 = arith.constant 2 : i32
      %add3A_312 = arith.addi %add3A_293, %add3A_311 : i32
      %lt3A_313 = arith.constant 80 : i32
      %lt3A_314 = arith.cmpi slt, %add3A_312, %lt3A_313 : i32
      %convert_element_type3A_315 = arith.extui %lt3A_314 : i1 to i32
      %cond3A_316 = arith.constant 0 : i32
      %cond3A_317 = arith.cmpi ne, %convert_element_type3A_315, %cond3A_316 : i32
      scf.if %cond3A_317 {
        %ge3A = arith.constant 2 : i32
        %ge3A_318 = arith.cmpi sge, %add3A_293, %ge3A : i32
        %convert_element_type3A_319 = arith.extui %ge3A_318 : i1 to i32
        %cond3A_320 = arith.constant 0 : i32
        %cond3A_321 = arith.cmpi ne, %convert_element_type3A_319, %cond3A_320 : i32
        scf.if %cond3A_321 {
          %sub3A = arith.constant 2 : i32
          %sub3A_330 = arith.subi %add3A_293, %sub3A : i32
          %mul3A_331 = arith.constant 64 : i32
          %mul3A_332 = arith.muli %sub3A_330, %mul3A_331 : i32
          %dma_wait3A_333 = tpu.memref_slice %arg9[%mul3A_332] : memref<5120xi32, #tpu.memory_space<vmem>> -> memref<64xi32, #tpu.memory_space<vmem>>
          %dma_wait3A_334 = arith.constant 0 : i32
          %dma_wait3A_335 = arith.constant 0 : i32
          %dma_wait3A_336 = tpu.memref_slice %arg17[%dma_wait3A_334, %dma_wait3A_335] : memref<10240x64xf32, #tpu.memory_space<vmem_shared>> -> memref<10240x64xf32, #tpu.memory_space<vmem_shared>>
          tpu.wait_indirect_dma semaphore(%arg24 : memref<!tpu.dma_semaphore, #tpu.memory_space<semaphore_mem>>) src(%arg12 : memref<64x64xf32, #tpu.memory_space<vmem>>) dst(%dma_wait3A_336 : memref<10240x64xf32, #tpu.memory_space<vmem_shared>>)
        } else {
        }
        %add3A_322 = arith.constant 2 : i32
        %add3A_323 = arith.addi %add3A_293, %add3A_322 : i32
        %mul3A_324 = arith.constant 64 : i32
        %mul3A_325 = arith.muli %add3A_323, %mul3A_324 : i32
        %dma_start3A_326 = tpu.memref_slice %arg10[%mul3A_325] : memref<5120xi32, #tpu.memory_space<vmem>> -> memref<64xi32, #tpu.memory_space<vmem>>
        %dma_start3A_327 = arith.constant 0 : i32
        %dma_start3A_328 = arith.constant 0 : i32
        %dma_start3A_329 = tpu.memref_slice %arg16[%dma_start3A_327, %dma_start3A_328] : memref<10240x64xf32, #tpu.memory_space<vmem_shared>> -> memref<10240x64xf32, #tpu.memory_space<vmem_shared>>
        tpu.enqueue_indirect_dma source(%dma_start3A_329 : memref<10240x64xf32, #tpu.memory_space<vmem_shared>>) target(%arg12 : memref<64x64xf32, #tpu.memory_space<vmem>>) offsets(%dma_start3A_326 : memref<64xi32, #tpu.memory_space<vmem>>) semaphore(%arg20 : memref<!tpu.dma_semaphore, #tpu.memory_space<semaphore_mem>>)
      } else {
      }
    }
    %scan3A_76 = arith.constant 20 : i32
    %dma_wait3A_77 = arith.constant 4864 : i32
    %dma_wait3A_78 = tpu.memref_slice %arg9[%dma_wait3A_77] : memref<5120xi32, #tpu.memory_space<vmem>> -> memref<64xi32, #tpu.memory_space<vmem>>
    %dma_wait3A_79 = arith.constant 0 : i32
    %dma_wait3A_80 = arith.constant 0 : i32
    %dma_wait3A_81 = tpu.memref_slice %arg17[%dma_wait3A_79, %dma_wait3A_80] : memref<10240x64xf32, #tpu.memory_space<vmem_shared>> -> memref<10240x64xf32, #tpu.memory_space<vmem_shared>>
    tpu.wait_indirect_dma semaphore(%arg23 : memref<!tpu.dma_semaphore, #tpu.memory_space<semaphore_mem>>) src(%arg11 : memref<64x64xf32, #tpu.memory_space<vmem>>) dst(%dma_wait3A_81 : memref<10240x64xf32, #tpu.memory_space<vmem_shared>>)
    %dma_wait3A_82 = arith.constant 4928 : i32
    %dma_wait3A_83 = tpu.memref_slice %arg9[%dma_wait3A_82] : memref<5120xi32, #tpu.memory_space<vmem>> -> memref<64xi32, #tpu.memory_space<vmem>>
    %dma_wait3A_84 = arith.constant 0 : i32
    %dma_wait3A_85 = arith.constant 0 : i32
    %dma_wait3A_86 = tpu.memref_slice %arg17[%dma_wait3A_84, %dma_wait3A_85] : memref<10240x64xf32, #tpu.memory_space<vmem_shared>> -> memref<10240x64xf32, #tpu.memory_space<vmem_shared>>
    tpu.wait_indirect_dma semaphore(%arg24 : memref<!tpu.dma_semaphore, #tpu.memory_space<semaphore_mem>>) src(%arg12 : memref<64x64xf32, #tpu.memory_space<vmem>>) dst(%dma_wait3A_86 : memref<10240x64xf32, #tpu.memory_space<vmem_shared>>)
    %dma_wait3A_87 = arith.constant 4992 : i32
    %dma_wait3A_88 = tpu.memref_slice %arg9[%dma_wait3A_87] : memref<5120xi32, #tpu.memory_space<vmem>> -> memref<64xi32, #tpu.memory_space<vmem>>
    %dma_wait3A_89 = arith.constant 0 : i32
    %dma_wait3A_90 = arith.constant 0 : i32
    %dma_wait3A_91 = tpu.memref_slice %arg17[%dma_wait3A_89, %dma_wait3A_90] : memref<10240x64xf32, #tpu.memory_space<vmem_shared>> -> memref<10240x64xf32, #tpu.memory_space<vmem_shared>>
    tpu.wait_indirect_dma semaphore(%arg25 : memref<!tpu.dma_semaphore, #tpu.memory_space<semaphore_mem>>) src(%arg13 : memref<64x64xf32, #tpu.memory_space<vmem>>) dst(%dma_wait3A_91 : memref<10240x64xf32, #tpu.memory_space<vmem_shared>>)
    %dma_wait3A_92 = arith.constant 5056 : i32
    %dma_wait3A_93 = tpu.memref_slice %arg9[%dma_wait3A_92] : memref<5120xi32, #tpu.memory_space<vmem>> -> memref<64xi32, #tpu.memory_space<vmem>>
    %dma_wait3A_94 = arith.constant 0 : i32
    %dma_wait3A_95 = arith.constant 0 : i32
    %dma_wait3A_96 = tpu.memref_slice %arg17[%dma_wait3A_94, %dma_wait3A_95] : memref<10240x64xf32, #tpu.memory_space<vmem_shared>> -> memref<10240x64xf32, #tpu.memory_space<vmem_shared>>
    tpu.wait_indirect_dma semaphore(%arg26 : memref<!tpu.dma_semaphore, #tpu.memory_space<semaphore_mem>>) src(%arg14 : memref<64x64xf32, #tpu.memory_space<vmem>>) dst(%dma_wait3A_96 : memref<10240x64xf32, #tpu.memory_space<vmem_shared>>)
    %eq3A_97 = arith.constant 0 : i32
    %eq3A_98 = arith.cmpi eq, %arg0, %eq3A_97 : i32
    %convert_element_type3A_99 = arith.extui %eq3A_98 : i1 to i32
    %cond3A_100 = arith.constant 0 : i32
    %cond3A_101 = arith.cmpi ne, %convert_element_type3A_99, %cond3A_100 : i32
    scf.if %cond3A_101 {
      %scan3A_206 = arith.constant 0 : i32
      %scan3A_207 = arith.constant 0 : i32
      %scan3A_208 = arith.constant 80 : i32
      %scan3A_209 = arith.addi %scan3A_207, %scan3A_208 : i32
      %scan3A_210 = arith.constant 1 : i32
      scf.for %scan3A_212 = %scan3A_207 to %scan3A_209 step %scan3A_210  : i32 {
        %mul3A_213 = arith.constant 64 : i32
        %mul3A_214 = arith.muli %scan3A_212, %mul3A_213 : i32
        %dma_wait3A_215 = tpu.memref_slice %arg9[%mul3A_214] : memref<5120xi32, #tpu.memory_space<vmem>> -> memref<64xi32, #tpu.memory_space<vmem>>
        %dma_wait3A_216 = arith.constant 0 : i32
        %dma_wait3A_217 = tpu.memref_slice %arg18[%dma_wait3A_216] : memref<10240xf32, #tpu.memory_space<vmem_shared>> -> memref<10240xf32, #tpu.memory_space<vmem_shared>>
        tpu.wait_indirect_dma semaphore(%arg27 : memref<!tpu.dma_semaphore, #tpu.memory_space<semaphore_mem>>) src(%arg15 : memref<64xf32, #tpu.memory_space<vmem>>) dst(%dma_wait3A_217 : memref<10240xf32, #tpu.memory_space<vmem_shared>>)
      }
      %scan3A_211 = arith.constant 80 : i32
    } else {
    }
    %mul3A_102 = arith.constant 320 : i32
    %mul3A_103 = arith.muli %arg1, %mul3A_102 : i32
    %add3A_104 = arith.constant 160 : i32
    %add3A_105 = arith.addi %mul3A_103, %add3A_104 : i32
    %mul3A_106 = arith.constant 64 : i32
    %mul3A_107 = arith.muli %add3A_105, %mul3A_106 : i32
    %run_scoped3A_108 = arith.constant 0 : i32
    "tpu.region"() ({
      %run_scoped3A_206 = tpu.sem_alloc : memref<!tpu.dma_semaphore, #tpu.memory_space<semaphore_mem>>
      %dma_start3A_207 = tpu.memref_slice %arg3[%run_scoped3A_108, %mul3A_107] : memref<2x327680xi32, #tpu.memory_space<hbm>> -> memref<1x5120xi32, #tpu.memory_space<hbm>>
      %dma_start3A_208 = tpu.memref_squeeze %dma_start3A_207 : memref<1x5120xi32, #tpu.memory_space<hbm>> -> memref<5120xi32, #tpu.memory_space<hbm>>
      %dma_start3A_209 = tpu.memref_slice %arg3[%run_scoped3A_108, %mul3A_107] : memref<2x327680xi32, #tpu.memory_space<hbm>> -> memref<1x5120xi32, #tpu.memory_space<hbm>>
      %dma_start3A_210 = tpu.memref_squeeze %dma_start3A_209 : memref<1x5120xi32, #tpu.memory_space<hbm>> -> memref<5120xi32, #tpu.memory_space<hbm>>
      tpu.enqueue_dma source(%dma_start3A_210 : memref<5120xi32, #tpu.memory_space<hbm>>) target(%arg9 : memref<5120xi32, #tpu.memory_space<vmem>>) target_semaphore(%run_scoped3A_206 : memref<!tpu.dma_semaphore, #tpu.memory_space<semaphore_mem>>)
      %dma_wait3A_211 = tpu.memref_slice %arg3[%run_scoped3A_108, %mul3A_107] : memref<2x327680xi32, #tpu.memory_space<hbm>> -> memref<1x5120xi32, #tpu.memory_space<hbm>>
      %dma_wait3A_212 = tpu.memref_squeeze %dma_wait3A_211 : memref<1x5120xi32, #tpu.memory_space<hbm>> -> memref<5120xi32, #tpu.memory_space<hbm>>
      %dma_wait3A_213 = tpu.memref_slice %arg3[%run_scoped3A_108, %mul3A_107] : memref<2x327680xi32, #tpu.memory_space<hbm>> -> memref<1x5120xi32, #tpu.memory_space<hbm>>
      %dma_wait3A_214 = tpu.memref_squeeze %dma_wait3A_213 : memref<1x5120xi32, #tpu.memory_space<hbm>> -> memref<5120xi32, #tpu.memory_space<hbm>>
      tpu.wait_dma2 semaphore(%run_scoped3A_206 : memref<!tpu.dma_semaphore, #tpu.memory_space<semaphore_mem>>) src(%dma_wait3A_214 : memref<5120xi32, #tpu.memory_space<hbm>>) dst(%arg9 : memref<5120xi32, #tpu.memory_space<vmem>>)
      tpu.yield
    }) : () -> ()
    %run_scoped3A_109 = arith.constant 1 : i32
    "tpu.region"() ({
      %run_scoped3A_206 = tpu.sem_alloc : memref<!tpu.dma_semaphore, #tpu.memory_space<semaphore_mem>>
      %dma_start3A_207 = tpu.memref_slice %arg3[%run_scoped3A_109, %mul3A_107] : memref<2x327680xi32, #tpu.memory_space<hbm>> -> memref<1x5120xi32, #tpu.memory_space<hbm>>
      %dma_start3A_208 = tpu.memref_squeeze %dma_start3A_207 : memref<1x5120xi32, #tpu.memory_space<hbm>> -> memref<5120xi32, #tpu.memory_space<hbm>>
      %dma_start3A_209 = tpu.memref_slice %arg3[%run_scoped3A_109, %mul3A_107] : memref<2x327680xi32, #tpu.memory_space<hbm>> -> memref<1x5120xi32, #tpu.memory_space<hbm>>
      %dma_start3A_210 = tpu.memref_squeeze %dma_start3A_209 : memref<1x5120xi32, #tpu.memory_space<hbm>> -> memref<5120xi32, #tpu.memory_space<hbm>>
      tpu.enqueue_dma source(%dma_start3A_210 : memref<5120xi32, #tpu.memory_space<hbm>>) target(%arg10 : memref<5120xi32, #tpu.memory_space<vmem>>) target_semaphore(%run_scoped3A_206 : memref<!tpu.dma_semaphore, #tpu.memory_space<semaphore_mem>>)
      %dma_wait3A_211 = tpu.memref_slice %arg3[%run_scoped3A_109, %mul3A_107] : memref<2x327680xi32, #tpu.memory_space<hbm>> -> memref<1x5120xi32, #tpu.memory_space<hbm>>
      %dma_wait3A_212 = tpu.memref_squeeze %dma_wait3A_211 : memref<1x5120xi32, #tpu.memory_space<hbm>> -> memref<5120xi32, #tpu.memory_space<hbm>>
      %dma_wait3A_213 = tpu.memref_slice %arg3[%run_scoped3A_109, %mul3A_107] : memref<2x327680xi32, #tpu.memory_space<hbm>> -> memref<1x5120xi32, #tpu.memory_space<hbm>>
      %dma_wait3A_214 = tpu.memref_squeeze %dma_wait3A_213 : memref<1x5120xi32, #tpu.memory_space<hbm>> -> memref<5120xi32, #tpu.memory_space<hbm>>
      tpu.wait_dma2 semaphore(%run_scoped3A_206 : memref<!tpu.dma_semaphore, #tpu.memory_space<semaphore_mem>>) src(%dma_wait3A_214 : memref<5120xi32, #tpu.memory_space<hbm>>) dst(%arg10 : memref<5120xi32, #tpu.memory_space<vmem>>)
      tpu.yield
    }) : () -> ()
    %dma_start3A_110 = arith.constant 0 : i32
    %dma_start3A_111 = tpu.memref_slice %arg10[%dma_start3A_110] : memref<5120xi32, #tpu.memory_space<vmem>> -> memref<64xi32, #tpu.memory_space<vmem>>
    %dma_start3A_112 = arith.constant 0 : i32
    %dma_start3A_113 = arith.constant 0 : i32
    %dma_start3A_114 = tpu.memref_slice %arg16[%dma_start3A_112, %dma_start3A_113] : memref<10240x64xf32, #tpu.memory_space<vmem_shared>> -> memref<10240x64xf32, #tpu.memory_space<vmem_shared>>
    tpu.enqueue_indirect_dma source(%dma_start3A_114 : memref<10240x64xf32, #tpu.memory_space<vmem_shared>>) target(%arg11 : memref<64x64xf32, #tpu.memory_space<vmem>>) offsets(%dma_start3A_111 : memref<64xi32, #tpu.memory_space<vmem>>) semaphore(%arg19 : memref<!tpu.dma_semaphore, #tpu.memory_space<semaphore_mem>>)
    %dma_start3A_115 = arith.constant 64 : i32
    %dma_start3A_116 = tpu.memref_slice %arg10[%dma_start3A_115] : memref<5120xi32, #tpu.memory_space<vmem>> -> memref<64xi32, #tpu.memory_space<vmem>>
    %dma_start3A_117 = arith.constant 0 : i32
    %dma_start3A_118 = arith.constant 0 : i32
    %dma_start3A_119 = tpu.memref_slice %arg16[%dma_start3A_117, %dma_start3A_118] : memref<10240x64xf32, #tpu.memory_space<vmem_shared>> -> memref<10240x64xf32, #tpu.memory_space<vmem_shared>>
    tpu.enqueue_indirect_dma source(%dma_start3A_119 : memref<10240x64xf32, #tpu.memory_space<vmem_shared>>) target(%arg12 : memref<64x64xf32, #tpu.memory_space<vmem>>) offsets(%dma_start3A_116 : memref<64xi32, #tpu.memory_space<vmem>>) semaphore(%arg20 : memref<!tpu.dma_semaphore, #tpu.memory_space<semaphore_mem>>)
    %scan3A_120 = arith.constant 0 : i32
    %scan3A_121 = arith.constant 0 : i32
    %scan3A_122 = arith.constant 20 : i32
    %scan3A_123 = arith.addi %scan3A_121, %scan3A_122 : i32
    %scan3A_124 = arith.constant 1 : i32
    scf.for %scan3A_206 = %scan3A_121 to %scan3A_123 step %scan3A_124  : i32 {
      %mul3A_207 = arith.constant 4 : i32
      %mul3A_208 = arith.muli %scan3A_206, %mul3A_207 : i32
      %add3A_209 = arith.constant 0 : i32
      %add3A_210 = arith.addi %mul3A_208, %add3A_209 : i32
      %mul3A_211 = arith.constant 64 : i32
      %mul3A_212 = arith.muli %add3A_210, %mul3A_211 : i32
      %dma_wait3A_213 = tpu.memref_slice %arg10[%mul3A_212] : memref<5120xi32, #tpu.memory_space<vmem>> -> memref<64xi32, #tpu.memory_space<vmem>>
      %dma_wait3A_214 = arith.constant 0 : i32
      %dma_wait3A_215 = arith.constant 0 : i32
      %dma_wait3A_216 = tpu.memref_slice %arg16[%dma_wait3A_214, %dma_wait3A_215] : memref<10240x64xf32, #tpu.memory_space<vmem_shared>> -> memref<10240x64xf32, #tpu.memory_space<vmem_shared>>
      tpu.wait_indirect_dma semaphore(%arg19 : memref<!tpu.dma_semaphore, #tpu.memory_space<semaphore_mem>>) src(%dma_wait3A_216 : memref<10240x64xf32, #tpu.memory_space<vmem_shared>>) dst(%arg11 : memref<64x64xf32, #tpu.memory_space<vmem>>)
      %mul3A_217 = arith.constant 64 : i32
      %mul3A_218 = arith.muli %add3A_210, %mul3A_217 : i32
      %dma_start3A_219 = tpu.memref_slice %arg9[%mul3A_218] : memref<5120xi32, #tpu.memory_space<vmem>> -> memref<64xi32, #tpu.memory_space<vmem>>
      %dma_start3A_220 = arith.constant 0 : i32
      %dma_start3A_221 = arith.constant 0 : i32
      %dma_start3A_222 = tpu.memref_slice %arg17[%dma_start3A_220, %dma_start3A_221] : memref<10240x64xf32, #tpu.memory_space<vmem_shared>> -> memref<10240x64xf32, #tpu.memory_space<vmem_shared>>
      tpu.enqueue_indirect_dma source(%arg11 : memref<64x64xf32, #tpu.memory_space<vmem>>) target(%dma_start3A_222 : memref<10240x64xf32, #tpu.memory_space<vmem_shared>>) offsets(%dma_start3A_219 : memref<64xi32, #tpu.memory_space<vmem>>) semaphore(%arg23 : memref<!tpu.dma_semaphore, #tpu.memory_space<semaphore_mem>>) {add = true}
      %eq3A_223 = arith.constant 1 : i32
      %eq3A_224 = arith.cmpi eq, %arg0, %eq3A_223 : i32
      %convert_element_type3A_225 = arith.extui %eq3A_224 : i1 to i32
      %cond3A_226 = arith.constant 0 : i32
      %cond3A_227 = arith.cmpi ne, %convert_element_type3A_225, %cond3A_226 : i32
      scf.if %cond3A_227 {
        %mul3A_318 = arith.constant 64 : i32
        %mul3A_319 = arith.muli %add3A_210, %mul3A_318 : i32
        %dma_start3A_320 = tpu.memref_slice %arg9[%mul3A_319] : memref<5120xi32, #tpu.memory_space<vmem>> -> memref<64xi32, #tpu.memory_space<vmem>>
        %dma_start3A_321 = arith.constant 0 : i32
        %dma_start3A_322 = tpu.memref_slice %arg18[%dma_start3A_321] : memref<10240xf32, #tpu.memory_space<vmem_shared>> -> memref<10240xf32, #tpu.memory_space<vmem_shared>>
        tpu.enqueue_indirect_dma source(%arg15 : memref<64xf32, #tpu.memory_space<vmem>>) target(%dma_start3A_322 : memref<10240xf32, #tpu.memory_space<vmem_shared>>) offsets(%dma_start3A_320 : memref<64xi32, #tpu.memory_space<vmem>>) semaphore(%arg27 : memref<!tpu.dma_semaphore, #tpu.memory_space<semaphore_mem>>) {add = true}
      } else {
      }
      %add3A_228 = arith.constant 2 : i32
      %add3A_229 = arith.addi %add3A_210, %add3A_228 : i32
      %lt3A = arith.constant 80 : i32
      %lt3A_230 = arith.cmpi slt, %add3A_229, %lt3A : i32
      %convert_element_type3A_231 = arith.extui %lt3A_230 : i1 to i32
      %cond3A_232 = arith.constant 0 : i32
      %cond3A_233 = arith.cmpi ne, %convert_element_type3A_231, %cond3A_232 : i32
      scf.if %cond3A_233 {
        %ge3A = arith.constant 2 : i32
        %ge3A_318 = arith.cmpi sge, %add3A_210, %ge3A : i32
        %convert_element_type3A_319 = arith.extui %ge3A_318 : i1 to i32
        %cond3A_320 = arith.constant 0 : i32
        %cond3A_321 = arith.cmpi ne, %convert_element_type3A_319, %cond3A_320 : i32
        scf.if %cond3A_321 {
          %sub3A = arith.constant 2 : i32
          %sub3A_330 = arith.subi %add3A_210, %sub3A : i32
          %mul3A_331 = arith.constant 64 : i32
          %mul3A_332 = arith.muli %sub3A_330, %mul3A_331 : i32
          %dma_wait3A_333 = tpu.memref_slice %arg9[%mul3A_332] : memref<5120xi32, #tpu.memory_space<vmem>> -> memref<64xi32, #tpu.memory_space<vmem>>
          %dma_wait3A_334 = arith.constant 0 : i32
          %dma_wait3A_335 = arith.constant 0 : i32
          %dma_wait3A_336 = tpu.memref_slice %arg17[%dma_wait3A_334, %dma_wait3A_335] : memref<10240x64xf32, #tpu.memory_space<vmem_shared>> -> memref<10240x64xf32, #tpu.memory_space<vmem_shared>>
          tpu.wait_indirect_dma semaphore(%arg25 : memref<!tpu.dma_semaphore, #tpu.memory_space<semaphore_mem>>) src(%arg13 : memref<64x64xf32, #tpu.memory_space<vmem>>) dst(%dma_wait3A_336 : memref<10240x64xf32, #tpu.memory_space<vmem_shared>>)
        } else {
        }
        %add3A_322 = arith.constant 2 : i32
        %add3A_323 = arith.addi %add3A_210, %add3A_322 : i32
        %mul3A_324 = arith.constant 64 : i32
        %mul3A_325 = arith.muli %add3A_323, %mul3A_324 : i32
        %dma_start3A_326 = tpu.memref_slice %arg10[%mul3A_325] : memref<5120xi32, #tpu.memory_space<vmem>> -> memref<64xi32, #tpu.memory_space<vmem>>
        %dma_start3A_327 = arith.constant 0 : i32
        %dma_start3A_328 = arith.constant 0 : i32
        %dma_start3A_329 = tpu.memref_slice %arg16[%dma_start3A_327, %dma_start3A_328] : memref<10240x64xf32, #tpu.memory_space<vmem_shared>> -> memref<10240x64xf32, #tpu.memory_space<vmem_shared>>
        tpu.enqueue_indirect_dma source(%dma_start3A_329 : memref<10240x64xf32, #tpu.memory_space<vmem_shared>>) target(%arg13 : memref<64x64xf32, #tpu.memory_space<vmem>>) offsets(%dma_start3A_326 : memref<64xi32, #tpu.memory_space<vmem>>) semaphore(%arg21 : memref<!tpu.dma_semaphore, #tpu.memory_space<semaphore_mem>>)
      } else {
      }
      %mul3A_234 = arith.constant 4 : i32
      %mul3A_235 = arith.muli %scan3A_206, %mul3A_234 : i32
      %add3A_236 = arith.constant 1 : i32
      %add3A_237 = arith.addi %mul3A_235, %add3A_236 : i32
      %mul3A_238 = arith.constant 64 : i32
      %mul3A_239 = arith.muli %add3A_237, %mul3A_238 : i32
      %dma_wait3A_240 = tpu.memref_slice %arg10[%mul3A_239] : memref<5120xi32, #tpu.memory_space<vmem>> -> memref<64xi32, #tpu.memory_space<vmem>>
      %dma_wait3A_241 = arith.constant 0 : i32
      %dma_wait3A_242 = arith.constant 0 : i32
      %dma_wait3A_243 = tpu.memref_slice %arg16[%dma_wait3A_241, %dma_wait3A_242] : memref<10240x64xf32, #tpu.memory_space<vmem_shared>> -> memref<10240x64xf32, #tpu.memory_space<vmem_shared>>
      tpu.wait_indirect_dma semaphore(%arg20 : memref<!tpu.dma_semaphore, #tpu.memory_space<semaphore_mem>>) src(%dma_wait3A_243 : memref<10240x64xf32, #tpu.memory_space<vmem_shared>>) dst(%arg12 : memref<64x64xf32, #tpu.memory_space<vmem>>)
      %mul3A_244 = arith.constant 64 : i32
      %mul3A_245 = arith.muli %add3A_237, %mul3A_244 : i32
      %dma_start3A_246 = tpu.memref_slice %arg9[%mul3A_245] : memref<5120xi32, #tpu.memory_space<vmem>> -> memref<64xi32, #tpu.memory_space<vmem>>
      %dma_start3A_247 = arith.constant 0 : i32
      %dma_start3A_248 = arith.constant 0 : i32
      %dma_start3A_249 = tpu.memref_slice %arg17[%dma_start3A_247, %dma_start3A_248] : memref<10240x64xf32, #tpu.memory_space<vmem_shared>> -> memref<10240x64xf32, #tpu.memory_space<vmem_shared>>
      tpu.enqueue_indirect_dma source(%arg12 : memref<64x64xf32, #tpu.memory_space<vmem>>) target(%dma_start3A_249 : memref<10240x64xf32, #tpu.memory_space<vmem_shared>>) offsets(%dma_start3A_246 : memref<64xi32, #tpu.memory_space<vmem>>) semaphore(%arg24 : memref<!tpu.dma_semaphore, #tpu.memory_space<semaphore_mem>>) {add = true}
      %eq3A_250 = arith.constant 1 : i32
      %eq3A_251 = arith.cmpi eq, %arg0, %eq3A_250 : i32
      %convert_element_type3A_252 = arith.extui %eq3A_251 : i1 to i32
      %cond3A_253 = arith.constant 0 : i32
      %cond3A_254 = arith.cmpi ne, %convert_element_type3A_252, %cond3A_253 : i32
      scf.if %cond3A_254 {
        %mul3A_318 = arith.constant 64 : i32
        %mul3A_319 = arith.muli %add3A_237, %mul3A_318 : i32
        %dma_start3A_320 = tpu.memref_slice %arg9[%mul3A_319] : memref<5120xi32, #tpu.memory_space<vmem>> -> memref<64xi32, #tpu.memory_space<vmem>>
        %dma_start3A_321 = arith.constant 0 : i32
        %dma_start3A_322 = tpu.memref_slice %arg18[%dma_start3A_321] : memref<10240xf32, #tpu.memory_space<vmem_shared>> -> memref<10240xf32, #tpu.memory_space<vmem_shared>>
        tpu.enqueue_indirect_dma source(%arg15 : memref<64xf32, #tpu.memory_space<vmem>>) target(%dma_start3A_322 : memref<10240xf32, #tpu.memory_space<vmem_shared>>) offsets(%dma_start3A_320 : memref<64xi32, #tpu.memory_space<vmem>>) semaphore(%arg27 : memref<!tpu.dma_semaphore, #tpu.memory_space<semaphore_mem>>) {add = true}
      } else {
      }
      %add3A_255 = arith.constant 2 : i32
      %add3A_256 = arith.addi %add3A_237, %add3A_255 : i32
      %lt3A_257 = arith.constant 80 : i32
      %lt3A_258 = arith.cmpi slt, %add3A_256, %lt3A_257 : i32
      %convert_element_type3A_259 = arith.extui %lt3A_258 : i1 to i32
      %cond3A_260 = arith.constant 0 : i32
      %cond3A_261 = arith.cmpi ne, %convert_element_type3A_259, %cond3A_260 : i32
      scf.if %cond3A_261 {
        %ge3A = arith.constant 2 : i32
        %ge3A_318 = arith.cmpi sge, %add3A_237, %ge3A : i32
        %convert_element_type3A_319 = arith.extui %ge3A_318 : i1 to i32
        %cond3A_320 = arith.constant 0 : i32
        %cond3A_321 = arith.cmpi ne, %convert_element_type3A_319, %cond3A_320 : i32
        scf.if %cond3A_321 {
          %sub3A = arith.constant 2 : i32
          %sub3A_330 = arith.subi %add3A_237, %sub3A : i32
          %mul3A_331 = arith.constant 64 : i32
          %mul3A_332 = arith.muli %sub3A_330, %mul3A_331 : i32
          %dma_wait3A_333 = tpu.memref_slice %arg9[%mul3A_332] : memref<5120xi32, #tpu.memory_space<vmem>> -> memref<64xi32, #tpu.memory_space<vmem>>
          %dma_wait3A_334 = arith.constant 0 : i32
          %dma_wait3A_335 = arith.constant 0 : i32
          %dma_wait3A_336 = tpu.memref_slice %arg17[%dma_wait3A_334, %dma_wait3A_335] : memref<10240x64xf32, #tpu.memory_space<vmem_shared>> -> memref<10240x64xf32, #tpu.memory_space<vmem_shared>>
          tpu.wait_indirect_dma semaphore(%arg26 : memref<!tpu.dma_semaphore, #tpu.memory_space<semaphore_mem>>) src(%arg14 : memref<64x64xf32, #tpu.memory_space<vmem>>) dst(%dma_wait3A_336 : memref<10240x64xf32, #tpu.memory_space<vmem_shared>>)
        } else {
        }
        %add3A_322 = arith.constant 2 : i32
        %add3A_323 = arith.addi %add3A_237, %add3A_322 : i32
        %mul3A_324 = arith.constant 64 : i32
        %mul3A_325 = arith.muli %add3A_323, %mul3A_324 : i32
        %dma_start3A_326 = tpu.memref_slice %arg10[%mul3A_325] : memref<5120xi32, #tpu.memory_space<vmem>> -> memref<64xi32, #tpu.memory_space<vmem>>
        %dma_start3A_327 = arith.constant 0 : i32
        %dma_start3A_328 = arith.constant 0 : i32
        %dma_start3A_329 = tpu.memref_slice %arg16[%dma_start3A_327, %dma_start3A_328] : memref<10240x64xf32, #tpu.memory_space<vmem_shared>> -> memref<10240x64xf32, #tpu.memory_space<vmem_shared>>
        tpu.enqueue_indirect_dma source(%dma_start3A_329 : memref<10240x64xf32, #tpu.memory_space<vmem_shared>>) target(%arg14 : memref<64x64xf32, #tpu.memory_space<vmem>>) offsets(%dma_start3A_326 : memref<64xi32, #tpu.memory_space<vmem>>) semaphore(%arg22 : memref<!tpu.dma_semaphore, #tpu.memory_space<semaphore_mem>>)
      } else {
      }
      %mul3A_262 = arith.constant 4 : i32
      %mul3A_263 = arith.muli %scan3A_206, %mul3A_262 : i32
      %add3A_264 = arith.constant 2 : i32
      %add3A_265 = arith.addi %mul3A_263, %add3A_264 : i32
      %mul3A_266 = arith.constant 64 : i32
      %mul3A_267 = arith.muli %add3A_265, %mul3A_266 : i32
      %dma_wait3A_268 = tpu.memref_slice %arg10[%mul3A_267] : memref<5120xi32, #tpu.memory_space<vmem>> -> memref<64xi32, #tpu.memory_space<vmem>>
      %dma_wait3A_269 = arith.constant 0 : i32
      %dma_wait3A_270 = arith.constant 0 : i32
      %dma_wait3A_271 = tpu.memref_slice %arg16[%dma_wait3A_269, %dma_wait3A_270] : memref<10240x64xf32, #tpu.memory_space<vmem_shared>> -> memref<10240x64xf32, #tpu.memory_space<vmem_shared>>
      tpu.wait_indirect_dma semaphore(%arg21 : memref<!tpu.dma_semaphore, #tpu.memory_space<semaphore_mem>>) src(%dma_wait3A_271 : memref<10240x64xf32, #tpu.memory_space<vmem_shared>>) dst(%arg13 : memref<64x64xf32, #tpu.memory_space<vmem>>)
      %mul3A_272 = arith.constant 64 : i32
      %mul3A_273 = arith.muli %add3A_265, %mul3A_272 : i32
      %dma_start3A_274 = tpu.memref_slice %arg9[%mul3A_273] : memref<5120xi32, #tpu.memory_space<vmem>> -> memref<64xi32, #tpu.memory_space<vmem>>
      %dma_start3A_275 = arith.constant 0 : i32
      %dma_start3A_276 = arith.constant 0 : i32
      %dma_start3A_277 = tpu.memref_slice %arg17[%dma_start3A_275, %dma_start3A_276] : memref<10240x64xf32, #tpu.memory_space<vmem_shared>> -> memref<10240x64xf32, #tpu.memory_space<vmem_shared>>
      tpu.enqueue_indirect_dma source(%arg13 : memref<64x64xf32, #tpu.memory_space<vmem>>) target(%dma_start3A_277 : memref<10240x64xf32, #tpu.memory_space<vmem_shared>>) offsets(%dma_start3A_274 : memref<64xi32, #tpu.memory_space<vmem>>) semaphore(%arg25 : memref<!tpu.dma_semaphore, #tpu.memory_space<semaphore_mem>>) {add = true}
      %eq3A_278 = arith.constant 1 : i32
      %eq3A_279 = arith.cmpi eq, %arg0, %eq3A_278 : i32
      %convert_element_type3A_280 = arith.extui %eq3A_279 : i1 to i32
      %cond3A_281 = arith.constant 0 : i32
      %cond3A_282 = arith.cmpi ne, %convert_element_type3A_280, %cond3A_281 : i32
      scf.if %cond3A_282 {
        %mul3A_318 = arith.constant 64 : i32
        %mul3A_319 = arith.muli %add3A_265, %mul3A_318 : i32
        %dma_start3A_320 = tpu.memref_slice %arg9[%mul3A_319] : memref<5120xi32, #tpu.memory_space<vmem>> -> memref<64xi32, #tpu.memory_space<vmem>>
        %dma_start3A_321 = arith.constant 0 : i32
        %dma_start3A_322 = tpu.memref_slice %arg18[%dma_start3A_321] : memref<10240xf32, #tpu.memory_space<vmem_shared>> -> memref<10240xf32, #tpu.memory_space<vmem_shared>>
        tpu.enqueue_indirect_dma source(%arg15 : memref<64xf32, #tpu.memory_space<vmem>>) target(%dma_start3A_322 : memref<10240xf32, #tpu.memory_space<vmem_shared>>) offsets(%dma_start3A_320 : memref<64xi32, #tpu.memory_space<vmem>>) semaphore(%arg27 : memref<!tpu.dma_semaphore, #tpu.memory_space<semaphore_mem>>) {add = true}
      } else {
      }
      %add3A_283 = arith.constant 2 : i32
      %add3A_284 = arith.addi %add3A_265, %add3A_283 : i32
      %lt3A_285 = arith.constant 80 : i32
      %lt3A_286 = arith.cmpi slt, %add3A_284, %lt3A_285 : i32
      %convert_element_type3A_287 = arith.extui %lt3A_286 : i1 to i32
      %cond3A_288 = arith.constant 0 : i32
      %cond3A_289 = arith.cmpi ne, %convert_element_type3A_287, %cond3A_288 : i32
      scf.if %cond3A_289 {
        %ge3A = arith.constant 2 : i32
        %ge3A_318 = arith.cmpi sge, %add3A_265, %ge3A : i32
        %convert_element_type3A_319 = arith.extui %ge3A_318 : i1 to i32
        %cond3A_320 = arith.constant 0 : i32
        %cond3A_321 = arith.cmpi ne, %convert_element_type3A_319, %cond3A_320 : i32
        scf.if %cond3A_321 {
          %sub3A = arith.constant 2 : i32
          %sub3A_330 = arith.subi %add3A_265, %sub3A : i32
          %mul3A_331 = arith.constant 64 : i32
          %mul3A_332 = arith.muli %sub3A_330, %mul3A_331 : i32
          %dma_wait3A_333 = tpu.memref_slice %arg9[%mul3A_332] : memref<5120xi32, #tpu.memory_space<vmem>> -> memref<64xi32, #tpu.memory_space<vmem>>
          %dma_wait3A_334 = arith.constant 0 : i32
          %dma_wait3A_335 = arith.constant 0 : i32
          %dma_wait3A_336 = tpu.memref_slice %arg17[%dma_wait3A_334, %dma_wait3A_335] : memref<10240x64xf32, #tpu.memory_space<vmem_shared>> -> memref<10240x64xf32, #tpu.memory_space<vmem_shared>>
          tpu.wait_indirect_dma semaphore(%arg23 : memref<!tpu.dma_semaphore, #tpu.memory_space<semaphore_mem>>) src(%arg11 : memref<64x64xf32, #tpu.memory_space<vmem>>) dst(%dma_wait3A_336 : memref<10240x64xf32, #tpu.memory_space<vmem_shared>>)
        } else {
        }
        %add3A_322 = arith.constant 2 : i32
        %add3A_323 = arith.addi %add3A_265, %add3A_322 : i32
        %mul3A_324 = arith.constant 64 : i32
        %mul3A_325 = arith.muli %add3A_323, %mul3A_324 : i32
        %dma_start3A_326 = tpu.memref_slice %arg10[%mul3A_325] : memref<5120xi32, #tpu.memory_space<vmem>> -> memref<64xi32, #tpu.memory_space<vmem>>
        %dma_start3A_327 = arith.constant 0 : i32
        %dma_start3A_328 = arith.constant 0 : i32
        %dma_start3A_329 = tpu.memref_slice %arg16[%dma_start3A_327, %dma_start3A_328] : memref<10240x64xf32, #tpu.memory_space<vmem_shared>> -> memref<10240x64xf32, #tpu.memory_space<vmem_shared>>
        tpu.enqueue_indirect_dma source(%dma_start3A_329 : memref<10240x64xf32, #tpu.memory_space<vmem_shared>>) target(%arg11 : memref<64x64xf32, #tpu.memory_space<vmem>>) offsets(%dma_start3A_326 : memref<64xi32, #tpu.memory_space<vmem>>) semaphore(%arg19 : memref<!tpu.dma_semaphore, #tpu.memory_space<semaphore_mem>>)
      } else {
      }
      %mul3A_290 = arith.constant 4 : i32
      %mul3A_291 = arith.muli %scan3A_206, %mul3A_290 : i32
      %add3A_292 = arith.constant 3 : i32
      %add3A_293 = arith.addi %mul3A_291, %add3A_292 : i32
      %mul3A_294 = arith.constant 64 : i32
      %mul3A_295 = arith.muli %add3A_293, %mul3A_294 : i32
      %dma_wait3A_296 = tpu.memref_slice %arg10[%mul3A_295] : memref<5120xi32, #tpu.memory_space<vmem>> -> memref<64xi32, #tpu.memory_space<vmem>>
      %dma_wait3A_297 = arith.constant 0 : i32
      %dma_wait3A_298 = arith.constant 0 : i32
      %dma_wait3A_299 = tpu.memref_slice %arg16[%dma_wait3A_297, %dma_wait3A_298] : memref<10240x64xf32, #tpu.memory_space<vmem_shared>> -> memref<10240x64xf32, #tpu.memory_space<vmem_shared>>
      tpu.wait_indirect_dma semaphore(%arg22 : memref<!tpu.dma_semaphore, #tpu.memory_space<semaphore_mem>>) src(%dma_wait3A_299 : memref<10240x64xf32, #tpu.memory_space<vmem_shared>>) dst(%arg14 : memref<64x64xf32, #tpu.memory_space<vmem>>)
      %mul3A_300 = arith.constant 64 : i32
      %mul3A_301 = arith.muli %add3A_293, %mul3A_300 : i32
      %dma_start3A_302 = tpu.memref_slice %arg9[%mul3A_301] : memref<5120xi32, #tpu.memory_space<vmem>> -> memref<64xi32, #tpu.memory_space<vmem>>
      %dma_start3A_303 = arith.constant 0 : i32
      %dma_start3A_304 = arith.constant 0 : i32
      %dma_start3A_305 = tpu.memref_slice %arg17[%dma_start3A_303, %dma_start3A_304] : memref<10240x64xf32, #tpu.memory_space<vmem_shared>> -> memref<10240x64xf32, #tpu.memory_space<vmem_shared>>
      tpu.enqueue_indirect_dma source(%arg14 : memref<64x64xf32, #tpu.memory_space<vmem>>) target(%dma_start3A_305 : memref<10240x64xf32, #tpu.memory_space<vmem_shared>>) offsets(%dma_start3A_302 : memref<64xi32, #tpu.memory_space<vmem>>) semaphore(%arg26 : memref<!tpu.dma_semaphore, #tpu.memory_space<semaphore_mem>>) {add = true}
      %eq3A_306 = arith.constant 1 : i32
      %eq3A_307 = arith.cmpi eq, %arg0, %eq3A_306 : i32
      %convert_element_type3A_308 = arith.extui %eq3A_307 : i1 to i32
      %cond3A_309 = arith.constant 0 : i32
      %cond3A_310 = arith.cmpi ne, %convert_element_type3A_308, %cond3A_309 : i32
      scf.if %cond3A_310 {
        %mul3A_318 = arith.constant 64 : i32
        %mul3A_319 = arith.muli %add3A_293, %mul3A_318 : i32
        %dma_start3A_320 = tpu.memref_slice %arg9[%mul3A_319] : memref<5120xi32, #tpu.memory_space<vmem>> -> memref<64xi32, #tpu.memory_space<vmem>>
        %dma_start3A_321 = arith.constant 0 : i32
        %dma_start3A_322 = tpu.memref_slice %arg18[%dma_start3A_321] : memref<10240xf32, #tpu.memory_space<vmem_shared>> -> memref<10240xf32, #tpu.memory_space<vmem_shared>>
        tpu.enqueue_indirect_dma source(%arg15 : memref<64xf32, #tpu.memory_space<vmem>>) target(%dma_start3A_322 : memref<10240xf32, #tpu.memory_space<vmem_shared>>) offsets(%dma_start3A_320 : memref<64xi32, #tpu.memory_space<vmem>>) semaphore(%arg27 : memref<!tpu.dma_semaphore, #tpu.memory_space<semaphore_mem>>) {add = true}
      } else {
      }
      %add3A_311 = arith.constant 2 : i32
      %add3A_312 = arith.addi %add3A_293, %add3A_311 : i32
      %lt3A_313 = arith.constant 80 : i32
      %lt3A_314 = arith.cmpi slt, %add3A_312, %lt3A_313 : i32
      %convert_element_type3A_315 = arith.extui %lt3A_314 : i1 to i32
      %cond3A_316 = arith.constant 0 : i32
      %cond3A_317 = arith.cmpi ne, %convert_element_type3A_315, %cond3A_316 : i32
      scf.if %cond3A_317 {
        %ge3A = arith.constant 2 : i32
        %ge3A_318 = arith.cmpi sge, %add3A_293, %ge3A : i32
        %convert_element_type3A_319 = arith.extui %ge3A_318 : i1 to i32
        %cond3A_320 = arith.constant 0 : i32
        %cond3A_321 = arith.cmpi ne, %convert_element_type3A_319, %cond3A_320 : i32
        scf.if %cond3A_321 {
          %sub3A = arith.constant 2 : i32
          %sub3A_330 = arith.subi %add3A_293, %sub3A : i32
          %mul3A_331 = arith.constant 64 : i32
          %mul3A_332 = arith.muli %sub3A_330, %mul3A_331 : i32
          %dma_wait3A_333 = tpu.memref_slice %arg9[%mul3A_332] : memref<5120xi32, #tpu.memory_space<vmem>> -> memref<64xi32, #tpu.memory_space<vmem>>
          %dma_wait3A_334 = arith.constant 0 : i32
          %dma_wait3A_335 = arith.constant 0 : i32
          %dma_wait3A_336 = tpu.memref_slice %arg17[%dma_wait3A_334, %dma_wait3A_335] : memref<10240x64xf32, #tpu.memory_space<vmem_shared>> -> memref<10240x64xf32, #tpu.memory_space<vmem_shared>>
          tpu.wait_indirect_dma semaphore(%arg24 : memref<!tpu.dma_semaphore, #tpu.memory_space<semaphore_mem>>) src(%arg12 : memref<64x64xf32, #tpu.memory_space<vmem>>) dst(%dma_wait3A_336 : memref<10240x64xf32, #tpu.memory_space<vmem_shared>>)
        } else {
        }
        %add3A_322 = arith.constant 2 : i32
        %add3A_323 = arith.addi %add3A_293, %add3A_322 : i32
        %mul3A_324 = arith.constant 64 : i32
        %mul3A_325 = arith.muli %add3A_323, %mul3A_324 : i32
        %dma_start3A_326 = tpu.memref_slice %arg10[%mul3A_325] : memref<5120xi32, #tpu.memory_space<vmem>> -> memref<64xi32, #tpu.memory_space<vmem>>
        %dma_start3A_327 = arith.constant 0 : i32
        %dma_start3A_328 = arith.constant 0 : i32
        %dma_start3A_329 = tpu.memref_slice %arg16[%dma_start3A_327, %dma_start3A_328] : memref<10240x64xf32, #tpu.memory_space<vmem_shared>> -> memref<10240x64xf32, #tpu.memory_space<vmem_shared>>
        tpu.enqueue_indirect_dma source(%dma_start3A_329 : memref<10240x64xf32, #tpu.memory_space<vmem_shared>>) target(%arg12 : memref<64x64xf32, #tpu.memory_space<vmem>>) offsets(%dma_start3A_326 : memref<64xi32, #tpu.memory_space<vmem>>) semaphore(%arg20 : memref<!tpu.dma_semaphore, #tpu.memory_space<semaphore_mem>>)
      } else {
      }
    }
    %scan3A_125 = arith.constant 20 : i32
    %dma_wait3A_126 = arith.constant 4864 : i32
    %dma_wait3A_127 = tpu.memref_slice %arg9[%dma_wait3A_126] : memref<5120xi32, #tpu.memory_space<vmem>> -> memref<64xi32, #tpu.memory_space<vmem>>
    %dma_wait3A_128 = arith.constant 0 : i32
    %dma_wait3A_129 = arith.constant 0 : i32
    %dma_wait3A_130 = tpu.memref_slice %arg17[%dma_wait3A_128, %dma_wait3A_129] : memref<10240x64xf32, #tpu.memory_space<vmem_shared>> -> memref<10240x64xf32, #tpu.memory_space<vmem_shared>>
    tpu.wait_indirect_dma semaphore(%arg23 : memref<!tpu.dma_semaphore, #tpu.memory_space<semaphore_mem>>) src(%arg11 : memref<64x64xf32, #tpu.memory_space<vmem>>) dst(%dma_wait3A_130 : memref<10240x64xf32, #tpu.memory_space<vmem_shared>>)
    %dma_wait3A_131 = arith.constant 4928 : i32
    %dma_wait3A_132 = tpu.memref_slice %arg9[%dma_wait3A_131] : memref<5120xi32, #tpu.memory_space<vmem>> -> memref<64xi32, #tpu.memory_space<vmem>>
    %dma_wait3A_133 = arith.constant 0 : i32
    %dma_wait3A_134 = arith.constant 0 : i32
    %dma_wait3A_135 = tpu.memref_slice %arg17[%dma_wait3A_133, %dma_wait3A_134] : memref<10240x64xf32, #tpu.memory_space<vmem_shared>> -> memref<10240x64xf32, #tpu.memory_space<vmem_shared>>
    tpu.wait_indirect_dma semaphore(%arg24 : memref<!tpu.dma_semaphore, #tpu.memory_space<semaphore_mem>>) src(%arg12 : memref<64x64xf32, #tpu.memory_space<vmem>>) dst(%dma_wait3A_135 : memref<10240x64xf32, #tpu.memory_space<vmem_shared>>)
    %dma_wait3A_136 = arith.constant 4992 : i32
    %dma_wait3A_137 = tpu.memref_slice %arg9[%dma_wait3A_136] : memref<5120xi32, #tpu.memory_space<vmem>> -> memref<64xi32, #tpu.memory_space<vmem>>
    %dma_wait3A_138 = arith.constant 0 : i32
    %dma_wait3A_139 = arith.constant 0 : i32
    %dma_wait3A_140 = tpu.memref_slice %arg17[%dma_wait3A_138, %dma_wait3A_139] : memref<10240x64xf32, #tpu.memory_space<vmem_shared>> -> memref<10240x64xf32, #tpu.memory_space<vmem_shared>>
    tpu.wait_indirect_dma semaphore(%arg25 : memref<!tpu.dma_semaphore, #tpu.memory_space<semaphore_mem>>) src(%arg13 : memref<64x64xf32, #tpu.memory_space<vmem>>) dst(%dma_wait3A_140 : memref<10240x64xf32, #tpu.memory_space<vmem_shared>>)
    %dma_wait3A_141 = arith.constant 5056 : i32
    %dma_wait3A_142 = tpu.memref_slice %arg9[%dma_wait3A_141] : memref<5120xi32, #tpu.memory_space<vmem>> -> memref<64xi32, #tpu.memory_space<vmem>>
    %dma_wait3A_143 = arith.constant 0 : i32
    %dma_wait3A_144 = arith.constant 0 : i32
    %dma_wait3A_145 = tpu.memref_slice %arg17[%dma_wait3A_143, %dma_wait3A_144] : memref<10240x64xf32, #tpu.memory_space<vmem_shared>> -> memref<10240x64xf32, #tpu.memory_space<vmem_shared>>
    tpu.wait_indirect_dma semaphore(%arg26 : memref<!tpu.dma_semaphore, #tpu.memory_space<semaphore_mem>>) src(%arg14 : memref<64x64xf32, #tpu.memory_space<vmem>>) dst(%dma_wait3A_145 : memref<10240x64xf32, #tpu.memory_space<vmem_shared>>)
    %eq3A_146 = arith.constant 1 : i32
    %eq3A_147 = arith.cmpi eq, %arg0, %eq3A_146 : i32
    %convert_element_type3A_148 = arith.extui %eq3A_147 : i1 to i32
    %cond3A_149 = arith.constant 0 : i32
    %cond3A_150 = arith.cmpi ne, %convert_element_type3A_148, %cond3A_149 : i32
    scf.if %cond3A_150 {
      %scan3A_206 = arith.constant 0 : i32
      %scan3A_207 = arith.constant 0 : i32
      %scan3A_208 = arith.constant 80 : i32
      %scan3A_209 = arith.addi %scan3A_207, %scan3A_208 : i32
      %scan3A_210 = arith.constant 1 : i32
      scf.for %scan3A_212 = %scan3A_207 to %scan3A_209 step %scan3A_210  : i32 {
        %mul3A_213 = arith.constant 64 : i32
        %mul3A_214 = arith.muli %scan3A_212, %mul3A_213 : i32
        %dma_wait3A_215 = tpu.memref_slice %arg9[%mul3A_214] : memref<5120xi32, #tpu.memory_space<vmem>> -> memref<64xi32, #tpu.memory_space<vmem>>
        %dma_wait3A_216 = arith.constant 0 : i32
        %dma_wait3A_217 = tpu.memref_slice %arg18[%dma_wait3A_216] : memref<10240xf32, #tpu.memory_space<vmem_shared>> -> memref<10240xf32, #tpu.memory_space<vmem_shared>>
        tpu.wait_indirect_dma semaphore(%arg27 : memref<!tpu.dma_semaphore, #tpu.memory_space<semaphore_mem>>) src(%arg15 : memref<64xf32, #tpu.memory_space<vmem>>) dst(%dma_wait3A_217 : memref<10240xf32, #tpu.memory_space<vmem_shared>>)
      }
      %scan3A_211 = arith.constant 80 : i32
    } else {
    }
    %mul3A_151 = arith.constant 320 : i32
    %mul3A_152 = arith.muli %arg1, %mul3A_151 : i32
    %add3A_153 = arith.constant 240 : i32
    %add3A_154 = arith.addi %mul3A_152, %add3A_153 : i32
    %mul3A_155 = arith.constant 64 : i32
    %mul3A_156 = arith.muli %add3A_154, %mul3A_155 : i32
    %run_scoped3A_157 = arith.constant 0 : i32
    "tpu.region"() ({
      %run_scoped3A_206 = tpu.sem_alloc : memref<!tpu.dma_semaphore, #tpu.memory_space<semaphore_mem>>
      %dma_start3A_207 = tpu.memref_slice %arg3[%run_scoped3A_157, %mul3A_156] : memref<2x327680xi32, #tpu.memory_space<hbm>> -> memref<1x5120xi32, #tpu.memory_space<hbm>>
      %dma_start3A_208 = tpu.memref_squeeze %dma_start3A_207 : memref<1x5120xi32, #tpu.memory_space<hbm>> -> memref<5120xi32, #tpu.memory_space<hbm>>
      %dma_start3A_209 = tpu.memref_slice %arg3[%run_scoped3A_157, %mul3A_156] : memref<2x327680xi32, #tpu.memory_space<hbm>> -> memref<1x5120xi32, #tpu.memory_space<hbm>>
      %dma_start3A_210 = tpu.memref_squeeze %dma_start3A_209 : memref<1x5120xi32, #tpu.memory_space<hbm>> -> memref<5120xi32, #tpu.memory_space<hbm>>
      tpu.enqueue_dma source(%dma_start3A_210 : memref<5120xi32, #tpu.memory_space<hbm>>) target(%arg9 : memref<5120xi32, #tpu.memory_space<vmem>>) target_semaphore(%run_scoped3A_206 : memref<!tpu.dma_semaphore, #tpu.memory_space<semaphore_mem>>)
      %dma_wait3A_211 = tpu.memref_slice %arg3[%run_scoped3A_157, %mul3A_156] : memref<2x327680xi32, #tpu.memory_space<hbm>> -> memref<1x5120xi32, #tpu.memory_space<hbm>>
      %dma_wait3A_212 = tpu.memref_squeeze %dma_wait3A_211 : memref<1x5120xi32, #tpu.memory_space<hbm>> -> memref<5120xi32, #tpu.memory_space<hbm>>
      %dma_wait3A_213 = tpu.memref_slice %arg3[%run_scoped3A_157, %mul3A_156] : memref<2x327680xi32, #tpu.memory_space<hbm>> -> memref<1x5120xi32, #tpu.memory_space<hbm>>
      %dma_wait3A_214 = tpu.memref_squeeze %dma_wait3A_213 : memref<1x5120xi32, #tpu.memory_space<hbm>> -> memref<5120xi32, #tpu.memory_space<hbm>>
      tpu.wait_dma2 semaphore(%run_scoped3A_206 : memref<!tpu.dma_semaphore, #tpu.memory_space<semaphore_mem>>) src(%dma_wait3A_214 : memref<5120xi32, #tpu.memory_space<hbm>>) dst(%arg9 : memref<5120xi32, #tpu.memory_space<vmem>>)
      tpu.yield
    }) : () -> ()
    %run_scoped3A_158 = arith.constant 1 : i32
    "tpu.region"() ({
      %run_scoped3A_206 = tpu.sem_alloc : memref<!tpu.dma_semaphore, #tpu.memory_space<semaphore_mem>>
      %dma_start3A_207 = tpu.memref_slice %arg3[%run_scoped3A_158, %mul3A_156] : memref<2x327680xi32, #tpu.memory_space<hbm>> -> memref<1x5120xi32, #tpu.memory_space<hbm>>
      %dma_start3A_208 = tpu.memref_squeeze %dma_start3A_207 : memref<1x5120xi32, #tpu.memory_space<hbm>> -> memref<5120xi32, #tpu.memory_space<hbm>>
      %dma_start3A_209 = tpu.memref_slice %arg3[%run_scoped3A_158, %mul3A_156] : memref<2x327680xi32, #tpu.memory_space<hbm>> -> memref<1x5120xi32, #tpu.memory_space<hbm>>
      %dma_start3A_210 = tpu.memref_squeeze %dma_start3A_209 : memref<1x5120xi32, #tpu.memory_space<hbm>> -> memref<5120xi32, #tpu.memory_space<hbm>>
      tpu.enqueue_dma source(%dma_start3A_210 : memref<5120xi32, #tpu.memory_space<hbm>>) target(%arg10 : memref<5120xi32, #tpu.memory_space<vmem>>) target_semaphore(%run_scoped3A_206 : memref<!tpu.dma_semaphore, #tpu.memory_space<semaphore_mem>>)
      %dma_wait3A_211 = tpu.memref_slice %arg3[%run_scoped3A_158, %mul3A_156] : memref<2x327680xi32, #tpu.memory_space<hbm>> -> memref<1x5120xi32, #tpu.memory_space<hbm>>
      %dma_wait3A_212 = tpu.memref_squeeze %dma_wait3A_211 : memref<1x5120xi32, #tpu.memory_space<hbm>> -> memref<5120xi32, #tpu.memory_space<hbm>>
      %dma_wait3A_213 = tpu.memref_slice %arg3[%run_scoped3A_158, %mul3A_156] : memref<2x327680xi32, #tpu.memory_space<hbm>> -> memref<1x5120xi32, #tpu.memory_space<hbm>>
      %dma_wait3A_214 = tpu.memref_squeeze %dma_wait3A_213 : memref<1x5120xi32, #tpu.memory_space<hbm>> -> memref<5120xi32, #tpu.memory_space<hbm>>
      tpu.wait_dma2 semaphore(%run_scoped3A_206 : memref<!tpu.dma_semaphore, #tpu.memory_space<semaphore_mem>>) src(%dma_wait3A_214 : memref<5120xi32, #tpu.memory_space<hbm>>) dst(%arg10 : memref<5120xi32, #tpu.memory_space<vmem>>)
      tpu.yield
    }) : () -> ()
    %dma_start3A_159 = arith.constant 0 : i32
    %dma_start3A_160 = tpu.memref_slice %arg10[%dma_start3A_159] : memref<5120xi32, #tpu.memory_space<vmem>> -> memref<64xi32, #tpu.memory_space<vmem>>
    %dma_start3A_161 = arith.constant 0 : i32
    %dma_start3A_162 = arith.constant 0 : i32
    %dma_start3A_163 = tpu.memref_slice %arg16[%dma_start3A_161, %dma_start3A_162] : memref<10240x64xf32, #tpu.memory_space<vmem_shared>> -> memref<10240x64xf32, #tpu.memory_space<vmem_shared>>
    tpu.enqueue_indirect_dma source(%dma_start3A_163 : memref<10240x64xf32, #tpu.memory_space<vmem_shared>>) target(%arg11 : memref<64x64xf32, #tpu.memory_space<vmem>>) offsets(%dma_start3A_160 : memref<64xi32, #tpu.memory_space<vmem>>) semaphore(%arg19 : memref<!tpu.dma_semaphore, #tpu.memory_space<semaphore_mem>>)
    %dma_start3A_164 = arith.constant 64 : i32
    %dma_start3A_165 = tpu.memref_slice %arg10[%dma_start3A_164] : memref<5120xi32, #tpu.memory_space<vmem>> -> memref<64xi32, #tpu.memory_space<vmem>>
    %dma_start3A_166 = arith.constant 0 : i32
    %dma_start3A_167 = arith.constant 0 : i32
    %dma_start3A_168 = tpu.memref_slice %arg16[%dma_start3A_166, %dma_start3A_167] : memref<10240x64xf32, #tpu.memory_space<vmem_shared>> -> memref<10240x64xf32, #tpu.memory_space<vmem_shared>>
    tpu.enqueue_indirect_dma source(%dma_start3A_168 : memref<10240x64xf32, #tpu.memory_space<vmem_shared>>) target(%arg12 : memref<64x64xf32, #tpu.memory_space<vmem>>) offsets(%dma_start3A_165 : memref<64xi32, #tpu.memory_space<vmem>>) semaphore(%arg20 : memref<!tpu.dma_semaphore, #tpu.memory_space<semaphore_mem>>)
    %scan3A_169 = arith.constant 0 : i32
    %scan3A_170 = arith.constant 0 : i32
    %scan3A_171 = arith.constant 20 : i32
    %scan3A_172 = arith.addi %scan3A_170, %scan3A_171 : i32
    %scan3A_173 = arith.constant 1 : i32
    scf.for %scan3A_206 = %scan3A_170 to %scan3A_172 step %scan3A_173  : i32 {
      %mul3A_207 = arith.constant 4 : i32
      %mul3A_208 = arith.muli %scan3A_206, %mul3A_207 : i32
      %add3A_209 = arith.constant 0 : i32
      %add3A_210 = arith.addi %mul3A_208, %add3A_209 : i32
      %mul3A_211 = arith.constant 64 : i32
      %mul3A_212 = arith.muli %add3A_210, %mul3A_211 : i32
      %dma_wait3A_213 = tpu.memref_slice %arg10[%mul3A_212] : memref<5120xi32, #tpu.memory_space<vmem>> -> memref<64xi32, #tpu.memory_space<vmem>>
      %dma_wait3A_214 = arith.constant 0 : i32
      %dma_wait3A_215 = arith.constant 0 : i32
      %dma_wait3A_216 = tpu.memref_slice %arg16[%dma_wait3A_214, %dma_wait3A_215] : memref<10240x64xf32, #tpu.memory_space<vmem_shared>> -> memref<10240x64xf32, #tpu.memory_space<vmem_shared>>
      tpu.wait_indirect_dma semaphore(%arg19 : memref<!tpu.dma_semaphore, #tpu.memory_space<semaphore_mem>>) src(%dma_wait3A_216 : memref<10240x64xf32, #tpu.memory_space<vmem_shared>>) dst(%arg11 : memref<64x64xf32, #tpu.memory_space<vmem>>)
      %mul3A_217 = arith.constant 64 : i32
      %mul3A_218 = arith.muli %add3A_210, %mul3A_217 : i32
      %dma_start3A_219 = tpu.memref_slice %arg9[%mul3A_218] : memref<5120xi32, #tpu.memory_space<vmem>> -> memref<64xi32, #tpu.memory_space<vmem>>
      %dma_start3A_220 = arith.constant 0 : i32
      %dma_start3A_221 = arith.constant 0 : i32
      %dma_start3A_222 = tpu.memref_slice %arg17[%dma_start3A_220, %dma_start3A_221] : memref<10240x64xf32, #tpu.memory_space<vmem_shared>> -> memref<10240x64xf32, #tpu.memory_space<vmem_shared>>
      tpu.enqueue_indirect_dma source(%arg11 : memref<64x64xf32, #tpu.memory_space<vmem>>) target(%dma_start3A_222 : memref<10240x64xf32, #tpu.memory_space<vmem_shared>>) offsets(%dma_start3A_219 : memref<64xi32, #tpu.memory_space<vmem>>) semaphore(%arg23 : memref<!tpu.dma_semaphore, #tpu.memory_space<semaphore_mem>>) {add = true}
      %eq3A_223 = arith.constant 1 : i32
      %eq3A_224 = arith.cmpi eq, %arg0, %eq3A_223 : i32
      %convert_element_type3A_225 = arith.extui %eq3A_224 : i1 to i32
      %cond3A_226 = arith.constant 0 : i32
      %cond3A_227 = arith.cmpi ne, %convert_element_type3A_225, %cond3A_226 : i32
      scf.if %cond3A_227 {
        %mul3A_318 = arith.constant 64 : i32
        %mul3A_319 = arith.muli %add3A_210, %mul3A_318 : i32
        %dma_start3A_320 = tpu.memref_slice %arg9[%mul3A_319] : memref<5120xi32, #tpu.memory_space<vmem>> -> memref<64xi32, #tpu.memory_space<vmem>>
        %dma_start3A_321 = arith.constant 0 : i32
        %dma_start3A_322 = tpu.memref_slice %arg18[%dma_start3A_321] : memref<10240xf32, #tpu.memory_space<vmem_shared>> -> memref<10240xf32, #tpu.memory_space<vmem_shared>>
        tpu.enqueue_indirect_dma source(%arg15 : memref<64xf32, #tpu.memory_space<vmem>>) target(%dma_start3A_322 : memref<10240xf32, #tpu.memory_space<vmem_shared>>) offsets(%dma_start3A_320 : memref<64xi32, #tpu.memory_space<vmem>>) semaphore(%arg27 : memref<!tpu.dma_semaphore, #tpu.memory_space<semaphore_mem>>) {add = true}
      } else {
      }
      %add3A_228 = arith.constant 2 : i32
      %add3A_229 = arith.addi %add3A_210, %add3A_228 : i32
      %lt3A = arith.constant 80 : i32
      %lt3A_230 = arith.cmpi slt, %add3A_229, %lt3A : i32
      %convert_element_type3A_231 = arith.extui %lt3A_230 : i1 to i32
      %cond3A_232 = arith.constant 0 : i32
      %cond3A_233 = arith.cmpi ne, %convert_element_type3A_231, %cond3A_232 : i32
      scf.if %cond3A_233 {
        %ge3A = arith.constant 2 : i32
        %ge3A_318 = arith.cmpi sge, %add3A_210, %ge3A : i32
        %convert_element_type3A_319 = arith.extui %ge3A_318 : i1 to i32
        %cond3A_320 = arith.constant 0 : i32
        %cond3A_321 = arith.cmpi ne, %convert_element_type3A_319, %cond3A_320 : i32
        scf.if %cond3A_321 {
          %sub3A = arith.constant 2 : i32
          %sub3A_330 = arith.subi %add3A_210, %sub3A : i32
          %mul3A_331 = arith.constant 64 : i32
          %mul3A_332 = arith.muli %sub3A_330, %mul3A_331 : i32
          %dma_wait3A_333 = tpu.memref_slice %arg9[%mul3A_332] : memref<5120xi32, #tpu.memory_space<vmem>> -> memref<64xi32, #tpu.memory_space<vmem>>
          %dma_wait3A_334 = arith.constant 0 : i32
          %dma_wait3A_335 = arith.constant 0 : i32
          %dma_wait3A_336 = tpu.memref_slice %arg17[%dma_wait3A_334, %dma_wait3A_335] : memref<10240x64xf32, #tpu.memory_space<vmem_shared>> -> memref<10240x64xf32, #tpu.memory_space<vmem_shared>>
          tpu.wait_indirect_dma semaphore(%arg25 : memref<!tpu.dma_semaphore, #tpu.memory_space<semaphore_mem>>) src(%arg13 : memref<64x64xf32, #tpu.memory_space<vmem>>) dst(%dma_wait3A_336 : memref<10240x64xf32, #tpu.memory_space<vmem_shared>>)
        } else {
        }
        %add3A_322 = arith.constant 2 : i32
        %add3A_323 = arith.addi %add3A_210, %add3A_322 : i32
        %mul3A_324 = arith.constant 64 : i32
        %mul3A_325 = arith.muli %add3A_323, %mul3A_324 : i32
        %dma_start3A_326 = tpu.memref_slice %arg10[%mul3A_325] : memref<5120xi32, #tpu.memory_space<vmem>> -> memref<64xi32, #tpu.memory_space<vmem>>
        %dma_start3A_327 = arith.constant 0 : i32
        %dma_start3A_328 = arith.constant 0 : i32
        %dma_start3A_329 = tpu.memref_slice %arg16[%dma_start3A_327, %dma_start3A_328] : memref<10240x64xf32, #tpu.memory_space<vmem_shared>> -> memref<10240x64xf32, #tpu.memory_space<vmem_shared>>
        tpu.enqueue_indirect_dma source(%dma_start3A_329 : memref<10240x64xf32, #tpu.memory_space<vmem_shared>>) target(%arg13 : memref<64x64xf32, #tpu.memory_space<vmem>>) offsets(%dma_start3A_326 : memref<64xi32, #tpu.memory_space<vmem>>) semaphore(%arg21 : memref<!tpu.dma_semaphore, #tpu.memory_space<semaphore_mem>>)
      } else {
      }
      %mul3A_234 = arith.constant 4 : i32
      %mul3A_235 = arith.muli %scan3A_206, %mul3A_234 : i32
      %add3A_236 = arith.constant 1 : i32
      %add3A_237 = arith.addi %mul3A_235, %add3A_236 : i32
      %mul3A_238 = arith.constant 64 : i32
      %mul3A_239 = arith.muli %add3A_237, %mul3A_238 : i32
      %dma_wait3A_240 = tpu.memref_slice %arg10[%mul3A_239] : memref<5120xi32, #tpu.memory_space<vmem>> -> memref<64xi32, #tpu.memory_space<vmem>>
      %dma_wait3A_241 = arith.constant 0 : i32
      %dma_wait3A_242 = arith.constant 0 : i32
      %dma_wait3A_243 = tpu.memref_slice %arg16[%dma_wait3A_241, %dma_wait3A_242] : memref<10240x64xf32, #tpu.memory_space<vmem_shared>> -> memref<10240x64xf32, #tpu.memory_space<vmem_shared>>
      tpu.wait_indirect_dma semaphore(%arg20 : memref<!tpu.dma_semaphore, #tpu.memory_space<semaphore_mem>>) src(%dma_wait3A_243 : memref<10240x64xf32, #tpu.memory_space<vmem_shared>>) dst(%arg12 : memref<64x64xf32, #tpu.memory_space<vmem>>)
      %mul3A_244 = arith.constant 64 : i32
      %mul3A_245 = arith.muli %add3A_237, %mul3A_244 : i32
      %dma_start3A_246 = tpu.memref_slice %arg9[%mul3A_245] : memref<5120xi32, #tpu.memory_space<vmem>> -> memref<64xi32, #tpu.memory_space<vmem>>
      %dma_start3A_247 = arith.constant 0 : i32
      %dma_start3A_248 = arith.constant 0 : i32
      %dma_start3A_249 = tpu.memref_slice %arg17[%dma_start3A_247, %dma_start3A_248] : memref<10240x64xf32, #tpu.memory_space<vmem_shared>> -> memref<10240x64xf32, #tpu.memory_space<vmem_shared>>
      tpu.enqueue_indirect_dma source(%arg12 : memref<64x64xf32, #tpu.memory_space<vmem>>) target(%dma_start3A_249 : memref<10240x64xf32, #tpu.memory_space<vmem_shared>>) offsets(%dma_start3A_246 : memref<64xi32, #tpu.memory_space<vmem>>) semaphore(%arg24 : memref<!tpu.dma_semaphore, #tpu.memory_space<semaphore_mem>>) {add = true}
      %eq3A_250 = arith.constant 1 : i32
      %eq3A_251 = arith.cmpi eq, %arg0, %eq3A_250 : i32
      %convert_element_type3A_252 = arith.extui %eq3A_251 : i1 to i32
      %cond3A_253 = arith.constant 0 : i32
      %cond3A_254 = arith.cmpi ne, %convert_element_type3A_252, %cond3A_253 : i32
      scf.if %cond3A_254 {
        %mul3A_318 = arith.constant 64 : i32
        %mul3A_319 = arith.muli %add3A_237, %mul3A_318 : i32
        %dma_start3A_320 = tpu.memref_slice %arg9[%mul3A_319] : memref<5120xi32, #tpu.memory_space<vmem>> -> memref<64xi32, #tpu.memory_space<vmem>>
        %dma_start3A_321 = arith.constant 0 : i32
        %dma_start3A_322 = tpu.memref_slice %arg18[%dma_start3A_321] : memref<10240xf32, #tpu.memory_space<vmem_shared>> -> memref<10240xf32, #tpu.memory_space<vmem_shared>>
        tpu.enqueue_indirect_dma source(%arg15 : memref<64xf32, #tpu.memory_space<vmem>>) target(%dma_start3A_322 : memref<10240xf32, #tpu.memory_space<vmem_shared>>) offsets(%dma_start3A_320 : memref<64xi32, #tpu.memory_space<vmem>>) semaphore(%arg27 : memref<!tpu.dma_semaphore, #tpu.memory_space<semaphore_mem>>) {add = true}
      } else {
      }
      %add3A_255 = arith.constant 2 : i32
      %add3A_256 = arith.addi %add3A_237, %add3A_255 : i32
      %lt3A_257 = arith.constant 80 : i32
      %lt3A_258 = arith.cmpi slt, %add3A_256, %lt3A_257 : i32
      %convert_element_type3A_259 = arith.extui %lt3A_258 : i1 to i32
      %cond3A_260 = arith.constant 0 : i32
      %cond3A_261 = arith.cmpi ne, %convert_element_type3A_259, %cond3A_260 : i32
      scf.if %cond3A_261 {
        %ge3A = arith.constant 2 : i32
        %ge3A_318 = arith.cmpi sge, %add3A_237, %ge3A : i32
        %convert_element_type3A_319 = arith.extui %ge3A_318 : i1 to i32
        %cond3A_320 = arith.constant 0 : i32
        %cond3A_321 = arith.cmpi ne, %convert_element_type3A_319, %cond3A_320 : i32
        scf.if %cond3A_321 {
          %sub3A = arith.constant 2 : i32
          %sub3A_330 = arith.subi %add3A_237, %sub3A : i32
          %mul3A_331 = arith.constant 64 : i32
          %mul3A_332 = arith.muli %sub3A_330, %mul3A_331 : i32
          %dma_wait3A_333 = tpu.memref_slice %arg9[%mul3A_332] : memref<5120xi32, #tpu.memory_space<vmem>> -> memref<64xi32, #tpu.memory_space<vmem>>
          %dma_wait3A_334 = arith.constant 0 : i32
          %dma_wait3A_335 = arith.constant 0 : i32
          %dma_wait3A_336 = tpu.memref_slice %arg17[%dma_wait3A_334, %dma_wait3A_335] : memref<10240x64xf32, #tpu.memory_space<vmem_shared>> -> memref<10240x64xf32, #tpu.memory_space<vmem_shared>>
          tpu.wait_indirect_dma semaphore(%arg26 : memref<!tpu.dma_semaphore, #tpu.memory_space<semaphore_mem>>) src(%arg14 : memref<64x64xf32, #tpu.memory_space<vmem>>) dst(%dma_wait3A_336 : memref<10240x64xf32, #tpu.memory_space<vmem_shared>>)
        } else {
        }
        %add3A_322 = arith.constant 2 : i32
        %add3A_323 = arith.addi %add3A_237, %add3A_322 : i32
        %mul3A_324 = arith.constant 64 : i32
        %mul3A_325 = arith.muli %add3A_323, %mul3A_324 : i32
        %dma_start3A_326 = tpu.memref_slice %arg10[%mul3A_325] : memref<5120xi32, #tpu.memory_space<vmem>> -> memref<64xi32, #tpu.memory_space<vmem>>
        %dma_start3A_327 = arith.constant 0 : i32
        %dma_start3A_328 = arith.constant 0 : i32
        %dma_start3A_329 = tpu.memref_slice %arg16[%dma_start3A_327, %dma_start3A_328] : memref<10240x64xf32, #tpu.memory_space<vmem_shared>> -> memref<10240x64xf32, #tpu.memory_space<vmem_shared>>
        tpu.enqueue_indirect_dma source(%dma_start3A_329 : memref<10240x64xf32, #tpu.memory_space<vmem_shared>>) target(%arg14 : memref<64x64xf32, #tpu.memory_space<vmem>>) offsets(%dma_start3A_326 : memref<64xi32, #tpu.memory_space<vmem>>) semaphore(%arg22 : memref<!tpu.dma_semaphore, #tpu.memory_space<semaphore_mem>>)
      } else {
      }
      %mul3A_262 = arith.constant 4 : i32
      %mul3A_263 = arith.muli %scan3A_206, %mul3A_262 : i32
      %add3A_264 = arith.constant 2 : i32
      %add3A_265 = arith.addi %mul3A_263, %add3A_264 : i32
      %mul3A_266 = arith.constant 64 : i32
      %mul3A_267 = arith.muli %add3A_265, %mul3A_266 : i32
      %dma_wait3A_268 = tpu.memref_slice %arg10[%mul3A_267] : memref<5120xi32, #tpu.memory_space<vmem>> -> memref<64xi32, #tpu.memory_space<vmem>>
      %dma_wait3A_269 = arith.constant 0 : i32
      %dma_wait3A_270 = arith.constant 0 : i32
      %dma_wait3A_271 = tpu.memref_slice %arg16[%dma_wait3A_269, %dma_wait3A_270] : memref<10240x64xf32, #tpu.memory_space<vmem_shared>> -> memref<10240x64xf32, #tpu.memory_space<vmem_shared>>
      tpu.wait_indirect_dma semaphore(%arg21 : memref<!tpu.dma_semaphore, #tpu.memory_space<semaphore_mem>>) src(%dma_wait3A_271 : memref<10240x64xf32, #tpu.memory_space<vmem_shared>>) dst(%arg13 : memref<64x64xf32, #tpu.memory_space<vmem>>)
      %mul3A_272 = arith.constant 64 : i32
      %mul3A_273 = arith.muli %add3A_265, %mul3A_272 : i32
      %dma_start3A_274 = tpu.memref_slice %arg9[%mul3A_273] : memref<5120xi32, #tpu.memory_space<vmem>> -> memref<64xi32, #tpu.memory_space<vmem>>
      %dma_start3A_275 = arith.constant 0 : i32
      %dma_start3A_276 = arith.constant 0 : i32
      %dma_start3A_277 = tpu.memref_slice %arg17[%dma_start3A_275, %dma_start3A_276] : memref<10240x64xf32, #tpu.memory_space<vmem_shared>> -> memref<10240x64xf32, #tpu.memory_space<vmem_shared>>
      tpu.enqueue_indirect_dma source(%arg13 : memref<64x64xf32, #tpu.memory_space<vmem>>) target(%dma_start3A_277 : memref<10240x64xf32, #tpu.memory_space<vmem_shared>>) offsets(%dma_start3A_274 : memref<64xi32, #tpu.memory_space<vmem>>) semaphore(%arg25 : memref<!tpu.dma_semaphore, #tpu.memory_space<semaphore_mem>>) {add = true}
      %eq3A_278 = arith.constant 1 : i32
      %eq3A_279 = arith.cmpi eq, %arg0, %eq3A_278 : i32
      %convert_element_type3A_280 = arith.extui %eq3A_279 : i1 to i32
      %cond3A_281 = arith.constant 0 : i32
      %cond3A_282 = arith.cmpi ne, %convert_element_type3A_280, %cond3A_281 : i32
      scf.if %cond3A_282 {
        %mul3A_318 = arith.constant 64 : i32
        %mul3A_319 = arith.muli %add3A_265, %mul3A_318 : i32
        %dma_start3A_320 = tpu.memref_slice %arg9[%mul3A_319] : memref<5120xi32, #tpu.memory_space<vmem>> -> memref<64xi32, #tpu.memory_space<vmem>>
        %dma_start3A_321 = arith.constant 0 : i32
        %dma_start3A_322 = tpu.memref_slice %arg18[%dma_start3A_321] : memref<10240xf32, #tpu.memory_space<vmem_shared>> -> memref<10240xf32, #tpu.memory_space<vmem_shared>>
        tpu.enqueue_indirect_dma source(%arg15 : memref<64xf32, #tpu.memory_space<vmem>>) target(%dma_start3A_322 : memref<10240xf32, #tpu.memory_space<vmem_shared>>) offsets(%dma_start3A_320 : memref<64xi32, #tpu.memory_space<vmem>>) semaphore(%arg27 : memref<!tpu.dma_semaphore, #tpu.memory_space<semaphore_mem>>) {add = true}
      } else {
      }
      %add3A_283 = arith.constant 2 : i32
      %add3A_284 = arith.addi %add3A_265, %add3A_283 : i32
      %lt3A_285 = arith.constant 80 : i32
      %lt3A_286 = arith.cmpi slt, %add3A_284, %lt3A_285 : i32
      %convert_element_type3A_287 = arith.extui %lt3A_286 : i1 to i32
      %cond3A_288 = arith.constant 0 : i32
      %cond3A_289 = arith.cmpi ne, %convert_element_type3A_287, %cond3A_288 : i32
      scf.if %cond3A_289 {
        %ge3A = arith.constant 2 : i32
        %ge3A_318 = arith.cmpi sge, %add3A_265, %ge3A : i32
        %convert_element_type3A_319 = arith.extui %ge3A_318 : i1 to i32
        %cond3A_320 = arith.constant 0 : i32
        %cond3A_321 = arith.cmpi ne, %convert_element_type3A_319, %cond3A_320 : i32
        scf.if %cond3A_321 {
          %sub3A = arith.constant 2 : i32
          %sub3A_330 = arith.subi %add3A_265, %sub3A : i32
          %mul3A_331 = arith.constant 64 : i32
          %mul3A_332 = arith.muli %sub3A_330, %mul3A_331 : i32
          %dma_wait3A_333 = tpu.memref_slice %arg9[%mul3A_332] : memref<5120xi32, #tpu.memory_space<vmem>> -> memref<64xi32, #tpu.memory_space<vmem>>
          %dma_wait3A_334 = arith.constant 0 : i32
          %dma_wait3A_335 = arith.constant 0 : i32
          %dma_wait3A_336 = tpu.memref_slice %arg17[%dma_wait3A_334, %dma_wait3A_335] : memref<10240x64xf32, #tpu.memory_space<vmem_shared>> -> memref<10240x64xf32, #tpu.memory_space<vmem_shared>>
          tpu.wait_indirect_dma semaphore(%arg23 : memref<!tpu.dma_semaphore, #tpu.memory_space<semaphore_mem>>) src(%arg11 : memref<64x64xf32, #tpu.memory_space<vmem>>) dst(%dma_wait3A_336 : memref<10240x64xf32, #tpu.memory_space<vmem_shared>>)
        } else {
        }
        %add3A_322 = arith.constant 2 : i32
        %add3A_323 = arith.addi %add3A_265, %add3A_322 : i32
        %mul3A_324 = arith.constant 64 : i32
        %mul3A_325 = arith.muli %add3A_323, %mul3A_324 : i32
        %dma_start3A_326 = tpu.memref_slice %arg10[%mul3A_325] : memref<5120xi32, #tpu.memory_space<vmem>> -> memref<64xi32, #tpu.memory_space<vmem>>
        %dma_start3A_327 = arith.constant 0 : i32
        %dma_start3A_328 = arith.constant 0 : i32
        %dma_start3A_329 = tpu.memref_slice %arg16[%dma_start3A_327, %dma_start3A_328] : memref<10240x64xf32, #tpu.memory_space<vmem_shared>> -> memref<10240x64xf32, #tpu.memory_space<vmem_shared>>
        tpu.enqueue_indirect_dma source(%dma_start3A_329 : memref<10240x64xf32, #tpu.memory_space<vmem_shared>>) target(%arg11 : memref<64x64xf32, #tpu.memory_space<vmem>>) offsets(%dma_start3A_326 : memref<64xi32, #tpu.memory_space<vmem>>) semaphore(%arg19 : memref<!tpu.dma_semaphore, #tpu.memory_space<semaphore_mem>>)
      } else {
      }
      %mul3A_290 = arith.constant 4 : i32
      %mul3A_291 = arith.muli %scan3A_206, %mul3A_290 : i32
      %add3A_292 = arith.constant 3 : i32
      %add3A_293 = arith.addi %mul3A_291, %add3A_292 : i32
      %mul3A_294 = arith.constant 64 : i32
      %mul3A_295 = arith.muli %add3A_293, %mul3A_294 : i32
      %dma_wait3A_296 = tpu.memref_slice %arg10[%mul3A_295] : memref<5120xi32, #tpu.memory_space<vmem>> -> memref<64xi32, #tpu.memory_space<vmem>>
      %dma_wait3A_297 = arith.constant 0 : i32
      %dma_wait3A_298 = arith.constant 0 : i32
      %dma_wait3A_299 = tpu.memref_slice %arg16[%dma_wait3A_297, %dma_wait3A_298] : memref<10240x64xf32, #tpu.memory_space<vmem_shared>> -> memref<10240x64xf32, #tpu.memory_space<vmem_shared>>
      tpu.wait_indirect_dma semaphore(%arg22 : memref<!tpu.dma_semaphore, #tpu.memory_space<semaphore_mem>>) src(%dma_wait3A_299 : memref<10240x64xf32, #tpu.memory_space<vmem_shared>>) dst(%arg14 : memref<64x64xf32, #tpu.memory_space<vmem>>)
      %mul3A_300 = arith.constant 64 : i32
      %mul3A_301 = arith.muli %add3A_293, %mul3A_300 : i32
      %dma_start3A_302 = tpu.memref_slice %arg9[%mul3A_301] : memref<5120xi32, #tpu.memory_space<vmem>> -> memref<64xi32, #tpu.memory_space<vmem>>
      %dma_start3A_303 = arith.constant 0 : i32
      %dma_start3A_304 = arith.constant 0 : i32
      %dma_start3A_305 = tpu.memref_slice %arg17[%dma_start3A_303, %dma_start3A_304] : memref<10240x64xf32, #tpu.memory_space<vmem_shared>> -> memref<10240x64xf32, #tpu.memory_space<vmem_shared>>
      tpu.enqueue_indirect_dma source(%arg14 : memref<64x64xf32, #tpu.memory_space<vmem>>) target(%dma_start3A_305 : memref<10240x64xf32, #tpu.memory_space<vmem_shared>>) offsets(%dma_start3A_302 : memref<64xi32, #tpu.memory_space<vmem>>) semaphore(%arg26 : memref<!tpu.dma_semaphore, #tpu.memory_space<semaphore_mem>>) {add = true}
      %eq3A_306 = arith.constant 1 : i32
      %eq3A_307 = arith.cmpi eq, %arg0, %eq3A_306 : i32
      %convert_element_type3A_308 = arith.extui %eq3A_307 : i1 to i32
      %cond3A_309 = arith.constant 0 : i32
      %cond3A_310 = arith.cmpi ne, %convert_element_type3A_308, %cond3A_309 : i32
      scf.if %cond3A_310 {
        %mul3A_318 = arith.constant 64 : i32
        %mul3A_319 = arith.muli %add3A_293, %mul3A_318 : i32
        %dma_start3A_320 = tpu.memref_slice %arg9[%mul3A_319] : memref<5120xi32, #tpu.memory_space<vmem>> -> memref<64xi32, #tpu.memory_space<vmem>>
        %dma_start3A_321 = arith.constant 0 : i32
        %dma_start3A_322 = tpu.memref_slice %arg18[%dma_start3A_321] : memref<10240xf32, #tpu.memory_space<vmem_shared>> -> memref<10240xf32, #tpu.memory_space<vmem_shared>>
        tpu.enqueue_indirect_dma source(%arg15 : memref<64xf32, #tpu.memory_space<vmem>>) target(%dma_start3A_322 : memref<10240xf32, #tpu.memory_space<vmem_shared>>) offsets(%dma_start3A_320 : memref<64xi32, #tpu.memory_space<vmem>>) semaphore(%arg27 : memref<!tpu.dma_semaphore, #tpu.memory_space<semaphore_mem>>) {add = true}
      } else {
      }
      %add3A_311 = arith.constant 2 : i32
      %add3A_312 = arith.addi %add3A_293, %add3A_311 : i32
      %lt3A_313 = arith.constant 80 : i32
      %lt3A_314 = arith.cmpi slt, %add3A_312, %lt3A_313 : i32
      %convert_element_type3A_315 = arith.extui %lt3A_314 : i1 to i32
      %cond3A_316 = arith.constant 0 : i32
      %cond3A_317 = arith.cmpi ne, %convert_element_type3A_315, %cond3A_316 : i32
      scf.if %cond3A_317 {
        %ge3A = arith.constant 2 : i32
        %ge3A_318 = arith.cmpi sge, %add3A_293, %ge3A : i32
        %convert_element_type3A_319 = arith.extui %ge3A_318 : i1 to i32
        %cond3A_320 = arith.constant 0 : i32
        %cond3A_321 = arith.cmpi ne, %convert_element_type3A_319, %cond3A_320 : i32
        scf.if %cond3A_321 {
          %sub3A = arith.constant 2 : i32
          %sub3A_330 = arith.subi %add3A_293, %sub3A : i32
          %mul3A_331 = arith.constant 64 : i32
          %mul3A_332 = arith.muli %sub3A_330, %mul3A_331 : i32
          %dma_wait3A_333 = tpu.memref_slice %arg9[%mul3A_332] : memref<5120xi32, #tpu.memory_space<vmem>> -> memref<64xi32, #tpu.memory_space<vmem>>
          %dma_wait3A_334 = arith.constant 0 : i32
          %dma_wait3A_335 = arith.constant 0 : i32
          %dma_wait3A_336 = tpu.memref_slice %arg17[%dma_wait3A_334, %dma_wait3A_335] : memref<10240x64xf32, #tpu.memory_space<vmem_shared>> -> memref<10240x64xf32, #tpu.memory_space<vmem_shared>>
          tpu.wait_indirect_dma semaphore(%arg24 : memref<!tpu.dma_semaphore, #tpu.memory_space<semaphore_mem>>) src(%arg12 : memref<64x64xf32, #tpu.memory_space<vmem>>) dst(%dma_wait3A_336 : memref<10240x64xf32, #tpu.memory_space<vmem_shared>>)
        } else {
        }
        %add3A_322 = arith.constant 2 : i32
        %add3A_323 = arith.addi %add3A_293, %add3A_322 : i32
        %mul3A_324 = arith.constant 64 : i32
        %mul3A_325 = arith.muli %add3A_323, %mul3A_324 : i32
        %dma_start3A_326 = tpu.memref_slice %arg10[%mul3A_325] : memref<5120xi32, #tpu.memory_space<vmem>> -> memref<64xi32, #tpu.memory_space<vmem>>
        %dma_start3A_327 = arith.constant 0 : i32
        %dma_start3A_328 = arith.constant 0 : i32
        %dma_start3A_329 = tpu.memref_slice %arg16[%dma_start3A_327, %dma_start3A_328] : memref<10240x64xf32, #tpu.memory_space<vmem_shared>> -> memref<10240x64xf32, #tpu.memory_space<vmem_shared>>
        tpu.enqueue_indirect_dma source(%dma_start3A_329 : memref<10240x64xf32, #tpu.memory_space<vmem_shared>>) target(%arg12 : memref<64x64xf32, #tpu.memory_space<vmem>>) offsets(%dma_start3A_326 : memref<64xi32, #tpu.memory_space<vmem>>) semaphore(%arg20 : memref<!tpu.dma_semaphore, #tpu.memory_space<semaphore_mem>>)
      } else {
      }
    }
    %scan3A_174 = arith.constant 20 : i32
    %dma_wait3A_175 = arith.constant 4864 : i32
    %dma_wait3A_176 = tpu.memref_slice %arg9[%dma_wait3A_175] : memref<5120xi32, #tpu.memory_space<vmem>> -> memref<64xi32, #tpu.memory_space<vmem>>
    %dma_wait3A_177 = arith.constant 0 : i32
    %dma_wait3A_178 = arith.constant 0 : i32
    %dma_wait3A_179 = tpu.memref_slice %arg17[%dma_wait3A_177, %dma_wait3A_178] : memref<10240x64xf32, #tpu.memory_space<vmem_shared>> -> memref<10240x64xf32, #tpu.memory_space<vmem_shared>>
    tpu.wait_indirect_dma semaphore(%arg23 : memref<!tpu.dma_semaphore, #tpu.memory_space<semaphore_mem>>) src(%arg11 : memref<64x64xf32, #tpu.memory_space<vmem>>) dst(%dma_wait3A_179 : memref<10240x64xf32, #tpu.memory_space<vmem_shared>>)
    %dma_wait3A_180 = arith.constant 4928 : i32
    %dma_wait3A_181 = tpu.memref_slice %arg9[%dma_wait3A_180] : memref<5120xi32, #tpu.memory_space<vmem>> -> memref<64xi32, #tpu.memory_space<vmem>>
    %dma_wait3A_182 = arith.constant 0 : i32
    %dma_wait3A_183 = arith.constant 0 : i32
    %dma_wait3A_184 = tpu.memref_slice %arg17[%dma_wait3A_182, %dma_wait3A_183] : memref<10240x64xf32, #tpu.memory_space<vmem_shared>> -> memref<10240x64xf32, #tpu.memory_space<vmem_shared>>
    tpu.wait_indirect_dma semaphore(%arg24 : memref<!tpu.dma_semaphore, #tpu.memory_space<semaphore_mem>>) src(%arg12 : memref<64x64xf32, #tpu.memory_space<vmem>>) dst(%dma_wait3A_184 : memref<10240x64xf32, #tpu.memory_space<vmem_shared>>)
    %dma_wait3A_185 = arith.constant 4992 : i32
    %dma_wait3A_186 = tpu.memref_slice %arg9[%dma_wait3A_185] : memref<5120xi32, #tpu.memory_space<vmem>> -> memref<64xi32, #tpu.memory_space<vmem>>
    %dma_wait3A_187 = arith.constant 0 : i32
    %dma_wait3A_188 = arith.constant 0 : i32
    %dma_wait3A_189 = tpu.memref_slice %arg17[%dma_wait3A_187, %dma_wait3A_188] : memref<10240x64xf32, #tpu.memory_space<vmem_shared>> -> memref<10240x64xf32, #tpu.memory_space<vmem_shared>>
    tpu.wait_indirect_dma semaphore(%arg25 : memref<!tpu.dma_semaphore, #tpu.memory_space<semaphore_mem>>) src(%arg13 : memref<64x64xf32, #tpu.memory_space<vmem>>) dst(%dma_wait3A_189 : memref<10240x64xf32, #tpu.memory_space<vmem_shared>>)
    %dma_wait3A_190 = arith.constant 5056 : i32
    %dma_wait3A_191 = tpu.memref_slice %arg9[%dma_wait3A_190] : memref<5120xi32, #tpu.memory_space<vmem>> -> memref<64xi32, #tpu.memory_space<vmem>>
    %dma_wait3A_192 = arith.constant 0 : i32
    %dma_wait3A_193 = arith.constant 0 : i32
    %dma_wait3A_194 = tpu.memref_slice %arg17[%dma_wait3A_192, %dma_wait3A_193] : memref<10240x64xf32, #tpu.memory_space<vmem_shared>> -> memref<10240x64xf32, #tpu.memory_space<vmem_shared>>
    tpu.wait_indirect_dma semaphore(%arg26 : memref<!tpu.dma_semaphore, #tpu.memory_space<semaphore_mem>>) src(%arg14 : memref<64x64xf32, #tpu.memory_space<vmem>>) dst(%dma_wait3A_194 : memref<10240x64xf32, #tpu.memory_space<vmem_shared>>)
    %eq3A_195 = arith.constant 1 : i32
    %eq3A_196 = arith.cmpi eq, %arg0, %eq3A_195 : i32
    %convert_element_type3A_197 = arith.extui %eq3A_196 : i1 to i32
    %cond3A_198 = arith.constant 0 : i32
    %cond3A_199 = arith.cmpi ne, %convert_element_type3A_197, %cond3A_198 : i32
    scf.if %cond3A_199 {
      %scan3A_206 = arith.constant 0 : i32
      %scan3A_207 = arith.constant 0 : i32
      %scan3A_208 = arith.constant 80 : i32
      %scan3A_209 = arith.addi %scan3A_207, %scan3A_208 : i32
      %scan3A_210 = arith.constant 1 : i32
      scf.for %scan3A_212 = %scan3A_207 to %scan3A_209 step %scan3A_210  : i32 {
        %mul3A_213 = arith.constant 64 : i32
        %mul3A_214 = arith.muli %scan3A_212, %mul3A_213 : i32
        %dma_wait3A_215 = tpu.memref_slice %arg9[%mul3A_214] : memref<5120xi32, #tpu.memory_space<vmem>> -> memref<64xi32, #tpu.memory_space<vmem>>
        %dma_wait3A_216 = arith.constant 0 : i32
        %dma_wait3A_217 = tpu.memref_slice %arg18[%dma_wait3A_216] : memref<10240xf32, #tpu.memory_space<vmem_shared>> -> memref<10240xf32, #tpu.memory_space<vmem_shared>>
        tpu.wait_indirect_dma semaphore(%arg27 : memref<!tpu.dma_semaphore, #tpu.memory_space<semaphore_mem>>) src(%arg15 : memref<64xf32, #tpu.memory_space<vmem>>) dst(%dma_wait3A_217 : memref<10240xf32, #tpu.memory_space<vmem_shared>>)
      }
      %scan3A_211 = arith.constant 80 : i32
    } else {
    }
    %barrier3A_200 = arith.constant 0 : index
    tpu.barrier barrier_id(%barrier3A_200)
    %mul3A_201 = arith.constant 64 : i32
    %mul3A_202 = arith.muli %arg0, %mul3A_201 : i32
    "tpu.region"() ({
      %run_scoped3A_206 = tpu.sem_alloc : memref<!tpu.dma_semaphore, #tpu.memory_space<semaphore_mem>>
      %dma_start3A_207 = tpu.memref_slice %arg7[%mul3A_8, %mul3A_202] : memref<10240x128xf32, #tpu.memory_space<hbm>> -> memref<640x64xf32, #tpu.memory_space<hbm>>
      %dma_start3A_208 = arith.constant 0 : i32
      %dma_start3A_209 = tpu.memref_slice %arg17[%mul3A_8, %dma_start3A_208] : memref<10240x64xf32, #tpu.memory_space<vmem_shared>> -> memref<640x64xf32, #tpu.memory_space<vmem_shared>>
      tpu.enqueue_dma source(%dma_start3A_209 : memref<640x64xf32, #tpu.memory_space<vmem_shared>>) target(%dma_start3A_207 : memref<640x64xf32, #tpu.memory_space<hbm>>) target_semaphore(%run_scoped3A_206 : memref<!tpu.dma_semaphore, #tpu.memory_space<semaphore_mem>>)
      %dma_wait3A_210 = tpu.memref_slice %arg7[%mul3A_8, %mul3A_202] : memref<10240x128xf32, #tpu.memory_space<hbm>> -> memref<640x64xf32, #tpu.memory_space<hbm>>
      %dma_wait3A_211 = arith.constant 0 : i32
      %dma_wait3A_212 = tpu.memref_slice %arg17[%mul3A_8, %dma_wait3A_211] : memref<10240x64xf32, #tpu.memory_space<vmem_shared>> -> memref<640x64xf32, #tpu.memory_space<vmem_shared>>
      tpu.wait_dma2 semaphore(%run_scoped3A_206 : memref<!tpu.dma_semaphore, #tpu.memory_space<semaphore_mem>>) src(%dma_wait3A_212 : memref<640x64xf32, #tpu.memory_space<vmem_shared>>) dst(%dma_wait3A_210 : memref<640x64xf32, #tpu.memory_space<hbm>>)
      tpu.yield
    }) : () -> ()
    %mul3A_203 = arith.constant 10240 : i32
    %mul3A_204 = arith.muli %arg0, %mul3A_203 : i32
    %add3A_205 = arith.addi %mul3A_204, %mul3A_8 : i32
    "tpu.region"() ({
      %run_scoped3A_206 = tpu.sem_alloc : memref<!tpu.dma_semaphore, #tpu.memory_space<semaphore_mem>>
      %dma_start3A_207 = tpu.memref_slice %arg8[%add3A_205] : memref<20480xf32, #tpu.memory_space<hbm>> -> memref<640xf32, #tpu.memory_space<hbm>>
      %dma_start3A_208 = tpu.memref_slice %arg18[%mul3A_8] : memref<10240xf32, #tpu.memory_space<vmem_shared>> -> memref<640xf32, #tpu.memory_space<vmem_shared>>
      tpu.enqueue_dma source(%dma_start3A_208 : memref<640xf32, #tpu.memory_space<vmem_shared>>) target(%dma_start3A_207 : memref<640xf32, #tpu.memory_space<hbm>>) target_semaphore(%run_scoped3A_206 : memref<!tpu.dma_semaphore, #tpu.memory_space<semaphore_mem>>)
      %dma_wait3A_209 = tpu.memref_slice %arg8[%add3A_205] : memref<20480xf32, #tpu.memory_space<hbm>> -> memref<640xf32, #tpu.memory_space<hbm>>
      %dma_wait3A_210 = tpu.memref_slice %arg18[%mul3A_8] : memref<10240xf32, #tpu.memory_space<vmem_shared>> -> memref<640xf32, #tpu.memory_space<vmem_shared>>
      tpu.wait_dma2 semaphore(%run_scoped3A_206 : memref<!tpu.dma_semaphore, #tpu.memory_space<semaphore_mem>>) src(%dma_wait3A_210 : memref<640xf32, #tpu.memory_space<vmem_shared>>) dst(%dma_wait3A_209 : memref<640xf32, #tpu.memory_space<hbm>>)
      tpu.yield
    }) : () -> ()
    return
  }
}

module attributes {stable_mosaic.version = 14 : i64} {
  func.func @_mm_body(%arg0: i32, %arg1: memref<1000x128xf32, #tpu.memory_space<vmem>>, %arg2: memref<128x128xf32, #tpu.memory_space<vmem>>, %arg3: memref<1x128xf32, #tpu.memory_space<vmem>>, %arg4: memref<1000x128xf32, #tpu.memory_space<vmem>>) attributes {dimension_semantics = [#tpu.dimension_semantics<arbitrary>], iteration_bounds = array<i64: 10>, scalar_prefetch = 0 : i64, scratch_operands = 0 : i64, tpu.core_type = #tpu.core_type<tc>, window_params = [{transform_indices = @transform_0, window_bounds = array<i64: 1000, 128>}, {pipeline_mode = #tpu.pipeline_mode<synchronous>, transform_indices = @transform_1, window_bounds = array<i64: 128, 128>}, {pipeline_mode = #tpu.pipeline_mode<synchronous>, transform_indices = @transform_2, window_bounds = array<i64: 1, 128>}, {transform_indices = @transform_3, window_bounds = array<i64: 1000, 128>}]} {
    %get3A = arith.constant 0 : index
    %get3A_0 = arith.constant 0 : index
    %get3A_1 = vector.load %arg1[%get3A, %get3A_0] : memref<1000x128xf32, #tpu.memory_space<vmem>>, vector<1000x128xf32>
    %get3A_2 = arith.constant 0 : index
    %get3A_3 = arith.constant 0 : index
    %get3A_4 = vector.load %arg2[%get3A_2, %get3A_3] : memref<128x128xf32, #tpu.memory_space<vmem>>, vector<128x128xf32>
    %dot_general3A = arith.constant dense<0.000000e+00> : vector<1000x128xf32>
    %dot_general3A_5 = tpu.matmul %get3A_1, %get3A_4, %dot_general3A {dimension_numbers = #tpu.dot_dimension_numbers<[1], [0], [0], [1], [0, 0, 1, 1], [], []>, transpose_lhs_hint = false} : vector<1000x128xf32>, vector<128x128xf32>, vector<1000x128xf32> -> vector<1000x128xf32>
    %get3A_6 = arith.constant 0 : index
    %get3A_7 = arith.constant 0 : index
    %get3A_8 = vector.load %arg3[%get3A_6, %get3A_7] : memref<1x128xf32, #tpu.memory_space<vmem>>, vector<1x128xf32>
    %add3A = vector.broadcast %get3A_8 : vector<1x128xf32> to vector<1000x128xf32>
    %add3A_9 = arith.addf %dot_general3A_5, %add3A : vector<1000x128xf32>
    %max3A = arith.constant 0.000000e+00 : f32
    %max3A_10 = vector.broadcast %max3A : f32 to vector<1000x128xf32>
    %max3A_11 = arith.maximumf %add3A_9, %max3A_10 : vector<1000x128xf32>
    %swap3A = arith.constant 0 : index
    %swap3A_12 = arith.constant 0 : index
    %swap3A_13 = vector.load %arg4[%swap3A, %swap3A_12] : memref<1000x128xf32, #tpu.memory_space<vmem>>, vector<1000x128xf32>
    tpu.vector_store %arg4[%swap3A, %swap3A_12], %max3A_11 {strides = array<i32>} : memref<1000x128xf32, #tpu.memory_space<vmem>>, vector<1000x128xf32>,
    return
  }
  func.func @transform_0(%arg0: i32) -> (i32, i32) {
    %c0_i32 = arith.constant 0 : i32
    %c0_i32_0 = arith.constant 0 : i32
    return %arg0, %c0_i32 : i32, i32
  }
  func.func @transform_1(%arg0: i32) -> (i32, i32) {
    %c0_i32 = arith.constant 0 : i32
    %c0_i32_0 = arith.constant 0 : i32
    %c0_i32_1 = arith.constant 0 : i32
    return %c0_i32, %c0_i32_0 : i32, i32
  }
  func.func @transform_2(%arg0: i32) -> (i32, i32) {
    %c0_i32 = arith.constant 0 : i32
    %c0_i32_0 = arith.constant 0 : i32
    %c0_i32_1 = arith.constant 0 : i32
    return %c0_i32, %c0_i32_0 : i32, i32
  }
  func.func @transform_3(%arg0: i32) -> (i32, i32) {
    %c0_i32 = arith.constant 0 : i32
    %c0_i32_0 = arith.constant 0 : i32
    return %arg0, %c0_i32 : i32, i32
  }
}

module attributes {stable_mosaic.version = 14 : i64} {
  func.func @_fin_body(%arg0: i32, %arg1: memref<1000x128xf32, #tpu.memory_space<vmem>>, %arg2: memref<1000x128xf32, #tpu.memory_space<vmem>>, %arg3: memref<1000x1xf32, #tpu.memory_space<vmem>>, %arg4: memref<1x128xf32, #tpu.memory_space<vmem>>, %arg5: memref<1x128xf32, #tpu.memory_space<vmem>>, %arg6: memref<1000x128xf32, #tpu.memory_space<vmem>>) attributes {dimension_semantics = [#tpu.dimension_semantics<arbitrary>], iteration_bounds = array<i64: 10>, scalar_prefetch = 0 : i64, scratch_operands = 0 : i64, tpu.core_type = #tpu.core_type<tc>, window_params = [{transform_indices = @transform_0, window_bounds = array<i64: 1000, 128>}, {transform_indices = @transform_1, window_bounds = array<i64: 1000, 128>}, {transform_indices = @transform_2, window_bounds = array<i64: 1000, 1>}, {pipeline_mode = #tpu.pipeline_mode<synchronous>, transform_indices = @transform_3, window_bounds = array<i64: 1, 128>}, {pipeline_mode = #tpu.pipeline_mode<synchronous>, transform_indices = @transform_4, window_bounds = array<i64: 1, 128>}, {transform_indices = @transform_5, window_bounds = array<i64: 1000, 128>}]} {
    %get3A = arith.constant 0 : index
    %get3A_0 = arith.constant 0 : index
    %get3A_1 = vector.load %arg2[%get3A, %get3A_0] : memref<1000x128xf32, #tpu.memory_space<vmem>>, vector<1000x128xf32>
    %get3A_2 = arith.constant 0 : index
    %get3A_3 = arith.constant 0 : index
    %get3A_4 = vector.load %arg3[%get3A_2, %get3A_3] : memref<1000x1xf32, #tpu.memory_space<vmem>>, vector<1000x1xf32>
    %eq3A = arith.constant 0.000000e+00 : f32
    %eq3A_5 = vector.broadcast %eq3A : f32 to vector<1000x1xf32>
    %eq3A_6 = arith.cmpf oeq, %get3A_4, %eq3A_5 : vector<1000x1xf32>
    %jit3A = arith.constant 1.000000e+00 : f32
    %broadcast_in_dim3A = vector.broadcast %jit3A : f32 to vector<1000x1xf32>
    %select_n3A = arith.select %eq3A_6, %broadcast_in_dim3A, %get3A_4 : vector<1000x1xi1>, vector<1000x1xf32>
    %div3A = vector.broadcast %select_n3A : vector<1000x1xf32> to vector<1000x128xf32>
    %div3A_7 = arith.divf %get3A_1, %div3A : vector<1000x128xf32>
    %get3A_8 = arith.constant 0 : index
    %get3A_9 = arith.constant 0 : index
    %get3A_10 = vector.load %arg1[%get3A_8, %get3A_9] : memref<1000x128xf32, #tpu.memory_space<vmem>>, vector<1000x128xf32>
    %add3A = arith.addf %get3A_10, %div3A_7 : vector<1000x128xf32>
    %mul3A = arith.mulf %add3A, %add3A : vector<1000x128xf32>
    %reduce_sum3A = arith.constant dense<0.000000e+00> : vector<1000xf32>
    %reduce_sum3A_11 = vector.multi_reduction <add>, %mul3A, %reduce_sum3A [1] : vector<1000x128xf32> to vector<1000xf32>
    %broadcast_in_dim3A_12 = vector.shape_cast %reduce_sum3A_11 : vector<1000xf32> to vector<1000x1xf32>
    %div3A_13 = arith.constant 1.280000e+02 : f32
    %div3A_14 = vector.broadcast %div3A_13 : f32 to vector<1000x1xf32>
    %div3A_15 = arith.divf %broadcast_in_dim3A_12, %div3A_14 : vector<1000x1xf32>
    %add3A_16 = arith.constant 9.99999997E-7 : f32
    %add3A_17 = vector.broadcast %add3A_16 : f32 to vector<1000x1xf32>
    %add3A_18 = arith.addf %div3A_15, %add3A_17 : vector<1000x1xf32>
    %sqrt3A = math.sqrt %add3A_18 : vector<1000x1xf32>
    %div3A_19 = vector.broadcast %sqrt3A : vector<1000x1xf32> to vector<1000x128xf32>
    %div3A_20 = arith.divf %add3A, %div3A_19 : vector<1000x128xf32>
    %get3A_21 = arith.constant 0 : index
    %get3A_22 = arith.constant 0 : index
    %get3A_23 = vector.load %arg4[%get3A_21, %get3A_22] : memref<1x128xf32, #tpu.memory_space<vmem>>, vector<1x128xf32>
    %mul3A_24 = vector.broadcast %get3A_23 : vector<1x128xf32> to vector<1000x128xf32>
    %mul3A_25 = arith.mulf %div3A_20, %mul3A_24 : vector<1000x128xf32>
    %get3A_26 = arith.constant 0 : index
    %get3A_27 = arith.constant 0 : index
    %get3A_28 = vector.load %arg5[%get3A_26, %get3A_27] : memref<1x128xf32, #tpu.memory_space<vmem>>, vector<1x128xf32>
    %add3A_29 = vector.broadcast %get3A_28 : vector<1x128xf32> to vector<1000x128xf32>
    %add3A_30 = arith.addf %mul3A_25, %add3A_29 : vector<1000x128xf32>
    %swap3A = arith.constant 0 : index
    %swap3A_31 = arith.constant 0 : index
    %swap3A_32 = vector.load %arg6[%swap3A, %swap3A_31] : memref<1000x128xf32, #tpu.memory_space<vmem>>, vector<1000x128xf32>
    tpu.vector_store %arg6[%swap3A, %swap3A_31], %add3A_30 {strides = array<i32>} : memref<1000x128xf32, #tpu.memory_space<vmem>>, vector<1000x128xf32>,
    return
  }
  func.func @transform_0(%arg0: i32) -> (i32, i32) {
    %c0_i32 = arith.constant 0 : i32
    %c0_i32_0 = arith.constant 0 : i32
    return %arg0, %c0_i32 : i32, i32
  }
  func.func @transform_1(%arg0: i32) -> (i32, i32) {
    %c0_i32 = arith.constant 0 : i32
    %c0_i32_0 = arith.constant 0 : i32
    return %arg0, %c0_i32 : i32, i32
  }
  func.func @transform_2(%arg0: i32) -> (i32, i32) {
    %c0_i32 = arith.constant 0 : i32
    %c0_i32_0 = arith.constant 0 : i32
    return %arg0, %c0_i32 : i32, i32
  }
  func.func @transform_3(%arg0: i32) -> (i32, i32) {
    %c0_i32 = arith.constant 0 : i32
    %c0_i32_0 = arith.constant 0 : i32
    %c0_i32_1 = arith.constant 0 : i32
    return %c0_i32, %c0_i32_0 : i32, i32
  }
  func.func @transform_4(%arg0: i32) -> (i32, i32) {
    %c0_i32 = arith.constant 0 : i32
    %c0_i32_0 = arith.constant 0 : i32
    %c0_i32_1 = arith.constant 0 : i32
    return %c0_i32, %c0_i32_0 : i32, i32
  }
  func.func @transform_5(%arg0: i32) -> (i32, i32) {
    %c0_i32 = arith.constant 0 : i32
    %c0_i32_0 = arith.constant 0 : i32
    return %arg0, %c0_i32 : i32, i32
  }
}

</mosaic_0001>

<sc_bundles>
// kernel: kernel.5.cloned.1.call-start
scs
__scs_entry_jumppad:
0x0: {  	(pc) =	sbr.rel $0x88, $3  }
0x1: {  	(tag) =	ssettag $0x0;
	lr =	simm.s32 $0x1  }
0x2: {  	[smem:$0x3F9B] =	sst lr;
	_ =	strace $0xD0000000  }
0x3: {  	_ = 	snop  }
0x4: {  	_ = 	snop  }
0x5: {  	_ = 	snop  }
0x6: {  	_ = 	snop  }
0x7: {  	_ = 	snop  }
__scs_overlays_trampoline_lowered:
0x8: {  	[smem:$0x3FAA] =	sst s0  }
0x9: {  	[smem:$0x3FAB] =	sst s1  }
0xa: {  	[smem:$0x3FAC] =	sst s2  }
0xb: {  	[smem:$0x3FAD] =	sst s3  }
0xc: {  	[smem:$0x3FAE] =	sst s4  }
0xd: {  	[smem:$0x3FAF] =	sst s5  }
0xe: {  	[smem:$0x3FB0] =	sst s6  }
0xf: {  	[smem:$0x3FB1] =	sst s7  }
0x10: {  	[smem:$0x3FB2] =	sst s8  }
0x11: {  	[smem:$0x3FB3] =	sst s9;
	s0 =	simm.s32 @!p0 $0x0  }
0x12: {  	s1 =	sld [smem:$0x3F99];
	s0 =	simm.s32 @p0 $0x1  }
0x13: {  	[smem:$0x3FB4] =	sst s0;
	s0 =	simm.s32 @!p1 $0x0  }
0x14: {  	s2 =	sld [smem:$0x3F98];
	s0 =	simm.s32 @p1 $0x1  }
0x15: {  	[smem:$0x3FB5] =	sst s0;
	s0 =	simm.s32 @!p2 $0x0  }
0x16: {  	s3 =	sld [smem:$0x3FDB];
	s0 =	simm.s32 @p2 $0x1  }
0x17: {  	s4 =	simm.s32 $0x1BF5;
	[smem:$0x3FB7] =	sst s0  }
0x18: {  	s0 =	sld [smem:$0x3F9A];
	_ =	swait.ge [sflag:s4], $0x0  }
0x19: {  	s7 =	sld [smem:$0x3F9B]  }
0x1a: {  	s8 =	sadd.s32 $0xFFFFE003, lr  }
0x1b: {  	s9 =	sadd.s32 $0xFFFFFEF7, lr;
	s5 =	simm.s32 $0xFFFFFFFF;
	p2 =	slt.u32 s8, $0xFFFFF086  }
0x1c: {  	p1 =	slt.u32 s9, $0xF7A;
	s5 =	simm.s32 @!p2 $0x0  }
0x1d: {  	s5 =	simm.s32 @p1 $0x1;
	p0 =	seq.s32 s7, s2  }
0x1e: {  	s7 =	smul.u32 @!p0 $0xF7A, s2;
	p2 =	seq.s32 @!p0 s5, $0x0  }
0x1f: {  	s9 =	smul.u32 $0xF7A, s1;
	s8 =	simm.s32 @!p0 $0x1BF5;
	p2 =	por !p2, p0  }
0x20: {  	[sflag:s8] =	ssyncset.s32 @!p0 $0xFFFFF086;
	s6 =	sadd.s32 @!p0 s3, s7;
	s7 =	simm.s32 @!p0 $0x108  }
0x21: {  	s3 =	sadd.s32 s3, s9;
	s6 =	sadd.s32 @!p0 $0x88, s6;
	s7 =	simm.s32 @p2 $0x1082  }
0x22: {  	[simem:s7], [sflag:s8] =	dma.local @!p0 [hbm:s6], $0xF7A  }
0x23: {  	s9 =	sor.u32 $0xD0000000, s2;
	s6 =	simm.s32 $0x108;
	_ =	swait.ge @!p0 [sflag:s8], $0x0  }
0x24: {  	s3 =	sadd.s32 $0x88, s3;
	s6 =	simm.s32 @!p1 $0x1082;
	[sflag:s4] =	ssyncset.s32 $0xFFFFF086  }
0x25: {  	[simem:s6], [sflag:s4] =	dma.local [hbm:s3], $0xF7A  }
0x26: {  	[smem:$0x3F9B] =	sst s1;
	(tag) =	ssettag s2;
	_ =	strace s9  }
0x27: {  	s1 =	sld [smem:$0x3FAB]  }
0x28: {  	s2 =	sld [smem:$0x3FAC]  }
0x29: {  	s4 =	sld [smem:$0x3FAE]  }
0x2a: {  	p0 =	seq.s32 s5, $0x0;
	s5 =	sld [smem:$0x3FAF]  }
0x2b: {  	s6 =	sld [smem:$0x3FB0]  }
0x2c: {  	s7 =	sld [smem:$0x3FB1]  }
0x2d: {  	s3 =	simm.s32 $0x108;
	s8 =	sld [smem:$0x3FB2]  }
0x2e: {  	s3 =	simm.s32 @!p0 $0x1082;
	s9 =	sld [smem:$0x3FB3]  }
0x2f: {  	lr =	sadd.s32 s0, s3;
	s0 =	sld [smem:$0x3FAA]  }
0x30: {  	s3 =	sld [smem:$0x3FAD]  }
0x31: {  	[smem:$0x3FB6] =	sst s10  }
0x32: {  	s10 =	sld [smem:$0x3FB4];
	_ =	sdelay $0x3  }
0x33: {  	p0 =	seq.s32 s10, $0x1;
	s10 =	sld [smem:$0x3FB6];
	_ =	sdelay $0x3  }
0x34: {  	[smem:$0x3FB6] =	sst s10  }
0x35: {  	s10 =	sld [smem:$0x3FB5];
	_ =	sdelay $0x3  }
0x36: {  	p1 =	seq.s32 s10, $0x1;
	s10 =	sld [smem:$0x3FB6];
	_ =	sdelay $0x3  }
0x37: {  	[smem:$0x3FB6] =	sst s10  }
0x38: {  	s10 =	sld [smem:$0x3FB7]  }
0x39: {  	_ = 	snop;
	(pc) =	sbr.ind lr, $3  }
0x3a: {  	_ = 	snop  }
0x3b: {  	_ = 	snop  }
0x3c: {  	p2 =	seq.s32 s10, $0x1;
	s10 =	sld [smem:$0x3FB6]  }
0x3d: {  	_ =	shalt  }
0x3e: {  	_ =	shalt  }
0x3f: {  	_ =	shalt  }
0x40: {  	_ =	shalt  }
0x41: {  	_ =	shalt  }
0x42: {  	_ =	shalt  }
0x43: {  	_ =	shalt  }
0x44: {  	_ =	shalt  }
0x45: {  	_ =	shalt  }
0x46: {  	_ =	shalt  }
0x47: {  	_ =	shalt  }
0x48: {  	_ =	shalt  }
0x49: {  	_ =	shalt  }
0x4a: {  	_ =	shalt  }
0x4b: {  	_ =	shalt  }
0x4c: {  	_ =	shalt  }
0x4d: {  	_ =	shalt  }
0x4e: {  	_ =	shalt  }
0x4f: {  	_ =	shalt  }
0x50: {  	_ =	shalt  }
0x51: {  	_ =	shalt  }
0x52: {  	_ =	shalt  }
0x53: {  	_ =	shalt  }
0x54: {  	_ =	shalt  }
0x55: {  	_ =	shalt  }
0x56: {  	_ =	shalt  }
0x57: {  	_ =	shalt  }
0x58: {  	_ =	shalt  }
0x59: {  	_ =	shalt  }
0x5a: {  	_ =	shalt  }
0x5b: {  	_ =	shalt  }
0x5c: {  	_ =	shalt  }
0x5d: {  	_ =	shalt  }
0x5e: {  	_ =	shalt  }
0x5f: {  	_ =	shalt  }
0x60: {  	_ =	shalt  }
0x61: {  	_ =	shalt  }
0x62: {  	_ =	shalt  }
0x63: {  	_ =	shalt  }
0x64: {  	_ =	shalt  }
0x65: {  	_ =	shalt  }
0x66: {  	_ =	shalt  }
0x67: {  	_ =	shalt  }
0x68: {  	_ =	shalt  }
0x69: {  	_ =	shalt  }
0x6a: {  	_ =	shalt  }
0x6b: {  	_ =	shalt  }
0x6c: {  	_ =	shalt  }
0x6d: {  	_ =	shalt  }
0x6e: {  	_ =	shalt  }
0x6f: {  	_ =	shalt  }
0x70: {  	_ =	shalt  }
0x71: {  	_ =	shalt  }
0x72: {  	_ =	shalt  }
0x73: {  	_ =	shalt  }
0x74: {  	_ =	shalt  }
0x75: {  	_ =	shalt  }
0x76: {  	_ =	shalt  }
0x77: {  	_ =	shalt  }
0x78: {  	_ =	shalt  }
0x79: {  	_ =	shalt  }
0x7a: {  	_ =	shalt  }
0x7b: {  	_ =	shalt  }
0x7c: {  	_ =	shalt  }
0x7d: {  	_ =	shalt  }
0x7e: {  	_ =	shalt  }
0x7f: {  	_ =	shalt  }
0x80: {  	_ =	shalt  }
0x81: {  	_ =	shalt  }
0x82: {  	_ =	shalt  }
0x83: {  	_ =	shalt  }
0x84: {  	_ =	shalt  }
0x85: {  	_ =	shalt  }
0x86: {  	_ =	shalt  }
0x87: {  	_ =	shalt  }
.Lfunc_end0:
.L_simem_size_0:
called_computation_lowered:
.L_overlay_start_0:
0x88: {  	s2 =	sld [smem:$0x3FD9]  }
0x89: {  	s3 =	sld [smem:$0x3FFE];
	_ =	sdelay $0x1  }
0x8a: {  	s1 =	srdreg.scid  }
0x8b: {  	s0 =	sand.u32 $0x1, s1  }
0x8c: {  	s17 =	sshll.u32 s0, $0xA;
	s2 =	sadd.s32 s3, s2  }
0x8d: {  	s2 =	sadd.s32 s2, s17  }
0x8e: {  	[smem:$0x3FC2] =	sst s2  }
0x8f: {  	_ = 	snop  }
0x90: {  	s2 =	sld [smem:$0x3FD0];
	(tm) =	ssettm $0x1  }
0x91: {  	s18 =	sld [smem:$0x3FFB];
	_ =	sdelay $0x3  }
0x92: {  	_ =	strace s18  }
0x93: {  	s3 =	sld [smem:$0x3FFC];
	_ =	sdelay $0x3  }
0x94: {  	_ =	strace s3  }
0x95: {  	s3 =	sld [smem:$0x3FFD];
	_ =	sdelay $0x3  }
0x96: {  	_ =	strace s3  }
0x97: {  	_ =	strace $0x8FFFFFFF  }
0x98: {  	s19 =	sld [smem:$0x3FDB];
	_ =	sdelay $0x1  }
0x99: {  	s4 =	simm.s32 $_scs_section_size  }
0x9a: {  	s5 =	simm.s32 $_size__tile_overlayer_lowered;
	s6 =	simm.s32 $_tile_overlayer_lowered  }
0x9b: {  	s22 =	simm.s32 $0x1BFF;
	s21 =	sshll.u32 s6, $0x1;
	s3 =	sadd.s32 s4, s19  }
0x9c: {  	s7 =	simm.s32 $0x0;
	s20 =	sshll.u32 s5, $0x1;
	s5 =	sadd.s32 s21, s3  }
0x9d: {  	[timem:s7], [sflag:s22] =	dma.local [hbm:s5], s20  }
0x9e: {  	_ =	swait.ge [sflag:s22], s20  }
0x9f: {  	s4 =	ssub.s32 $0x0, s20;
	[sflag:s22] =	ssyncset.done $0x0  }
0xa0: {  	[sflag:s22] =	ssyncadd.s32 s4;
	_ =	sdelay $0x1  }
0xa1: {  	s23 =	simm.s32 $0x1B8B  }
0xa2: {  	_ =	swait.ge [sflag:s23], $0x1  }
0xa3: {  	[sflag:s23] =	ssyncset.done $0x0  }
0xa4: {  	s25 =	simm.s32 $0x1B8E;
	s24 =	sld [smem:$0x3FFE];
	[sflag:s23] =	ssyncadd.s32 $0xFFFFFFFF  }
0xa5: {  	s26 =	simm.s32 $execute0_lowered;
	[smem:$0x3FD2] =	sst s25  }
0xa6: {  	s5 =	sshll.u32 s26, $0x1;
	_ =	strace $0x80000046;
	[dreg:$0x1] =	wrdreg $0xFFFFFFFF  }
0xa7: {  	s28 =	simm.s32 $_size_execute0_lowered;
	s3 =	sadd.s32 s3, s5;
	[dreg:$0x0] =	wrdreg $0x0  }
0xa8: {  	s5 =	sshll.u32 s28, $0x1;
	[dreg:$0x2] =	wrdreg s3  }
0xa9: {  	[dreg:$0x3] =	wrdreg s5  }
0xaa: {  	[dreg:$0x4] =	wrdreg $0xC0  }
0xab: {  	_ =	task [dreg:s7], $0x5FFFF  }
0xac: {  	[dreg:$0x1] =	wrdreg $0xFFFFFFFF  }
0xad: {  	[dreg:$0x0] =	wrdreg $0x60  }
0xae: {  	[dreg:$0x2] =	wrdreg s2  }
0xaf: {  	[dreg:$0x3] =	wrdreg s24  }
0xb0: {  	[dreg:$0x4] =	wrdreg $0x68400  }
0xb1: {  	[dreg:$0x5] =	wrdreg $0x108400  }
0xb2: {  	[dreg:$0x6] =	wrdreg $0x1A8400  }
0xb3: {  	[dreg:$0x7] =	wrdreg $0x9  }
0xb4: {  	_ =	task.clear_ibuf [dreg:s7], $0x8FFFF;
	_ =	strace $0x90000046  }
0xb5: {  	s29 =	simm.s32 $0x9;
	_ =	strace $0x80000048  }
0xb6: {  	_ =	swait.ge [sflag:s29], $0x1  }
0xb7: {  	[sflag:s29] =	ssyncadd.s32 $0xFFFFFFFF  }
0xb8: {  	_ =	strace $0x90000048  }
0xb9: {  	_ =	sfence  }
0xba: {  	s30 =	sld [smem:$0x0];
	_ =	sdelay $0x2  }
0xbb: {  	s31 =	sshll.u32 s1, $0xD;
	s1 =	sshrl.u32 s1, $0x2  }
0xbc: {  	s3 =	sand.u32 $0x4000, s31;
	s1 =	sadd.s32 s1, s30  }
0xbd: {  	s0 =	sor.u32 s3, s0;
	s1 =	sshll.u32 s1, $0x11  }
0xbe: {  	s0 =	sor.u32 s1, s0  }
0xbf: {  	s0 =	sadd.s32 $0x8F2B, s0  }
0xc0: {  	[sflag:s0] =	ssyncadd.remote.s32 $0x1  }
0xc1: {  	_ =	sfence.sel $0xFFFF  }
0xc2: {  	[dreg:$0x0] =	wrdreg $0xFFFFFFFF;
	(pc) =	sbr.abs _section_cstart, $3  }
0xc3: {  	[dreg:$0x1] =	wrdreg $0xFFFFFFFF  }
0xc4: {  	_ =	task.clear_ibuf [dreg:s7], $0x2FFFF;
	_ =	strace $0x9FFFFFFF  }
0xc5: {  	(tm) =	ssettm $0x7FFFFFFF  }
tec
execute0_lowered:
.L_overlay_start_1:
0x0: {  	(tag) =	ssettag $0x1  }
0x1: {  	s0 =	rddreg [dreg:$0x0]  }
0x2: {  	s1 =	rddreg [dreg:$0x1]  }
0x3: {  	s2 =	rddreg [dreg:$0x2]  }
0x4: {  	s3 =	rddreg [dreg:$0x3]  }
0x5: {  	s4 =	rddreg [dreg:$0x4];
	s16 =	stileid.u32;
	s5 =	simm.s32 $0x0  }
0x6: {  	s7 =	srdreg.scid;
	s28 =	simm.s32 $0xA;
	s6 =	smul.u32 $0x5000, s16  }
0x7: {  	s29 =	simm.s32 $0x1;
	s30 =	simm.s32 $0x8;
	s8 =	smul.u32 $0x14000, s16  }
0x8: {  	s31 =	simm.s32 $0x0;
	[smem:$0x7FF] =	sst s5;
	s10 =	smul.u32 $0x280, s16  }
0x9: {  	s7 =	sand.u32 $0x1, s7;
	s11 =	sadd.s32 $0x15E00, s1;
	s13 =	smul.u32 $0x13800, s16  }
0xa: {  	s12 =	sadd.s32 $0x15C00, s1;
	s21 =	sadd.s32 $0x15A00, s1;
	s15 =	smul.u32 $0x27000, s16  }
0xb: {  	s24 =	smul.u32 $0x28000, s16;
	_ =	strace $0x80000047;
	[dreg:$0x6] =	wrdreg s11  }
0xc: {  	p2 =	sne.s32 s16, $0xF;
	s16 =	simm.s32 $0x2;
	[dreg:$0x7] =	wrdreg s12  }
0xd: {  	s9 =	sshll.u32 s7, $0x6;
	s20 =	smul.u32 $0x2800, s7;
	[dreg:$0x8] =	wrdreg s21  }
0xe: {  	s22 =	ssub.s32 $0x2, s7;
	s25 =	sshll.u32 s7, $0x3;
	p0 =	sne.s32 s7, $0x0  }
0xf: {  	p1 =	seq.s32 s7, $0x0;
	s7 =	simm.s32 $0x3800;
	s6 =	sshrl.u32 s6, $0x3  }
0x10: {  	s8 =	sor.u32 s9, s8;
	s14 =	sshrl.u32 s22, $0x1;
	s9 =	sor.u32 s9, s13  }
0x11: {  	s23 =	sshrl.u32 s15, $0x2;
	s26 =	sshrl.u32 s24, $0x2;
	s6 =	sadd.s32 s6, s1  }
0x12: {  	s8 =	sshrl.u32 s8, $0x3;
	s11 =	sadd.s32 s10, s20;
	s9 =	sshrl.u32 s9, $0x3  }
0x13: {  	s12 =	sadd.s32 s23, s2;
	s10 =	sadd.s32 s10, s4;
	s8 =	sadd.s32 s8, s1  }
0x14: {  	s11 =	sshrl.u32 s11, $0x3;
	s9 =	sadd.s32 s0, s9;
	[dreg:$0xc] =	wrdreg s10  }
0x15: {  	s0 =	sadd.s32 s25, s0;
	s13 =	sadd.s32 $0x1A00, s6;
	[dreg:$0x9] =	wrdreg s9  }
0x16: {  	s15 =	sadd.s32 $0xBA00, s6;
	s17 =	sadd.s32 $0x1C80, s6;
	[dreg:$0xd] =	wrdreg s13  }
0x17: {  	s18 =	sadd.s32 $0xBC80, s6;
	s19 =	sadd.s32 $0x1F00, s6;
	[dreg:$0xe] =	wrdreg s15  }
0x18: {  	s20 =	sadd.s32 $0xBF00, s6;
	s21 =	sadd.s32 $0x2180, s6;
	[dreg:$0xf] =	wrdreg s17  }
0x19: {  	s10 =	simm.s32 $0x3;
	s1 =	sadd.s32 s11, s1;
	[dreg:$0x10] =	wrdreg s18  }
0x1a: {  	s11 =	ssub.s32 s22, s14;
	s14 =	sadd.s32 $0x9C000, s2;
	[dreg:$0x11] =	wrdreg s19  }
0x1b: {  	s0 =	sadd.s32 $0x27000, s0;
	s9 =	sadd.s32 s26, s3;
	[dreg:$0x12] =	wrdreg s20  }
0x1c: {  	[dreg:$0x13] =	wrdreg s21;
	s22 =	sadd.s32 $0xC180, s6;
	s23 =	sadd.s32 $0x17C00, s8  }
0x1d: {  	s26 =	sshrl.u32 s12, $0x3;
	s12 =	simm.s32 $0x4800;
	[dreg:$0xa] =	wrdreg s0  }
0x1e: {  	s13 =	simm.s32 $0x6;
	s15 =	simm.s32 $0x7;
	[dreg:$0xb] =	wrdreg s9  }
0x1f: {  	s17 =	simm.s32 $0x4;
	s18 =	simm.s32 $0x5;
	[dreg:$0x14] =	wrdreg s22  }
.Ltmp0:
0x20: {  	s19 =	simm.s32 $0x9;
	[dreg:$0x15] =	wrdreg s23;
	(pc) =	sbr.rel .LBB2_1-.Ltmp0, $4  }
0x21: {  	s24 =	sadd.s32 $0x17200, s1;
	s25 =	smax.u32 s11, $0x1;
	[dreg:$0x18] =	wrdreg s26  }
0x22: {  	s0 =	sshrl.u32 @!p2 s14, $0x3;
	s11 =	simm.s32 $0x10;
	[dreg:$0x16] =	wrdreg s24  }
0x23: {  	s26 =	simm.s32 $0x40;
	s1 =	simm.s32 $0x2800;
	[dreg:$0x17] =	wrdreg s25  }
0x24: {  	s9 =	simm.s32 $0x5800;
	[dreg:$0x19] =	wrdreg s0;
	s0 =	simm.s32 $0x1400  }
.LBB2_28:
0x25: {  	[sflag:s19] =	ssyncadd.s32 $0xFFFFFFC0  }
.LBB2_29:
0x26: {  	[bflag:$0x0] =	sbarrier.arrive $0xFFFF  }
0x27: {  	s6 =	rddreg [dreg:$0x15]  }
0x28: {  	[hbm:s6@s11], [sflag:s20] =	dma.strided [spmem:s21@s30], $0x1400, s29, $0x8   }
0x29: {  	_ =	swait.ge [sflag:s28], $0x1400  }
0x2a: {  	[sflag:s28] =	ssyncset.done $0x0  }
0x2b: {  	s24 =	rddreg [dreg:$0x16];
	[sflag:s28] =	ssyncadd.s32 $0xFFFFEC00  }
0x2c: {  	[hbm:s24], [sflag:s20] =	dma.local [spmem:s22], $0x50  }
0x2d: {  	_ =	swait.ge [sflag:s28], $0x50  }
0x2e: {  	s31 =	sadd.s32 $0x1, s31;
	s25 =	rddreg [dreg:$0x17]  }
0x2f: {  	p3 =	sne.s32 s31, s25  }
.Ltmp1:
0x30: {  	_ = 	snop;
	(pc) =	sbr.rel @!p3 .LBB2_30-.Ltmp1, $3  }
0x31: {  	_ =	sdelay $0x1  }
0x32: {  	[sflag:s28] =	ssyncset.done $0x0  }
0x33: {  	[sflag:s28] =	ssyncadd.s32 $0xFFFFFFB0  }
.LBB2_1:
0x34: {  	s6 =	rddreg [dreg:$0x8];
	s8 =	simm.s32 $0x6800  }
0x35: {  	[tilespmem:s8], [sflag:$0xA] =	stream.linear.gather [hbm4b:s6+s5], $0x40, $0x38;
	[tilespmem:$0x1AAC0] =	vst v63  }
0x36: {  	s23 =	stileid.u32;
	_ =	swait.ge [sflag:s28], $0x40  }
0x37: {  	s6 =	sshll.u32 s23, $0x6;
	[sflag:s28] =	ssyncset.done $0x0;
	s24 =	rddreg [dreg:$0x9]  }
0x38: {  	s20 =	sor.u32 $0x1C0A, s6;
	s25 =	rddreg [dreg:$0x18];
	[sflag:s28] =	ssyncadd.s32 $0xFFFFFFC0  }
0x39: {  	[spmem:s25@s30], [sflag:s20] =	dma.strided [hbm:s24@s11], $0x1380, s29, $0x8   }
0x3a: {  	s21 =	simm.s32 @!p2 $0x8;
	_ =	swait.ge [sflag:s28], $0x1380  }
0x3b: {  	s22 =	simm.s32 @!p2 $0x10;
	[sflag:s28] =	ssyncset.done $0x0;
	s8 =	rddreg [dreg:$0xa]  }
0x3c: {  	s6 =	simm.s32 @!p2 $0x1;
	s11 =	rddreg [dreg:$0x19];
	[sflag:s28] =	ssyncadd.s32 $0xFFFFEC80  }
0x3d: {  	[spmem:s11@s21], [sflag:s20] =	dma.strided @!p2 [hbm:s8@s22], $0x80, s6, $0x8   }
0x3e: {  	s6 =	simm.s32 @!p2 $0xA  }
0x3f: {  	_ =	swait.ge @!p2 [sflag:s6], $0x80  }
0x40: {  	[sflag:s6] =	ssyncset.done @!p2 $0x0;
	s11 =	rddreg [dreg:$0xb]  }
0x41: {  	s14 =	rddreg [dreg:$0x6];
	[sflag:s6] =	ssyncadd.s32 @!p2 $0xFFFFFF80;
	s21 =	sshrl.u32 s11, $0x3  }
0x42: {  	[spmem:s21], [sflag:s20] =	dma.local [hbm:s14], $0x1400  }
0x43: {  	_ =	swait.ge [sflag:s28], $0x1400  }
0x44: {  	[sflag:s28] =	ssyncset.done $0x0;
	s22 =	rddreg [dreg:$0xc]  }
0x45: {  	s23 =	rddreg [dreg:$0x7];
	[sflag:s28] =	ssyncadd.s32 $0xFFFFEC00;
	s22 =	sshrl.u32 s22, $0x3  }
0x46: {  	[spmem:s22], [sflag:s20] =	dma.local [hbm:s23], $0x50  }
0x47: {  	_ =	swait.ge [sflag:s28], $0x50  }
0x48: {  	[sflag:s28] =	ssyncset.done $0x0  }
0x49: {  	[sflag:s28] =	ssyncadd.s32 $0xFFFFFFB0  }
0x4a: {  	[bflag:$0x0] =	sbarrier.arrive $0xFFFF  }
0x4b: {  	s24 =	rddreg [dreg:$0xd]  }
0x4c: {  	[tilespmem:s5], [sflag:$0xA] =	stream.linear.gather [hbm4b:s24+s5], $0x1400, $0x38;
	[tilespmem:$0x1AAC0] =	vst v63  }
0x4d: {  	_ =	swait.ge [sflag:s28], $0x1400  }
0x4e: {  	[sflag:s28] =	ssyncset.done $0x0  }
0x4f: {  	s25 =	rddreg [dreg:$0xe];
	[sflag:s28] =	ssyncadd.s32 $0xFFFFEC00  }
0x50: {  	[tilespmem:s0], [sflag:$0xA] =	stream.linear.gather [hbm4b:s25+s5], $0x1400, $0x38;
	[tilespmem:$0x1AAC0] =	vst v63  }
0x51: {  	_ =	swait.ge [sflag:s28], $0x1400  }
0x52: {  	[sflag:s28] =	ssyncset.done $0x0  }
0x53: {  	[sflag:s28] =	ssyncadd.s32 $0xFFFFEC00  }
0x54: {  	[tilespmem:s1], [sflag:$0x1] =	stream.indirect.gather [spmem:s2], $0x40, s0, s26, $0xb8;
	[tilespmem:$0x1AAC0] =	vst v63  }
0x55: {  	s8 =	simm.s32 $0x1440  }
0x56: {  	[tilespmem:s7], [sflag:$0x2] =	stream.indirect.gather [spmem:s2], $0x40, s8, s26, $0xb8;
	[tilespmem:$0x1AAC0] =	vst v63  }
0x57: {  	_ =	swait.ge [sflag:s29], $0x1000  }
0x58: {  	[sflag:s29] =	ssyncset.done $0x0  }
0x59: {  	[sflag:s29] =	ssyncadd.s32 $0xFFFFF000  }
0x5a: {  	[spmem:s3] =	stream.indirect.scatter.add.f32 [tilespmem:s1], [sflag:$0x5], $0x40, s5, s26, $0xb8;
	[tilespmem:$0x1AAC0] =	vst v63  }
0x5b: {  	s6 =	simm.s32 @p0 $0x40;
	s23 =	simm.s32 @p0 $0x1480;
	s24 =	simm.s32 @p0 $0x4800  }
0x5c: {  	[tilespmem:s24], [sflag:$0x3] =	stream.indirect.gather @p0 [spmem:s2], $0x40, s23, s6, $0xb8;
	[tilespmem:$0x1AAC0] =	vst v63  }
0x5d: {  	s23 =	simm.s32 @p0 $0x2  }
0x5e: {  	_ =	swait.ge @p0 [sflag:s23], $0x1000  }
0x5f: {  	[sflag:s23] =	ssyncset.done @p0 $0x0  }
0x60: {  	[sflag:s23] =	ssyncadd.s32 @p0 $0xFFFFF000;
	s23 =	simm.s32 @p0 $0x3800  }
0x61: {  	[spmem:s3] =	stream.indirect.scatter.add.f32 @p0 [tilespmem:s23], [sflag:$0x6], $0x40, s6, s6, $0xb8;
	[tilespmem:$0x1AAC0] =	vst v63  }
0x62: {  	s25 =	simm.s32 @!p0 $0x0;
	s24 =	simm.s32 @!p0 $0x6800;
	s23 =	simm.s32 @!p0 $0x40  }
0x63: {  	[spmem:s4] =	stream.indirect.scatter.add.f32 @!p0 [tilespmem:s24], [sflag:$0x9], $0x1, s25, s23, $0xb8;
	[tilespmem:$0x1AAC0] =	vst v63  }
0x64: {  	s8 =	simm.s32 @!p0 $0x4800;
	s25 =	simm.s32 @!p0 $0x1480  }
0x65: {  	[tilespmem:s8], [sflag:$0x3] =	stream.indirect.gather @!p0 [spmem:s2], $0x40, s25, s23, $0xb8;
	[tilespmem:$0x1AAC0] =	vst v63  }
0x66: {  	s8 =	simm.s32 @!p0 $0x2  }
0x67: {  	_ =	swait.ge @!p0 [sflag:s8], $0x1000  }
0x68: {  	[sflag:s8] =	ssyncset.done @!p0 $0x0  }
0x69: {  	[sflag:s8] =	ssyncadd.s32 @!p0 $0xFFFFF000;
	s8 =	simm.s32 @!p0 $0x3800  }
0x6a: {  	[spmem:s3] =	stream.indirect.scatter.add.f32 @!p0 [tilespmem:s8], [sflag:$0x6], $0x40, s23, s23, $0xb8;
	[tilespmem:$0x1AAC0] =	vst v63  }
0x6b: {  	_ = 	snop  }
0x6c: {  	[spmem:s4] =	stream.indirect.scatter.add.f32 @!p0 [tilespmem:s24], [sflag:$0x9], $0x1, s23, s23, $0xb8;
	[tilespmem:$0x1AAC0] =	vst v63  }
0x6d: {  	s11 =	simm.s32 $0x14C0  }
0x6e: {  	[tilespmem:s9], [sflag:$0x4] =	stream.indirect.gather [spmem:s2], $0x40, s11, s26, $0xb8;
	[tilespmem:$0x1AAC0] =	vst v63  }
0x6f: {  	_ =	swait.ge [sflag:s10], $0x1000  }
0x70: {  	[sflag:s10] =	ssyncset.done $0x0  }
0x71: {  	s14 =	simm.s32 $0x80;
	s8 =	simm.s32 @p0 $0x5;
	[sflag:s10] =	ssyncadd.s32 $0xFFFFF000  }
0x72: {  	[spmem:s3] =	stream.indirect.scatter.add.f32 [tilespmem:s12], [sflag:$0x7], $0x40, s14, s26, $0xb8;
	[tilespmem:$0x1AAC0] =	vst v63  }
0x73: {  	_ =	swait.ge @p0 [sflag:s8], $0x1000  }
0x74: {  	[sflag:s8] =	ssyncset.done @p0 $0x0  }
0x75: {  	s25 =	simm.s32 @p0 $0x2800;
	[sflag:s8] =	ssyncadd.s32 @p0 $0xFFFFF000;
	s8 =	simm.s32 @p0 $0x1500  }
0x76: {  	[tilespmem:s25], [sflag:$0x1] =	stream.indirect.gather @p0 [spmem:s2], $0x40, s8, s6, $0xb8;
	[tilespmem:$0x1AAC0] =	vst v63  }
0x77: {  	s8 =	simm.s32 @p0 $0x4  }
0x78: {  	_ =	swait.ge @p0 [sflag:s8], $0x1000  }
0x79: {  	[sflag:s8] =	ssyncset.done @p0 $0x0  }
0x7a: {  	s25 =	simm.s32 @p0 $0x5800;
	[sflag:s8] =	ssyncadd.s32 @p0 $0xFFFFF000;
	s8 =	simm.s32 @p0 $0xC0  }
0x7b: {  	[spmem:s3] =	stream.indirect.scatter.add.f32 @p0 [tilespmem:s25], [sflag:$0x8], $0x40, s8, s6, $0xb8;
	[tilespmem:$0x1AAC0] =	vst v63  }
0x7c: {  	s6 =	simm.s32 @!p0 $0x80  }
0x7d: {  	[spmem:s4] =	stream.indirect.scatter.add.f32 @!p0 [tilespmem:s24], [sflag:$0x9], $0x1, s6, s23, $0xb8;
	[tilespmem:$0x1AAC0] =	vst v63  }
0x7e: {  	s6 =	simm.s32 @!p0 $0x5  }
0x7f: {  	_ =	swait.ge @!p0 [sflag:s6], $0x1000  }
0x80: {  	[sflag:s6] =	ssyncset.done @!p0 $0x0  }
0x81: {  	s8 =	simm.s32 @!p0 $0x2800;
	[sflag:s6] =	ssyncadd.s32 @!p0 $0xFFFFF000;
	s6 =	simm.s32 @!p0 $0x1500  }
0x82: {  	[tilespmem:s8], [sflag:$0x1] =	stream.indirect.gather @!p0 [spmem:s2], $0x40, s6, s23, $0xb8;
	[tilespmem:$0x1AAC0] =	vst v63  }
0x83: {  	s6 =	simm.s32 @!p0 $0x4  }
0x84: {  	_ =	swait.ge @!p0 [sflag:s6], $0x1000  }
0x85: {  	[sflag:s6] =	ssyncset.done @!p0 $0x0  }
0x86: {  	s8 =	simm.s32 @!p0 $0x5800;
	[sflag:s6] =	ssyncadd.s32 @!p0 $0xFFFFF000;
	s6 =	simm.s32 @!p0 $0xC0  }
0x87: {  	[spmem:s3] =	stream.indirect.scatter.add.f32 @!p0 [tilespmem:s8], [sflag:$0x8], $0x40, s6, s23, $0xb8;
	[tilespmem:$0x1AAC0] =	vst v63  }
0x88: {  	_ = 	snop  }
0x89: {  	[spmem:s4] =	stream.indirect.scatter.add.f32 @!p0 [tilespmem:s24], [sflag:$0x9], $0x1, s6, s23, $0xb8;
	[tilespmem:$0x1AAC0] =	vst v63  }
0x8a: {  	_ =	swait.ge [sflag:s13], $0x1000  }
0x8b: {  	[sflag:s13] =	ssyncset.done $0x0  }
0x8c: {  	s25 =	simm.s32 $0x1540;
	[sflag:s13] =	ssyncadd.s32 $0xFFFFF000  }
0x8d: {  	[tilespmem:s7], [sflag:$0x2] =	stream.indirect.gather [spmem:s2], $0x40, s25, s26, $0xb8;
	[tilespmem:$0x1AAC0] =	vst v63  }
0x8e: {  	s25 =	simm.s32 $0x0  }
.LBB2_2:
0x8f: {  	_ =	swait.ge [sflag:s29], $0x1000  }
0x90: {  	s6 =	sshra.s32 s25, $0x2;
	[sflag:s29] =	ssyncset.done $0x0  }
0x91: {  	s8 =	sadd.s32 $0x100, s6;
	[sflag:s29] =	ssyncadd.s32 $0xFFFFF000  }
0x92: {  	[spmem:s3] =	stream.indirect.scatter.add.f32 [tilespmem:s1], [sflag:$0x5], $0x40, s8, s26, $0xb8;
	[tilespmem:$0x1AAC0] =	vst v63  }
0x93: {  	_ = 	snop  }
0x94: {  	[spmem:s4] =	stream.indirect.scatter.add.f32 @!p0 [tilespmem:s24], [sflag:$0x9], $0x1, s8, s23, $0xb8;
	[tilespmem:$0x1AAC0] =	vst v63  }
0x95: {  	_ =	swait.ge [sflag:s15], $0x1000  }
0x96: {  	[sflag:s15] =	ssyncset.done $0x0  }
0x97: {  	s11 =	sadd.s32 $0x1580, s6;
	[sflag:s15] =	ssyncadd.s32 $0xFFFFF000  }
0x98: {  	[tilespmem:s12], [sflag:$0x3] =	stream.indirect.gather [spmem:s2], $0x40, s11, s26, $0xb8;
	[tilespmem:$0x1AAC0] =	vst v63  }
0x99: {  	_ =	swait.ge [sflag:s16], $0x1000  }
0x9a: {  	[sflag:s16] =	ssyncset.done $0x0  }
0x9b: {  	s8 =	sadd.s32 $0x140, s6;
	[sflag:s16] =	ssyncadd.s32 $0xFFFFF000  }
0x9c: {  	[spmem:s3] =	stream.indirect.scatter.add.f32 [tilespmem:s7], [sflag:$0x6], $0x40, s8, s26, $0xb8;
	[tilespmem:$0x1AAC0] =	vst v63  }
0x9d: {  	_ = 	snop  }
0x9e: {  	[spmem:s4] =	stream.indirect.scatter.add.f32 @!p0 [tilespmem:s24], [sflag:$0x9], $0x1, s8, s23, $0xb8;
	[tilespmem:$0x1AAC0] =	vst v63  }
0x9f: {  	_ =	swait.ge [sflag:s30], $0x1000  }
0xa0: {  	[sflag:s30] =	ssyncset.done $0x0  }
0xa1: {  	s14 =	sadd.s32 $0x15C0, s6;
	[sflag:s30] =	ssyncadd.s32 $0xFFFFF000  }
0xa2: {  	[tilespmem:s9], [sflag:$0x4] =	stream.indirect.gather [spmem:s2], $0x40, s14, s26, $0xb8;
	[tilespmem:$0x1AAC0] =	vst v63  }
0xa3: {  	_ =	swait.ge [sflag:s10], $0x1000  }
0xa4: {  	[sflag:s10] =	ssyncset.done $0x0  }
0xa5: {  	s8 =	sadd.s32 $0x180, s6;
	[sflag:s10] =	ssyncadd.s32 $0xFFFFF000  }
0xa6: {  	[spmem:s3] =	stream.indirect.scatter.add.f32 [tilespmem:s12], [sflag:$0x7], $0x40, s8, s26, $0xb8;
	[tilespmem:$0x1AAC0] =	vst v63  }
0xa7: {  	p3 =	seq.s32 s25, $0x4800  }
0xa8: {  	[spmem:s4] =	stream.indirect.scatter.add.f32 @!p0 [tilespmem:s24], [sflag:$0x9], $0x1, s8, s23, $0xb8;
	[tilespmem:$0x1AAC0] =	vst v63  }
0xa9: {  	s8 =	simm.s32 @!p3 $0x5  }
0xaa: {  	_ =	swait.ge @!p3 [sflag:s8], $0x1000  }
0xab: {  	[sflag:s8] =	ssyncset.done @!p3 $0x0  }
0xac: {  	[sflag:s8] =	ssyncadd.s32 @!p3 $0xFFFFF000;
	s8 =	sshra.s32 @!p3 s25, $0x2  }
0xad: {  	s11 =	simm.s32 @!p3 $0x40;
	s14 =	simm.s32 @!p3 $0x2800;
	s8 =	sadd.s32 @!p3 $0x1600, s8  }
0xae: {  	[tilespmem:s14], [sflag:$0x1] =	stream.indirect.gather @!p3 [spmem:s2], $0x40, s8, s11, $0xb8;
	[tilespmem:$0x1AAC0] =	vst v63  }
0xaf: {  	_ =	swait.ge [sflag:s17], $0x1000  }
.Ltmp2:
0xb0: {  	[sflag:s17] =	ssyncset.done $0x0;
	(pc) =	sbr.rel @p3 .LBB2_4-.Ltmp2, $4  }
0xb1: {  	s8 =	sadd.s32 $0x1C0, s6;
	[sflag:s17] =	ssyncadd.s32 $0xFFFFF000  }
0xb2: {  	[spmem:s3] =	stream.indirect.scatter.add.f32 [tilespmem:s9], [sflag:$0x8], $0x40, s8, s26, $0xb8;
	[tilespmem:$0x1AAC0] =	vst v63  }
0xb3: {  	_ = 	snop  }
0xb4: {  	[spmem:s4] =	stream.indirect.scatter.add.f32 @!p0 [tilespmem:s24], [sflag:$0x9], $0x1, s8, s23, $0xb8;
	[tilespmem:$0x1AAC0] =	vst v63  }
.Ltmp3:
0xb5: {  	(pc) =	sbr.rel .LBB2_2-.Ltmp3, $4  }
0xb6: {  	_ =	swait.ge [sflag:s13], $0x1000  }
0xb7: {  	[sflag:s13] =	ssyncset.done $0x0  }
0xb8: {  	s6 =	sadd.s32 $0x1640, s6;
	s25 =	sadd.s32 $0x400, s25;
	[sflag:s13] =	ssyncadd.s32 $0xFFFFF000  }
0xb9: {  	[tilespmem:s7], [sflag:$0x2] =	stream.indirect.gather [spmem:s2], $0x40, s6, s26, $0xb8;
	[tilespmem:$0x1AAC0] =	vst v63  }
.LBB2_4:
0xba: {  	_ =	swait.ge [sflag:s18], $0x1000  }
0xbb: {  	[sflag:s18] =	ssyncset.done $0x0  }
0xbc: {  	[sflag:s18] =	ssyncadd.s32 $0xFFFFF000  }
0xbd: {  	_ =	swait.ge [sflag:s13], $0x1000  }
0xbe: {  	[sflag:s13] =	ssyncset.done $0x0  }
0xbf: {  	[sflag:s13] =	ssyncadd.s32 $0xFFFFF000  }
0xc0: {  	_ =	swait.ge [sflag:s15], $0x1000  }
.Ltmp4:
0xc1: {  	[sflag:s15] =	ssyncset.done $0x0;
	(pc) =	sbr.rel @p0 .LBB2_8-.Ltmp4, $4  }
0xc2: {  	[sflag:s15] =	ssyncadd.s32 $0xFFFFF000  }
0xc3: {  	_ =	swait.ge [sflag:s30], $0x1000  }
0xc4: {  	[sflag:s30] =	ssyncset.done $0x0  }
0xc5: {  	s6 =	simm.s32 $0x50;
	[sflag:s30] =	ssyncadd.s32 $0xFFFFF000  }
0xc6: {  	_ =	swait.ge [sflag:s19], $0x40  }
0xc7: {  	s6 =	sadd.s32 $0xFFFFFFFF, s6;
	[sflag:s19] =	ssyncset.done $0x0  }
.LBB2_6:
0xc8: {  	p3 =	sne.s32 s6, $0x1;
	s6 =	sadd.s32 $0xFFFFFFFF, s6;
	[sflag:s19] =	ssyncadd.s32 $0xFFFFFFC0  }
.Ltmp5:
0xc9: {  	(pc) =	sbr.rel @p3 .LBB2_6-.Ltmp5, $3  }
0xca: {  	_ =	sdelay $0x1  }
0xcb: {  	_ =	swait.ge [sflag:s19], $0x40  }
0xcc: {  	[sflag:s19] =	ssyncset.done $0x0  }
0xcd: {  	[sflag:s19] =	ssyncadd.s32 $0xFFFFFFC0  }
.LBB2_8:
0xce: {  	s6 =	rddreg [dreg:$0xf]  }
0xcf: {  	[tilespmem:s5], [sflag:$0xA] =	stream.linear.gather [hbm4b:s6+s5], $0x1400, $0x38;
	[tilespmem:$0x1AAC0] =	vst v63  }
0xd0: {  	_ =	swait.ge [sflag:s28], $0x1400  }
0xd1: {  	[sflag:s28] =	ssyncset.done $0x0  }
0xd2: {  	s25 =	rddreg [dreg:$0x10];
	[sflag:s28] =	ssyncadd.s32 $0xFFFFEC00  }
0xd3: {  	[tilespmem:s0], [sflag:$0xA] =	stream.linear.gather [hbm4b:s25+s5], $0x1400, $0x38;
	[tilespmem:$0x1AAC0] =	vst v63  }
0xd4: {  	_ =	swait.ge [sflag:s28], $0x1400  }
0xd5: {  	[sflag:s28] =	ssyncset.done $0x0  }
0xd6: {  	[sflag:s28] =	ssyncadd.s32 $0xFFFFEC00  }
0xd7: {  	[tilespmem:s1], [sflag:$0x1] =	stream.indirect.gather [spmem:s2], $0x40, s0, s26, $0xb8;
	[tilespmem:$0x1AAC0] =	vst v63  }
0xd8: {  	s8 =	simm.s32 $0x1440  }
0xd9: {  	[tilespmem:s7], [sflag:$0x2] =	stream.indirect.gather [spmem:s2], $0x40, s8, s26, $0xb8;
	[tilespmem:$0x1AAC0] =	vst v63  }
0xda: {  	_ =	swait.ge [sflag:s29], $0x1000  }
0xdb: {  	[sflag:s29] =	ssyncset.done $0x0  }
0xdc: {  	[sflag:s29] =	ssyncadd.s32 $0xFFFFF000  }
0xdd: {  	[spmem:s3] =	stream.indirect.scatter.add.f32 [tilespmem:s1], [sflag:$0x5], $0x40, s5, s26, $0xb8;
	[tilespmem:$0x1AAC0] =	vst v63  }
0xde: {  	s11 =	simm.s32 @p0 $0x4800;
	s6 =	simm.s32 @p0 $0x40;
	s8 =	simm.s32 @p0 $0x1480  }
0xdf: {  	[tilespmem:s11], [sflag:$0x3] =	stream.indirect.gather @p0 [spmem:s2], $0x40, s8, s6, $0xb8;
	[tilespmem:$0x1AAC0] =	vst v63  }
0xe0: {  	s8 =	simm.s32 @p0 $0x2  }
0xe1: {  	_ =	swait.ge @p0 [sflag:s8], $0x1000  }
0xe2: {  	[sflag:s8] =	ssyncset.done @p0 $0x0  }
0xe3: {  	[sflag:s8] =	ssyncadd.s32 @p0 $0xFFFFF000;
	s8 =	simm.s32 @p0 $0x3800  }
0xe4: {  	[spmem:s3] =	stream.indirect.scatter.add.f32 @p0 [tilespmem:s8], [sflag:$0x6], $0x40, s6, s6, $0xb8;
	[tilespmem:$0x1AAC0] =	vst v63  }
0xe5: {  	s23 =	simm.s32 @!p0 $0x40;
	s24 =	simm.s32 @!p0 $0x6800;
	s8 =	simm.s32 @!p0 $0x0  }
0xe6: {  	[spmem:s4] =	stream.indirect.scatter.add.f32 @!p0 [tilespmem:s24], [sflag:$0x9], $0x1, s8, s23, $0xb8;
	[tilespmem:$0x1AAC0] =	vst v63  }
0xe7: {  	s11 =	simm.s32 @!p0 $0x4800;
	s8 =	simm.s32 @!p0 $0x1480  }
0xe8: {  	[tilespmem:s11], [sflag:$0x3] =	stream.indirect.gather @!p0 [spmem:s2], $0x40, s8, s23, $0xb8;
	[tilespmem:$0x1AAC0] =	vst v63  }
0xe9: {  	s8 =	simm.s32 @!p0 $0x2  }
0xea: {  	_ =	swait.ge @!p0 [sflag:s8], $0x1000  }
0xeb: {  	[sflag:s8] =	ssyncset.done @!p0 $0x0  }
0xec: {  	[sflag:s8] =	ssyncadd.s32 @!p0 $0xFFFFF000;
	s8 =	simm.s32 @!p0 $0x3800  }
0xed: {  	[spmem:s3] =	stream.indirect.scatter.add.f32 @!p0 [tilespmem:s8], [sflag:$0x6], $0x40, s23, s23, $0xb8;
	[tilespmem:$0x1AAC0] =	vst v63  }
0xee: {  	_ = 	snop  }
0xef: {  	[spmem:s4] =	stream.indirect.scatter.add.f32 @!p0 [tilespmem:s24], [sflag:$0x9], $0x1, s23, s23, $0xb8;
	[tilespmem:$0x1AAC0] =	vst v63  }
0xf0: {  	s11 =	simm.s32 $0x14C0  }
0xf1: {  	[tilespmem:s9], [sflag:$0x4] =	stream.indirect.gather [spmem:s2], $0x40, s11, s26, $0xb8;
	[tilespmem:$0x1AAC0] =	vst v63  }
0xf2: {  	_ =	swait.ge [sflag:s10], $0x1000  }
0xf3: {  	[sflag:s10] =	ssyncset.done $0x0  }
0xf4: {  	s14 =	simm.s32 $0x80;
	s8 =	simm.s32 @p0 $0x5;
	[sflag:s10] =	ssyncadd.s32 $0xFFFFF000  }
0xf5: {  	[spmem:s3] =	stream.indirect.scatter.add.f32 [tilespmem:s12], [sflag:$0x7], $0x40, s14, s26, $0xb8;
	[tilespmem:$0x1AAC0] =	vst v63  }
0xf6: {  	_ =	swait.ge @p0 [sflag:s8], $0x1000  }
0xf7: {  	[sflag:s8] =	ssyncset.done @p0 $0x0  }
0xf8: {  	s11 =	simm.s32 @p0 $0x2800;
	[sflag:s8] =	ssyncadd.s32 @p0 $0xFFFFF000;
	s8 =	simm.s32 @p0 $0x1500  }
0xf9: {  	[tilespmem:s11], [sflag:$0x1] =	stream.indirect.gather @p0 [spmem:s2], $0x40, s8, s6, $0xb8;
	[tilespmem:$0x1AAC0] =	vst v63  }
0xfa: {  	s8 =	simm.s32 @p0 $0x4  }
0xfb: {  	_ =	swait.ge @p0 [sflag:s8], $0x1000  }
0xfc: {  	[sflag:s8] =	ssyncset.done @p0 $0x0  }
0xfd: {  	s11 =	simm.s32 @p0 $0x5800;
	[sflag:s8] =	ssyncadd.s32 @p0 $0xFFFFF000;
	s8 =	simm.s32 @p0 $0xC0  }
0xfe: {  	[spmem:s3] =	stream.indirect.scatter.add.f32 @p0 [tilespmem:s11], [sflag:$0x8], $0x40, s8, s6, $0xb8;
	[tilespmem:$0x1AAC0] =	vst v63  }
0xff: {  	s6 =	simm.s32 @!p0 $0x80  }
0x100: {  	[spmem:s4] =	stream.indirect.scatter.add.f32 @!p0 [tilespmem:s24], [sflag:$0x9], $0x1, s6, s23, $0xb8;
	[tilespmem:$0x1AAC0] =	vst v63  }
0x101: {  	s6 =	simm.s32 @!p0 $0x5  }
0x102: {  	_ =	swait.ge @!p0 [sflag:s6], $0x1000  }
0x103: {  	[sflag:s6] =	ssyncset.done @!p0 $0x0  }
0x104: {  	s8 =	simm.s32 @!p0 $0x2800;
	[sflag:s6] =	ssyncadd.s32 @!p0 $0xFFFFF000;
	s6 =	simm.s32 @!p0 $0x1500  }
0x105: {  	[tilespmem:s8], [sflag:$0x1] =	stream.indirect.gather @!p0 [spmem:s2], $0x40, s6, s23, $0xb8;
	[tilespmem:$0x1AAC0] =	vst v63  }
0x106: {  	s6 =	simm.s32 @!p0 $0x4  }
0x107: {  	_ =	swait.ge @!p0 [sflag:s6], $0x1000  }
0x108: {  	[sflag:s6] =	ssyncset.done @!p0 $0x0  }
0x109: {  	s8 =	simm.s32 @!p0 $0x5800;
	[sflag:s6] =	ssyncadd.s32 @!p0 $0xFFFFF000;
	s6 =	simm.s32 @!p0 $0xC0  }
0x10a: {  	[spmem:s3] =	stream.indirect.scatter.add.f32 @!p0 [tilespmem:s8], [sflag:$0x8], $0x40, s6, s23, $0xb8;
	[tilespmem:$0x1AAC0] =	vst v63  }
0x10b: {  	_ = 	snop  }
0x10c: {  	[spmem:s4] =	stream.indirect.scatter.add.f32 @!p0 [tilespmem:s24], [sflag:$0x9], $0x1, s6, s23, $0xb8;
	[tilespmem:$0x1AAC0] =	vst v63  }
0x10d: {  	_ =	swait.ge [sflag:s13], $0x1000  }
0x10e: {  	[sflag:s13] =	ssyncset.done $0x0  }
0x10f: {  	s25 =	simm.s32 $0x1540;
	[sflag:s13] =	ssyncadd.s32 $0xFFFFF000  }
0x110: {  	[tilespmem:s7], [sflag:$0x2] =	stream.indirect.gather [spmem:s2], $0x40, s25, s26, $0xb8;
	[tilespmem:$0x1AAC0] =	vst v63  }
0x111: {  	s25 =	simm.s32 $0x0  }
.LBB2_9:
0x112: {  	_ =	swait.ge [sflag:s29], $0x1000  }
0x113: {  	s6 =	sshra.s32 s25, $0x2;
	[sflag:s29] =	ssyncset.done $0x0  }
0x114: {  	s8 =	sadd.s32 $0x100, s6;
	[sflag:s29] =	ssyncadd.s32 $0xFFFFF000  }
0x115: {  	[spmem:s3] =	stream.indirect.scatter.add.f32 [tilespmem:s1], [sflag:$0x5], $0x40, s8, s26, $0xb8;
	[tilespmem:$0x1AAC0] =	vst v63  }
0x116: {  	_ = 	snop  }
0x117: {  	[spmem:s4] =	stream.indirect.scatter.add.f32 @!p0 [tilespmem:s24], [sflag:$0x9], $0x1, s8, s23, $0xb8;
	[tilespmem:$0x1AAC0] =	vst v63  }
0x118: {  	_ =	swait.ge [sflag:s15], $0x1000  }
0x119: {  	[sflag:s15] =	ssyncset.done $0x0  }
0x11a: {  	s11 =	sadd.s32 $0x1580, s6;
	[sflag:s15] =	ssyncadd.s32 $0xFFFFF000  }
0x11b: {  	[tilespmem:s12], [sflag:$0x3] =	stream.indirect.gather [spmem:s2], $0x40, s11, s26, $0xb8;
	[tilespmem:$0x1AAC0] =	vst v63  }
0x11c: {  	_ =	swait.ge [sflag:s16], $0x1000  }
0x11d: {  	[sflag:s16] =	ssyncset.done $0x0  }
0x11e: {  	s8 =	sadd.s32 $0x140, s6;
	[sflag:s16] =	ssyncadd.s32 $0xFFFFF000  }
0x11f: {  	[spmem:s3] =	stream.indirect.scatter.add.f32 [tilespmem:s7], [sflag:$0x6], $0x40, s8, s26, $0xb8;
	[tilespmem:$0x1AAC0] =	vst v63  }
0x120: {  	_ = 	snop  }
0x121: {  	[spmem:s4] =	stream.indirect.scatter.add.f32 @!p0 [tilespmem:s24], [sflag:$0x9], $0x1, s8, s23, $0xb8;
	[tilespmem:$0x1AAC0] =	vst v63  }
0x122: {  	_ =	swait.ge [sflag:s30], $0x1000  }
0x123: {  	[sflag:s30] =	ssyncset.done $0x0  }
0x124: {  	s14 =	sadd.s32 $0x15C0, s6;
	[sflag:s30] =	ssyncadd.s32 $0xFFFFF000  }
0x125: {  	[tilespmem:s9], [sflag:$0x4] =	stream.indirect.gather [spmem:s2], $0x40, s14, s26, $0xb8;
	[tilespmem:$0x1AAC0] =	vst v63  }
0x126: {  	_ =	swait.ge [sflag:s10], $0x1000  }
0x127: {  	[sflag:s10] =	ssyncset.done $0x0  }
0x128: {  	s8 =	sadd.s32 $0x180, s6;
	[sflag:s10] =	ssyncadd.s32 $0xFFFFF000  }
0x129: {  	[spmem:s3] =	stream.indirect.scatter.add.f32 [tilespmem:s12], [sflag:$0x7], $0x40, s8, s26, $0xb8;
	[tilespmem:$0x1AAC0] =	vst v63  }
0x12a: {  	p3 =	seq.s32 s25, $0x4800  }
0x12b: {  	[spmem:s4] =	stream.indirect.scatter.add.f32 @!p0 [tilespmem:s24], [sflag:$0x9], $0x1, s8, s23, $0xb8;
	[tilespmem:$0x1AAC0] =	vst v63  }
0x12c: {  	s8 =	simm.s32 @!p3 $0x5  }
0x12d: {  	_ =	swait.ge @!p3 [sflag:s8], $0x1000  }
0x12e: {  	[sflag:s8] =	ssyncset.done @!p3 $0x0  }
0x12f: {  	[sflag:s8] =	ssyncadd.s32 @!p3 $0xFFFFF000;
	s8 =	sshra.s32 @!p3 s25, $0x2  }
0x130: {  	s11 =	simm.s32 @!p3 $0x40;
	s14 =	simm.s32 @!p3 $0x2800;
	s8 =	sadd.s32 @!p3 $0x1600, s8  }
0x131: {  	[tilespmem:s14], [sflag:$0x1] =	stream.indirect.gather @!p3 [spmem:s2], $0x40, s8, s11, $0xb8;
	[tilespmem:$0x1AAC0] =	vst v63  }
0x132: {  	_ =	swait.ge [sflag:s17], $0x1000  }
.Ltmp6:
0x133: {  	[sflag:s17] =	ssyncset.done $0x0;
	(pc) =	sbr.rel @p3 .LBB2_11-.Ltmp6, $4  }
0x134: {  	s8 =	sadd.s32 $0x1C0, s6;
	[sflag:s17] =	ssyncadd.s32 $0xFFFFF000  }
0x135: {  	[spmem:s3] =	stream.indirect.scatter.add.f32 [tilespmem:s9], [sflag:$0x8], $0x40, s8, s26, $0xb8;
	[tilespmem:$0x1AAC0] =	vst v63  }
0x136: {  	_ = 	snop  }
0x137: {  	[spmem:s4] =	stream.indirect.scatter.add.f32 @!p0 [tilespmem:s24], [sflag:$0x9], $0x1, s8, s23, $0xb8;
	[tilespmem:$0x1AAC0] =	vst v63  }
.Ltmp7:
0x138: {  	(pc) =	sbr.rel .LBB2_9-.Ltmp7, $4  }
0x139: {  	_ =	swait.ge [sflag:s13], $0x1000  }
0x13a: {  	[sflag:s13] =	ssyncset.done $0x0  }
0x13b: {  	s6 =	sadd.s32 $0x1640, s6;
	s25 =	sadd.s32 $0x400, s25;
	[sflag:s13] =	ssyncadd.s32 $0xFFFFF000  }
0x13c: {  	[tilespmem:s7], [sflag:$0x2] =	stream.indirect.gather [spmem:s2], $0x40, s6, s26, $0xb8;
	[tilespmem:$0x1AAC0] =	vst v63  }
.LBB2_11:
0x13d: {  	_ =	swait.ge [sflag:s18], $0x1000  }
0x13e: {  	[sflag:s18] =	ssyncset.done $0x0  }
0x13f: {  	[sflag:s18] =	ssyncadd.s32 $0xFFFFF000  }
0x140: {  	_ =	swait.ge [sflag:s13], $0x1000  }
0x141: {  	[sflag:s13] =	ssyncset.done $0x0  }
0x142: {  	[sflag:s13] =	ssyncadd.s32 $0xFFFFF000  }
0x143: {  	_ =	swait.ge [sflag:s15], $0x1000  }
.Ltmp8:
0x144: {  	[sflag:s15] =	ssyncset.done $0x0;
	(pc) =	sbr.rel @p0 .LBB2_15-.Ltmp8, $4  }
0x145: {  	[sflag:s15] =	ssyncadd.s32 $0xFFFFF000  }
0x146: {  	_ =	swait.ge [sflag:s30], $0x1000  }
0x147: {  	[sflag:s30] =	ssyncset.done $0x0  }
0x148: {  	s6 =	simm.s32 $0x50;
	[sflag:s30] =	ssyncadd.s32 $0xFFFFF000  }
0x149: {  	_ =	swait.ge [sflag:s19], $0x40  }
0x14a: {  	s6 =	sadd.s32 $0xFFFFFFFF, s6;
	[sflag:s19] =	ssyncset.done $0x0  }
.LBB2_13:
0x14b: {  	p3 =	sne.s32 s6, $0x1;
	s6 =	sadd.s32 $0xFFFFFFFF, s6;
	[sflag:s19] =	ssyncadd.s32 $0xFFFFFFC0  }
.Ltmp9:
0x14c: {  	(pc) =	sbr.rel @p3 .LBB2_13-.Ltmp9, $3  }
0x14d: {  	_ =	sdelay $0x1  }
0x14e: {  	_ =	swait.ge [sflag:s19], $0x40  }
0x14f: {  	[sflag:s19] =	ssyncset.done $0x0  }
0x150: {  	[sflag:s19] =	ssyncadd.s32 $0xFFFFFFC0  }
.LBB2_15:
0x151: {  	s6 =	rddreg [dreg:$0x11]  }
0x152: {  	[tilespmem:s5], [sflag:$0xA] =	stream.linear.gather [hbm4b:s6+s5], $0x1400, $0x38;
	[tilespmem:$0x1AAC0] =	vst v63  }
0x153: {  	_ =	swait.ge [sflag:s28], $0x1400  }
0x154: {  	[sflag:s28] =	ssyncset.done $0x0  }
0x155: {  	s25 =	rddreg [dreg:$0x12];
	[sflag:s28] =	ssyncadd.s32 $0xFFFFEC00  }
0x156: {  	[tilespmem:s0], [sflag:$0xA] =	stream.linear.gather [hbm4b:s25+s5], $0x1400, $0x38;
	[tilespmem:$0x1AAC0] =	vst v63  }
0x157: {  	_ =	swait.ge [sflag:s28], $0x1400  }
0x158: {  	[sflag:s28] =	ssyncset.done $0x0  }
0x159: {  	[sflag:s28] =	ssyncadd.s32 $0xFFFFEC00  }
0x15a: {  	[tilespmem:s1], [sflag:$0x1] =	stream.indirect.gather [spmem:s2], $0x40, s0, s26, $0xb8;
	[tilespmem:$0x1AAC0] =	vst v63  }
0x15b: {  	s8 =	simm.s32 $0x1440  }
0x15c: {  	[tilespmem:s7], [sflag:$0x2] =	stream.indirect.gather [spmem:s2], $0x40, s8, s26, $0xb8;
	[tilespmem:$0x1AAC0] =	vst v63  }
0x15d: {  	_ =	swait.ge [sflag:s29], $0x1000  }
0x15e: {  	[sflag:s29] =	ssyncset.done $0x0  }
0x15f: {  	[sflag:s29] =	ssyncadd.s32 $0xFFFFF000  }
0x160: {  	[spmem:s3] =	stream.indirect.scatter.add.f32 [tilespmem:s1], [sflag:$0x5], $0x40, s5, s26, $0xb8;
	[tilespmem:$0x1AAC0] =	vst v63  }
0x161: {  	s11 =	simm.s32 @p1 $0x4800;
	s6 =	simm.s32 @p1 $0x40;
	s8 =	simm.s32 @p1 $0x1480  }
0x162: {  	[tilespmem:s11], [sflag:$0x3] =	stream.indirect.gather @p1 [spmem:s2], $0x40, s8, s6, $0xb8;
	[tilespmem:$0x1AAC0] =	vst v63  }
0x163: {  	s8 =	simm.s32 @p1 $0x2  }
0x164: {  	_ =	swait.ge @p1 [sflag:s8], $0x1000  }
0x165: {  	[sflag:s8] =	ssyncset.done @p1 $0x0  }
0x166: {  	[sflag:s8] =	ssyncadd.s32 @p1 $0xFFFFF000;
	s8 =	simm.s32 @p1 $0x3800  }
0x167: {  	[spmem:s3] =	stream.indirect.scatter.add.f32 @p1 [tilespmem:s8], [sflag:$0x6], $0x40, s6, s6, $0xb8;
	[tilespmem:$0x1AAC0] =	vst v63  }
0x168: {  	s23 =	simm.s32 @!p1 $0x40;
	s24 =	simm.s32 @!p1 $0x6800;
	s8 =	simm.s32 @!p1 $0x0  }
0x169: {  	[spmem:s4] =	stream.indirect.scatter.add.f32 @!p1 [tilespmem:s24], [sflag:$0x9], $0x1, s8, s23, $0xb8;
	[tilespmem:$0x1AAC0] =	vst v63  }
0x16a: {  	s11 =	simm.s32 @!p1 $0x4800;
	s8 =	simm.s32 @!p1 $0x1480  }
0x16b: {  	[tilespmem:s11], [sflag:$0x3] =	stream.indirect.gather @!p1 [spmem:s2], $0x40, s8, s23, $0xb8;
	[tilespmem:$0x1AAC0] =	vst v63  }
0x16c: {  	s8 =	simm.s32 @!p1 $0x2  }
0x16d: {  	_ =	swait.ge @!p1 [sflag:s8], $0x1000  }
0x16e: {  	[sflag:s8] =	ssyncset.done @!p1 $0x0  }
0x16f: {  	[sflag:s8] =	ssyncadd.s32 @!p1 $0xFFFFF000;
	s8 =	simm.s32 @!p1 $0x3800  }
0x170: {  	[spmem:s3] =	stream.indirect.scatter.add.f32 @!p1 [tilespmem:s8], [sflag:$0x6], $0x40, s23, s23, $0xb8;
	[tilespmem:$0x1AAC0] =	vst v63  }
0x171: {  	_ = 	snop  }
0x172: {  	[spmem:s4] =	stream.indirect.scatter.add.f32 @!p1 [tilespmem:s24], [sflag:$0x9], $0x1, s23, s23, $0xb8;
	[tilespmem:$0x1AAC0] =	vst v63  }
0x173: {  	s11 =	simm.s32 $0x14C0  }
0x174: {  	[tilespmem:s9], [sflag:$0x4] =	stream.indirect.gather [spmem:s2], $0x40, s11, s26, $0xb8;
	[tilespmem:$0x1AAC0] =	vst v63  }
0x175: {  	_ =	swait.ge [sflag:s10], $0x1000  }
0x176: {  	[sflag:s10] =	ssyncset.done $0x0  }
0x177: {  	s14 =	simm.s32 $0x80;
	s8 =	simm.s32 @p1 $0x5;
	[sflag:s10] =	ssyncadd.s32 $0xFFFFF000  }
0x178: {  	[spmem:s3] =	stream.indirect.scatter.add.f32 [tilespmem:s12], [sflag:$0x7], $0x40, s14, s26, $0xb8;
	[tilespmem:$0x1AAC0] =	vst v63  }
0x179: {  	_ =	swait.ge @p1 [sflag:s8], $0x1000  }
0x17a: {  	[sflag:s8] =	ssyncset.done @p1 $0x0  }
0x17b: {  	s11 =	simm.s32 @p1 $0x2800;
	[sflag:s8] =	ssyncadd.s32 @p1 $0xFFFFF000;
	s8 =	simm.s32 @p1 $0x1500  }
0x17c: {  	[tilespmem:s11], [sflag:$0x1] =	stream.indirect.gather @p1 [spmem:s2], $0x40, s8, s6, $0xb8;
	[tilespmem:$0x1AAC0] =	vst v63  }
0x17d: {  	s8 =	simm.s32 @p1 $0x4  }
0x17e: {  	_ =	swait.ge @p1 [sflag:s8], $0x1000  }
0x17f: {  	[sflag:s8] =	ssyncset.done @p1 $0x0  }
0x180: {  	s11 =	simm.s32 @p1 $0x5800;
	[sflag:s8] =	ssyncadd.s32 @p1 $0xFFFFF000;
	s8 =	simm.s32 @p1 $0xC0  }
0x181: {  	[spmem:s3] =	stream.indirect.scatter.add.f32 @p1 [tilespmem:s11], [sflag:$0x8], $0x40, s8, s6, $0xb8;
	[tilespmem:$0x1AAC0] =	vst v63  }
0x182: {  	s6 =	simm.s32 @!p1 $0x80  }
0x183: {  	[spmem:s4] =	stream.indirect.scatter.add.f32 @!p1 [tilespmem:s24], [sflag:$0x9], $0x1, s6, s23, $0xb8;
	[tilespmem:$0x1AAC0] =	vst v63  }
0x184: {  	s6 =	simm.s32 @!p1 $0x5  }
0x185: {  	_ =	swait.ge @!p1 [sflag:s6], $0x1000  }
0x186: {  	[sflag:s6] =	ssyncset.done @!p1 $0x0  }
0x187: {  	s8 =	simm.s32 @!p1 $0x2800;
	[sflag:s6] =	ssyncadd.s32 @!p1 $0xFFFFF000;
	s6 =	simm.s32 @!p1 $0x1500  }
0x188: {  	[tilespmem:s8], [sflag:$0x1] =	stream.indirect.gather @!p1 [spmem:s2], $0x40, s6, s23, $0xb8;
	[tilespmem:$0x1AAC0] =	vst v63  }
0x189: {  	s6 =	simm.s32 @!p1 $0x4  }
0x18a: {  	_ =	swait.ge @!p1 [sflag:s6], $0x1000  }
0x18b: {  	[sflag:s6] =	ssyncset.done @!p1 $0x0  }
0x18c: {  	s8 =	simm.s32 @!p1 $0x5800;
	[sflag:s6] =	ssyncadd.s32 @!p1 $0xFFFFF000;
	s6 =	simm.s32 @!p1 $0xC0  }
0x18d: {  	[spmem:s3] =	stream.indirect.scatter.add.f32 @!p1 [tilespmem:s8], [sflag:$0x8], $0x40, s6, s23, $0xb8;
	[tilespmem:$0x1AAC0] =	vst v63  }
0x18e: {  	_ = 	snop  }
0x18f: {  	[spmem:s4] =	stream.indirect.scatter.add.f32 @!p1 [tilespmem:s24], [sflag:$0x9], $0x1, s6, s23, $0xb8;
	[tilespmem:$0x1AAC0] =	vst v63  }
0x190: {  	_ =	swait.ge [sflag:s13], $0x1000  }
0x191: {  	[sflag:s13] =	ssyncset.done $0x0  }
0x192: {  	s25 =	simm.s32 $0x1540;
	[sflag:s13] =	ssyncadd.s32 $0xFFFFF000  }
0x193: {  	[tilespmem:s7], [sflag:$0x2] =	stream.indirect.gather [spmem:s2], $0x40, s25, s26, $0xb8;
	[tilespmem:$0x1AAC0] =	vst v63  }
0x194: {  	s25 =	simm.s32 $0x0  }
.LBB2_16:
0x195: {  	_ =	swait.ge [sflag:s29], $0x1000  }
0x196: {  	s6 =	sshra.s32 s25, $0x2;
	[sflag:s29] =	ssyncset.done $0x0  }
0x197: {  	s8 =	sadd.s32 $0x100, s6;
	[sflag:s29] =	ssyncadd.s32 $0xFFFFF000  }
0x198: {  	[spmem:s3] =	stream.indirect.scatter.add.f32 [tilespmem:s1], [sflag:$0x5], $0x40, s8, s26, $0xb8;
	[tilespmem:$0x1AAC0] =	vst v63  }
0x199: {  	_ = 	snop  }
0x19a: {  	[spmem:s4] =	stream.indirect.scatter.add.f32 @!p1 [tilespmem:s24], [sflag:$0x9], $0x1, s8, s23, $0xb8;
	[tilespmem:$0x1AAC0] =	vst v63  }
0x19b: {  	_ =	swait.ge [sflag:s15], $0x1000  }
0x19c: {  	[sflag:s15] =	ssyncset.done $0x0  }
0x19d: {  	s11 =	sadd.s32 $0x1580, s6;
	[sflag:s15] =	ssyncadd.s32 $0xFFFFF000  }
0x19e: {  	[tilespmem:s12], [sflag:$0x3] =	stream.indirect.gather [spmem:s2], $0x40, s11, s26, $0xb8;
	[tilespmem:$0x1AAC0] =	vst v63  }
0x19f: {  	_ =	swait.ge [sflag:s16], $0x1000  }
0x1a0: {  	[sflag:s16] =	ssyncset.done $0x0  }
0x1a1: {  	s8 =	sadd.s32 $0x140, s6;
	[sflag:s16] =	ssyncadd.s32 $0xFFFFF000  }
0x1a2: {  	[spmem:s3] =	stream.indirect.scatter.add.f32 [tilespmem:s7], [sflag:$0x6], $0x40, s8, s26, $0xb8;
	[tilespmem:$0x1AAC0] =	vst v63  }
0x1a3: {  	_ = 	snop  }
0x1a4: {  	[spmem:s4] =	stream.indirect.scatter.add.f32 @!p1 [tilespmem:s24], [sflag:$0x9], $0x1, s8, s23, $0xb8;
	[tilespmem:$0x1AAC0] =	vst v63  }
0x1a5: {  	_ =	swait.ge [sflag:s30], $0x1000  }
0x1a6: {  	[sflag:s30] =	ssyncset.done $0x0  }
0x1a7: {  	s14 =	sadd.s32 $0x15C0, s6;
	[sflag:s30] =	ssyncadd.s32 $0xFFFFF000  }
0x1a8: {  	[tilespmem:s9], [sflag:$0x4] =	stream.indirect.gather [spmem:s2], $0x40, s14, s26, $0xb8;
	[tilespmem:$0x1AAC0] =	vst v63  }
0x1a9: {  	_ =	swait.ge [sflag:s10], $0x1000  }
0x1aa: {  	[sflag:s10] =	ssyncset.done $0x0  }
0x1ab: {  	s8 =	sadd.s32 $0x180, s6;
	[sflag:s10] =	ssyncadd.s32 $0xFFFFF000  }
0x1ac: {  	[spmem:s3] =	stream.indirect.scatter.add.f32 [tilespmem:s12], [sflag:$0x7], $0x40, s8, s26, $0xb8;
	[tilespmem:$0x1AAC0] =	vst v63  }
0x1ad: {  	p3 =	seq.s32 s25, $0x4800  }
0x1ae: {  	[spmem:s4] =	stream.indirect.scatter.add.f32 @!p1 [tilespmem:s24], [sflag:$0x9], $0x1, s8, s23, $0xb8;
	[tilespmem:$0x1AAC0] =	vst v63  }
0x1af: {  	s8 =	simm.s32 @!p3 $0x5  }
0x1b0: {  	_ =	swait.ge @!p3 [sflag:s8], $0x1000  }
0x1b1: {  	[sflag:s8] =	ssyncset.done @!p3 $0x0  }
0x1b2: {  	[sflag:s8] =	ssyncadd.s32 @!p3 $0xFFFFF000;
	s8 =	sshra.s32 @!p3 s25, $0x2  }
0x1b3: {  	s11 =	simm.s32 @!p3 $0x40;
	s14 =	simm.s32 @!p3 $0x2800;
	s8 =	sadd.s32 @!p3 $0x1600, s8  }
0x1b4: {  	[tilespmem:s14], [sflag:$0x1] =	stream.indirect.gather @!p3 [spmem:s2], $0x40, s8, s11, $0xb8;
	[tilespmem:$0x1AAC0] =	vst v63  }
0x1b5: {  	_ =	swait.ge [sflag:s17], $0x1000  }
.Ltmp10:
0x1b6: {  	[sflag:s17] =	ssyncset.done $0x0;
	(pc) =	sbr.rel @p3 .LBB2_18-.Ltmp10, $4  }
0x1b7: {  	s8 =	sadd.s32 $0x1C0, s6;
	[sflag:s17] =	ssyncadd.s32 $0xFFFFF000  }
0x1b8: {  	[spmem:s3] =	stream.indirect.scatter.add.f32 [tilespmem:s9], [sflag:$0x8], $0x40, s8, s26, $0xb8;
	[tilespmem:$0x1AAC0] =	vst v63  }
0x1b9: {  	_ = 	snop  }
0x1ba: {  	[spmem:s4] =	stream.indirect.scatter.add.f32 @!p1 [tilespmem:s24], [sflag:$0x9], $0x1, s8, s23, $0xb8;
	[tilespmem:$0x1AAC0] =	vst v63  }
.Ltmp11:
0x1bb: {  	(pc) =	sbr.rel .LBB2_16-.Ltmp11, $4  }
0x1bc: {  	_ =	swait.ge [sflag:s13], $0x1000  }
0x1bd: {  	[sflag:s13] =	ssyncset.done $0x0  }
0x1be: {  	s6 =	sadd.s32 $0x1640, s6;
	s25 =	sadd.s32 $0x400, s25;
	[sflag:s13] =	ssyncadd.s32 $0xFFFFF000  }
0x1bf: {  	[tilespmem:s7], [sflag:$0x2] =	stream.indirect.gather [spmem:s2], $0x40, s6, s26, $0xb8;
	[tilespmem:$0x1AAC0] =	vst v63  }
.LBB2_18:
0x1c0: {  	_ =	swait.ge [sflag:s18], $0x1000  }
0x1c1: {  	[sflag:s18] =	ssyncset.done $0x0  }
0x1c2: {  	[sflag:s18] =	ssyncadd.s32 $0xFFFFF000  }
0x1c3: {  	_ =	swait.ge [sflag:s13], $0x1000  }
0x1c4: {  	[sflag:s13] =	ssyncset.done $0x0  }
0x1c5: {  	[sflag:s13] =	ssyncadd.s32 $0xFFFFF000  }
0x1c6: {  	_ =	swait.ge [sflag:s15], $0x1000  }
.Ltmp12:
0x1c7: {  	[sflag:s15] =	ssyncset.done $0x0;
	(pc) =	sbr.rel @p1 .LBB2_22-.Ltmp12, $4  }
0x1c8: {  	[sflag:s15] =	ssyncadd.s32 $0xFFFFF000  }
0x1c9: {  	_ =	swait.ge [sflag:s30], $0x1000  }
0x1ca: {  	[sflag:s30] =	ssyncset.done $0x0  }
0x1cb: {  	s6 =	simm.s32 $0x50;
	[sflag:s30] =	ssyncadd.s32 $0xFFFFF000  }
0x1cc: {  	_ =	swait.ge [sflag:s19], $0x40  }
0x1cd: {  	s6 =	sadd.s32 $0xFFFFFFFF, s6;
	[sflag:s19] =	ssyncset.done $0x0  }
.LBB2_20:
0x1ce: {  	p3 =	sne.s32 s6, $0x1;
	s6 =	sadd.s32 $0xFFFFFFFF, s6;
	[sflag:s19] =	ssyncadd.s32 $0xFFFFFFC0  }
.Ltmp13:
0x1cf: {  	(pc) =	sbr.rel @p3 .LBB2_20-.Ltmp13, $3  }
0x1d0: {  	_ =	sdelay $0x1  }
0x1d1: {  	_ =	swait.ge [sflag:s19], $0x40  }
0x1d2: {  	[sflag:s19] =	ssyncset.done $0x0  }
0x1d3: {  	[sflag:s19] =	ssyncadd.s32 $0xFFFFFFC0  }
.LBB2_22:
0x1d4: {  	s6 =	rddreg [dreg:$0x13]  }
0x1d5: {  	[tilespmem:s5], [sflag:$0xA] =	stream.linear.gather [hbm4b:s6+s5], $0x1400, $0x38;
	[tilespmem:$0x1AAC0] =	vst v63  }
0x1d6: {  	_ =	swait.ge [sflag:s28], $0x1400  }
0x1d7: {  	[sflag:s28] =	ssyncset.done $0x0  }
0x1d8: {  	s25 =	rddreg [dreg:$0x14];
	[sflag:s28] =	ssyncadd.s32 $0xFFFFEC00  }
0x1d9: {  	[tilespmem:s0], [sflag:$0xA] =	stream.linear.gather [hbm4b:s25+s5], $0x1400, $0x38;
	[tilespmem:$0x1AAC0] =	vst v63  }
0x1da: {  	_ =	swait.ge [sflag:s28], $0x1400  }
0x1db: {  	[sflag:s28] =	ssyncset.done $0x0  }
0x1dc: {  	[sflag:s28] =	ssyncadd.s32 $0xFFFFEC00  }
0x1dd: {  	[tilespmem:s1], [sflag:$0x1] =	stream.indirect.gather [spmem:s2], $0x40, s0, s26, $0xb8;
	[tilespmem:$0x1AAC0] =	vst v63  }
0x1de: {  	s8 =	simm.s32 $0x1440  }
0x1df: {  	[tilespmem:s7], [sflag:$0x2] =	stream.indirect.gather [spmem:s2], $0x40, s8, s26, $0xb8;
	[tilespmem:$0x1AAC0] =	vst v63  }
0x1e0: {  	_ =	swait.ge [sflag:s29], $0x1000  }
0x1e1: {  	[sflag:s29] =	ssyncset.done $0x0  }
0x1e2: {  	[sflag:s29] =	ssyncadd.s32 $0xFFFFF000  }
0x1e3: {  	[spmem:s3] =	stream.indirect.scatter.add.f32 [tilespmem:s1], [sflag:$0x5], $0x40, s5, s26, $0xb8;
	[tilespmem:$0x1AAC0] =	vst v63  }
0x1e4: {  	s11 =	simm.s32 @p1 $0x4800;
	s6 =	simm.s32 @p1 $0x40;
	s8 =	simm.s32 @p1 $0x1480  }
0x1e5: {  	[tilespmem:s11], [sflag:$0x3] =	stream.indirect.gather @p1 [spmem:s2], $0x40, s8, s6, $0xb8;
	[tilespmem:$0x1AAC0] =	vst v63  }
0x1e6: {  	s8 =	simm.s32 @p1 $0x2  }
0x1e7: {  	_ =	swait.ge @p1 [sflag:s8], $0x1000  }
0x1e8: {  	[sflag:s8] =	ssyncset.done @p1 $0x0  }
0x1e9: {  	[sflag:s8] =	ssyncadd.s32 @p1 $0xFFFFF000;
	s8 =	simm.s32 @p1 $0x3800  }
0x1ea: {  	[spmem:s3] =	stream.indirect.scatter.add.f32 @p1 [tilespmem:s8], [sflag:$0x6], $0x40, s6, s6, $0xb8;
	[tilespmem:$0x1AAC0] =	vst v63  }
0x1eb: {  	s23 =	simm.s32 @!p1 $0x40;
	s24 =	simm.s32 @!p1 $0x6800;
	s8 =	simm.s32 @!p1 $0x0  }
0x1ec: {  	[spmem:s4] =	stream.indirect.scatter.add.f32 @!p1 [tilespmem:s24], [sflag:$0x9], $0x1, s8, s23, $0xb8;
	[tilespmem:$0x1AAC0] =	vst v63  }
0x1ed: {  	s11 =	simm.s32 @!p1 $0x4800;
	s8 =	simm.s32 @!p1 $0x1480  }
0x1ee: {  	[tilespmem:s11], [sflag:$0x3] =	stream.indirect.gather @!p1 [spmem:s2], $0x40, s8, s23, $0xb8;
	[tilespmem:$0x1AAC0] =	vst v63  }
0x1ef: {  	s8 =	simm.s32 @!p1 $0x2  }
0x1f0: {  	_ =	swait.ge @!p1 [sflag:s8], $0x1000  }
0x1f1: {  	[sflag:s8] =	ssyncset.done @!p1 $0x0  }
0x1f2: {  	[sflag:s8] =	ssyncadd.s32 @!p1 $0xFFFFF000;
	s8 =	simm.s32 @!p1 $0x3800  }
0x1f3: {  	[spmem:s3] =	stream.indirect.scatter.add.f32 @!p1 [tilespmem:s8], [sflag:$0x6], $0x40, s23, s23, $0xb8;
	[tilespmem:$0x1AAC0] =	vst v63  }
0x1f4: {  	_ = 	snop  }
0x1f5: {  	[spmem:s4] =	stream.indirect.scatter.add.f32 @!p1 [tilespmem:s24], [sflag:$0x9], $0x1, s23, s23, $0xb8;
	[tilespmem:$0x1AAC0] =	vst v63  }
0x1f6: {  	s11 =	simm.s32 $0x14C0  }
0x1f7: {  	[tilespmem:s9], [sflag:$0x4] =	stream.indirect.gather [spmem:s2], $0x40, s11, s26, $0xb8;
	[tilespmem:$0x1AAC0] =	vst v63  }
0x1f8: {  	_ =	swait.ge [sflag:s10], $0x1000  }
0x1f9: {  	[sflag:s10] =	ssyncset.done $0x0  }
0x1fa: {  	s14 =	simm.s32 $0x80;
	s8 =	simm.s32 @p1 $0x5;
	[sflag:s10] =	ssyncadd.s32 $0xFFFFF000  }
0x1fb: {  	[spmem:s3] =	stream.indirect.scatter.add.f32 [tilespmem:s12], [sflag:$0x7], $0x40, s14, s26, $0xb8;
	[tilespmem:$0x1AAC0] =	vst v63  }
0x1fc: {  	_ =	swait.ge @p1 [sflag:s8], $0x1000  }
0x1fd: {  	[sflag:s8] =	ssyncset.done @p1 $0x0  }
0x1fe: {  	s11 =	simm.s32 @p1 $0x2800;
	[sflag:s8] =	ssyncadd.s32 @p1 $0xFFFFF000;
	s8 =	simm.s32 @p1 $0x1500  }
0x1ff: {  	[tilespmem:s11], [sflag:$0x1] =	stream.indirect.gather @p1 [spmem:s2], $0x40, s8, s6, $0xb8;
	[tilespmem:$0x1AAC0] =	vst v63  }
0x200: {  	s8 =	simm.s32 @p1 $0x4  }
0x201: {  	_ =	swait.ge @p1 [sflag:s8], $0x1000  }
0x202: {  	[sflag:s8] =	ssyncset.done @p1 $0x0  }
0x203: {  	s11 =	simm.s32 @p1 $0x5800;
	[sflag:s8] =	ssyncadd.s32 @p1 $0xFFFFF000;
	s8 =	simm.s32 @p1 $0xC0  }
0x204: {  	[spmem:s3] =	stream.indirect.scatter.add.f32 @p1 [tilespmem:s11], [sflag:$0x8], $0x40, s8, s6, $0xb8;
	[tilespmem:$0x1AAC0] =	vst v63  }
0x205: {  	s6 =	simm.s32 @!p1 $0x80  }
0x206: {  	[spmem:s4] =	stream.indirect.scatter.add.f32 @!p1 [tilespmem:s24], [sflag:$0x9], $0x1, s6, s23, $0xb8;
	[tilespmem:$0x1AAC0] =	vst v63  }
0x207: {  	s6 =	simm.s32 @!p1 $0x5  }
0x208: {  	_ =	swait.ge @!p1 [sflag:s6], $0x1000  }
0x209: {  	[sflag:s6] =	ssyncset.done @!p1 $0x0  }
0x20a: {  	s8 =	simm.s32 @!p1 $0x2800;
	[sflag:s6] =	ssyncadd.s32 @!p1 $0xFFFFF000;
	s6 =	simm.s32 @!p1 $0x1500  }
0x20b: {  	[tilespmem:s8], [sflag:$0x1] =	stream.indirect.gather @!p1 [spmem:s2], $0x40, s6, s23, $0xb8;
	[tilespmem:$0x1AAC0] =	vst v63  }
0x20c: {  	s6 =	simm.s32 @!p1 $0x4  }
0x20d: {  	_ =	swait.ge @!p1 [sflag:s6], $0x1000  }
0x20e: {  	[sflag:s6] =	ssyncset.done @!p1 $0x0  }
0x20f: {  	s8 =	simm.s32 @!p1 $0x5800;
	[sflag:s6] =	ssyncadd.s32 @!p1 $0xFFFFF000;
	s6 =	simm.s32 @!p1 $0xC0  }
0x210: {  	[spmem:s3] =	stream.indirect.scatter.add.f32 @!p1 [tilespmem:s8], [sflag:$0x8], $0x40, s6, s23, $0xb8;
	[tilespmem:$0x1AAC0] =	vst v63  }
0x211: {  	_ = 	snop  }
0x212: {  	[spmem:s4] =	stream.indirect.scatter.add.f32 @!p1 [tilespmem:s24], [sflag:$0x9], $0x1, s6, s23, $0xb8;
	[tilespmem:$0x1AAC0] =	vst v63  }
0x213: {  	_ =	swait.ge [sflag:s13], $0x1000  }
0x214: {  	[sflag:s13] =	ssyncset.done $0x0  }
0x215: {  	s25 =	simm.s32 $0x1540;
	[sflag:s13] =	ssyncadd.s32 $0xFFFFF000  }
0x216: {  	[tilespmem:s7], [sflag:$0x2] =	stream.indirect.gather [spmem:s2], $0x40, s25, s26, $0xb8;
	[tilespmem:$0x1AAC0] =	vst v63  }
0x217: {  	s25 =	simm.s32 $0x0  }
.LBB2_23:
0x218: {  	_ =	swait.ge [sflag:s29], $0x1000  }
0x219: {  	s6 =	sshra.s32 s25, $0x2;
	[sflag:s29] =	ssyncset.done $0x0  }
0x21a: {  	s8 =	sadd.s32 $0x100, s6;
	[sflag:s29] =	ssyncadd.s32 $0xFFFFF000  }
0x21b: {  	[spmem:s3] =	stream.indirect.scatter.add.f32 [tilespmem:s1], [sflag:$0x5], $0x40, s8, s26, $0xb8;
	[tilespmem:$0x1AAC0] =	vst v63  }
0x21c: {  	_ = 	snop  }
0x21d: {  	[spmem:s4] =	stream.indirect.scatter.add.f32 @!p1 [tilespmem:s24], [sflag:$0x9], $0x1, s8, s23, $0xb8;
	[tilespmem:$0x1AAC0] =	vst v63  }
0x21e: {  	_ =	swait.ge [sflag:s15], $0x1000  }
0x21f: {  	[sflag:s15] =	ssyncset.done $0x0  }
0x220: {  	s11 =	sadd.s32 $0x1580, s6;
	[sflag:s15] =	ssyncadd.s32 $0xFFFFF000  }
0x221: {  	[tilespmem:s12], [sflag:$0x3] =	stream.indirect.gather [spmem:s2], $0x40, s11, s26, $0xb8;
	[tilespmem:$0x1AAC0] =	vst v63  }
0x222: {  	_ =	swait.ge [sflag:s16], $0x1000  }
0x223: {  	[sflag:s16] =	ssyncset.done $0x0  }
0x224: {  	s8 =	sadd.s32 $0x140, s6;
	[sflag:s16] =	ssyncadd.s32 $0xFFFFF000  }
0x225: {  	[spmem:s3] =	stream.indirect.scatter.add.f32 [tilespmem:s7], [sflag:$0x6], $0x40, s8, s26, $0xb8;
	[tilespmem:$0x1AAC0] =	vst v63  }
0x226: {  	_ = 	snop  }
0x227: {  	[spmem:s4] =	stream.indirect.scatter.add.f32 @!p1 [tilespmem:s24], [sflag:$0x9], $0x1, s8, s23, $0xb8;
	[tilespmem:$0x1AAC0] =	vst v63  }
0x228: {  	_ =	swait.ge [sflag:s30], $0x1000  }
0x229: {  	[sflag:s30] =	ssyncset.done $0x0  }
0x22a: {  	s14 =	sadd.s32 $0x15C0, s6;
	[sflag:s30] =	ssyncadd.s32 $0xFFFFF000  }
0x22b: {  	[tilespmem:s9], [sflag:$0x4] =	stream.indirect.gather [spmem:s2], $0x40, s14, s26, $0xb8;
	[tilespmem:$0x1AAC0] =	vst v63  }
0x22c: {  	_ =	swait.ge [sflag:s10], $0x1000  }
0x22d: {  	[sflag:s10] =	ssyncset.done $0x0  }
0x22e: {  	s8 =	sadd.s32 $0x180, s6;
	[sflag:s10] =	ssyncadd.s32 $0xFFFFF000  }
0x22f: {  	[spmem:s3] =	stream.indirect.scatter.add.f32 [tilespmem:s12], [sflag:$0x7], $0x40, s8, s26, $0xb8;
	[tilespmem:$0x1AAC0] =	vst v63  }
0x230: {  	p3 =	seq.s32 s25, $0x4800  }
0x231: {  	[spmem:s4] =	stream.indirect.scatter.add.f32 @!p1 [tilespmem:s24], [sflag:$0x9], $0x1, s8, s23, $0xb8;
	[tilespmem:$0x1AAC0] =	vst v63  }
0x232: {  	s8 =	simm.s32 @!p3 $0x5  }
0x233: {  	_ =	swait.ge @!p3 [sflag:s8], $0x1000  }
0x234: {  	[sflag:s8] =	ssyncset.done @!p3 $0x0  }
0x235: {  	[sflag:s8] =	ssyncadd.s32 @!p3 $0xFFFFF000;
	s8 =	sshra.s32 @!p3 s25, $0x2  }
0x236: {  	s11 =	simm.s32 @!p3 $0x40;
	s14 =	simm.s32 @!p3 $0x2800;
	s8 =	sadd.s32 @!p3 $0x1600, s8  }
0x237: {  	[tilespmem:s14], [sflag:$0x1] =	stream.indirect.gather @!p3 [spmem:s2], $0x40, s8, s11, $0xb8;
	[tilespmem:$0x1AAC0] =	vst v63  }
0x238: {  	_ =	swait.ge [sflag:s17], $0x1000  }
.Ltmp14:
0x239: {  	[sflag:s17] =	ssyncset.done $0x0;
	(pc) =	sbr.rel @p3 .LBB2_25-.Ltmp14, $4  }
0x23a: {  	s8 =	sadd.s32 $0x1C0, s6;
	[sflag:s17] =	ssyncadd.s32 $0xFFFFF000  }
0x23b: {  	[spmem:s3] =	stream.indirect.scatter.add.f32 [tilespmem:s9], [sflag:$0x8], $0x40, s8, s26, $0xb8;
	[tilespmem:$0x1AAC0] =	vst v63  }
0x23c: {  	_ = 	snop  }
0x23d: {  	[spmem:s4] =	stream.indirect.scatter.add.f32 @!p1 [tilespmem:s24], [sflag:$0x9], $0x1, s8, s23, $0xb8;
	[tilespmem:$0x1AAC0] =	vst v63  }
.Ltmp15:
0x23e: {  	(pc) =	sbr.rel .LBB2_23-.Ltmp15, $4  }
0x23f: {  	_ =	swait.ge [sflag:s13], $0x1000  }
0x240: {  	[sflag:s13] =	ssyncset.done $0x0  }
0x241: {  	s6 =	sadd.s32 $0x1640, s6;
	s25 =	sadd.s32 $0x400, s25;
	[sflag:s13] =	ssyncadd.s32 $0xFFFFF000  }
0x242: {  	[tilespmem:s7], [sflag:$0x2] =	stream.indirect.gather [spmem:s2], $0x40, s6, s26, $0xb8;
	[tilespmem:$0x1AAC0] =	vst v63  }
.LBB2_25:
0x243: {  	_ =	swait.ge [sflag:s18], $0x1000  }
0x244: {  	[sflag:s18] =	ssyncset.done $0x0  }
0x245: {  	[sflag:s18] =	ssyncadd.s32 $0xFFFFF000  }
0x246: {  	_ =	swait.ge [sflag:s13], $0x1000  }
0x247: {  	[sflag:s13] =	ssyncset.done $0x0  }
0x248: {  	[sflag:s13] =	ssyncadd.s32 $0xFFFFF000  }
0x249: {  	_ =	swait.ge [sflag:s15], $0x1000  }
.Ltmp16:
0x24a: {  	[sflag:s15] =	ssyncset.done $0x0;
	(pc) =	sbr.rel @p1 .LBB2_29-.Ltmp16, $4  }
0x24b: {  	[sflag:s15] =	ssyncadd.s32 $0xFFFFF000  }
0x24c: {  	_ =	swait.ge [sflag:s30], $0x1000  }
0x24d: {  	[sflag:s30] =	ssyncset.done $0x0  }
0x24e: {  	s6 =	simm.s32 $0x50;
	s11 =	simm.s32 $0x10;
	[sflag:s30] =	ssyncadd.s32 $0xFFFFF000  }
0x24f: {  	_ =	swait.ge [sflag:s19], $0x40  }
0x250: {  	s6 =	sadd.s32 $0xFFFFFFFF, s6;
	[sflag:s19] =	ssyncset.done $0x0  }
.LBB2_27:
0x251: {  	p3 =	sne.s32 s6, $0x1;
	s6 =	sadd.s32 $0xFFFFFFFF, s6;
	[sflag:s19] =	ssyncadd.s32 $0xFFFFFFC0  }
.Ltmp17:
0x252: {  	(pc) =	sbr.rel @p3 .LBB2_27-.Ltmp17, $3  }
0x253: {  	_ =	sdelay $0x1  }
0x254: {  	_ =	swait.ge [sflag:s19], $0x40  }
0x255: {  	[sflag:s19] =	ssyncset.done $0x0  }
.Ltmp18:
0x256: {  	_ = 	snop;
	(pc) =	sbr.rel .LBB2_28-.Ltmp18, $1  }
0x257: {  	_ =	sdelay $0x3  }
.LBB2_30:
0x258: {  	_ =	sfence.sel $0x180000  }
0x259: {  	[bflag:$0x0] =	sbarrier.arrive $0xFFFF  }
0x25a: {  	_ =	strace $0x90000047  }
0x25b: {  	s0 =	stileid.u32;
	[bflag:$0x2] =	sbarrier.arrive $0xFFFF  }
0x25c: {  	p0 =	sne.s32 s0, $0x0;
	s0 =	rddreg [dreg:$0x5]  }
0x25d: {  	s0 =	sadd.s32 @!p0 $0x100000, s0  }
0x25e: {  	[sflag:s0] =	ssyncadd.tile.s32 @!p0 $0x1;
	_ =	shalt  }
.Lfunc_end2:
_tile_overlayer_lowered:
.L_overlay_start_2:
0x25f: {  	(tag) =	ssettag $0x2  }
0x260: {  	s0 =	rddreg [dreg:$0x0];
	s2 =	stileid.u32  }
0x261: {  	s1 =	rddreg [dreg:$0x1];
	p0 =	sne.s32 s2, $0x0  }
0x262: {  	s3 =	rddreg [dreg:$0x2];
	[bflag:$0x3] =	sbarrier.arrive $0xFFFF;
	s2 =	simm.s32 @!p0 $0x1C0A  }
0x263: {  	[timem:s3], [sflag:s2] =	dma.local @!p0 [hbm:s0], s1  }
0x264: {  	s0 =	simm.s32 @!p0 $0xA  }
0x265: {  	_ =	swait.ge @!p0 [sflag:s0], s1  }
0x266: {  	s1 =	ssub.s32 @!p0 $0x0, s1;
	[sflag:s0] =	ssyncset.done @!p0 $0x0  }
0x267: {  	[sflag:s0] =	ssyncadd.s32 @!p0 s1  }
0x268: {  	[bflag:$0x3] =	sbarrier.arrive $0xFFFF  }
0x269: {  	_ =	shalt  }

</sc_bundles>
